<compile_context>
chip_gen: v7x
topology: tpu7x:2x2x1
jax: 0.10.2.dev20260603
libtpu: 0.0.44.dev20260713+nightly
codegen_flags: <defaults>
</compile_context>

<pallas_src>
import functools

import jax
import jax.numpy as jnp
from jax import lax
from jax.experimental import pallas as pl
from jax.experimental.pallas import tpu as pltpu
from jax.experimental.pallas import tpu_sc as plsc

N_PROD = 50000
D_IN = 32
D_H = 64
N_OUT = 100
N_EDGE = 800000
CHUNK = 128
N_SUB = 16
N_PAD = 50048
ROWS_PER_TILE = N_PAD // N_SUB
EDGE_ROWS = N_EDGE // CHUNK
RING = 6
IBLK = 2
IHALVES = 6
IROT = IHALVES * IBLK


def _feat_body(ei_rt, x_dem, ei_s, x_prod, zeros32, zeros1, ones_h,
               sum_rt, cnt_rt, sum_s, cnt_s,
               acc, cnt1, rows, idx_sd, ones1, semG, semA, semI):
    cid = lax.axis_index("c")
    sid = lax.axis_index("s")
    arow0 = sid * ROWS_PER_TILE
    n_c = jnp.where(sid < 5, 392, 390)
    row0 = 390 * sid + 2 * jnp.minimum(sid, 5)
    nblk = n_c // IBLK

    pltpu.sync_copy(zeros32, acc.at[pl.ds(arow0, ROWS_PER_TILE)])
    pltpu.sync_copy(zeros1, cnt1.at[pl.ds(arow0, ROWS_PER_TILE)])
    pltpu.sync_copy(ones_h, ones1)
    plsc.subcore_barrier()

    def run(ei3, xsrc_hbm, out_hbm, cnt_hbm):
        def idx_load(blk):
            half = blk % IHALVES
            pltpu.async_copy(ei3.at[:, pl.ds(row0 + blk * IBLK, IBLK)],
                             idx_sd.at[half], semI)

        def idx_wait():
            pltpu.make_async_copy(ei3.at[:, pl.ds(row0, IBLK)],
                                  idx_sd.at[0], semI).wait()

        def add_wait():
            pltpu.make_async_copy(rows.at[0], acc.at[idx_sd.at[0, 1, 0]],
                                  semA).wait()
            pltpu.make_async_copy(ones1, cnt1.at[idx_sd.at[0, 1, 0]],
                                  semA).wait()

        for b in range(5):
            idx_load(b)
        idx_wait()
        idx_wait()
        for j in range(RING - 2):
            pltpu.async_copy(xsrc_hbm.at[idx_sd.at[j // IBLK, 0, j % IBLK]],
                             rows.at[j], semG)

        def body(c, carry):
            half = (c // IBLK) % IHALVES
            j = c % IBLK
            slot = c % RING
            pltpu.make_async_copy(xsrc_hbm.at[idx_sd.at[half, 0, j]],
                                  rows.at[slot], semG).wait()
            pltpu.async_copy(rows.at[slot], acc.at[idx_sd.at[half, 1, j]],
                             semA, add=True)
            pltpu.async_copy(ones1, cnt1.at[idx_sd.at[half, 1, j]], semA,
                             add=True)

            @pl.when(c >= 2)
            def _():
                add_wait()

            odd = c % 2 == 1

            @pl.when(odd & (c + RING - 2 < n_c))
            def _():
                idx_wait()

            @pl.when(c + RING - 2 < n_c)
            def _():
                n = c + RING - 2
                pltpu.async_copy(
                    xsrc_hbm.at[idx_sd.at[(n // IBLK) % IHALVES, 0, n % IBLK]],
                    rows.at[n % RING], semG)

            @pl.when(odd & ((c - 1) // 2 + 5 < nblk))
            def _():
                idx_load((c - 1) // 2 + 5)

            return carry

        lax.fori_loop(0, n_c, body, 0)
        add_wait()
        add_wait()
        plsc.subcore_barrier()
        pltpu.sync_copy(acc.at[pl.ds(arow0, ROWS_PER_TILE)],
                        out_hbm.at[pl.ds(arow0, ROWS_PER_TILE)])
        pltpu.sync_copy(cnt1.at[pl.ds(arow0, ROWS_PER_TILE)],
                        cnt_hbm.at[pl.ds(arow0, ROWS_PER_TILE)])

    @pl.when(cid == 0)
    def _():
        run(ei_rt, x_dem, sum_rt, cnt_rt)

    @pl.when(cid == 1)
    def _():
        run(ei_s, x_prod, sum_s, cnt_s)


@functools.partial(jax.jit, static_argnames=())
def _segment_sums(ei_rt, x_dem, ei_s, x_prod):
    zeros32 = jnp.zeros((ROWS_PER_TILE, D_IN), jnp.float32)
    zeros1 = jnp.zeros((ROWS_PER_TILE,), jnp.float32)
    ones_h = jnp.ones((CHUNK,), jnp.float32)
    mesh = plsc.VectorSubcoreMesh(core_axis_name="c", subcore_axis_name="s")
    feat = pl.kernel(
        _feat_body,
        out_type=[
            jax.ShapeDtypeStruct((N_PAD, D_IN), jnp.float32),
            jax.ShapeDtypeStruct((N_PAD,), jnp.float32),
            jax.ShapeDtypeStruct((N_PAD, D_IN), jnp.float32),
            jax.ShapeDtypeStruct((N_PAD,), jnp.float32),
        ],
        mesh=mesh,
        scratch_types=[
            pltpu.VMEM_SHARED((N_PAD, D_IN), jnp.float32),
            pltpu.VMEM_SHARED((N_PAD,), jnp.float32),
            pltpu.VMEM((RING, CHUNK, D_IN), jnp.float32),
            pltpu.VMEM((IHALVES, 2, IBLK, CHUNK), jnp.int32),
            pltpu.VMEM((CHUNK,), jnp.float32),
            pltpu.SemaphoreType.DMA,
            pltpu.SemaphoreType.DMA,
            pltpu.SemaphoreType.DMA,
        ],
        compiler_params=pltpu.CompilerParams(use_tc_tiling_on_sc=False),
    )
    return feat(ei_rt, x_dem, ei_s, x_prod, zeros32, zeros1, ones_h)


def _dense_body(s1p, cnt1, s2p, cnt2, xpp, w1, w2, wr, e4, bl, wlin, blin,
                out):
    scale1 = jnp.dot(1.0 / jnp.maximum(cnt1[...], 1.0), e4[...],
                     preferred_element_type=jnp.float32)
    scale2 = jnp.dot(1.0 / jnp.maximum(cnt2[...], 1.0), e4[...],
                     preferred_element_type=jnp.float32)
    t = (jnp.dot(s1p[...], w1[...], preferred_element_type=jnp.float32)
         * scale1
         + jnp.dot(s2p[...], w2[...], preferred_element_type=jnp.float32)
         * scale2
         + jnp.dot(xpp[...], wr[...], preferred_element_type=jnp.float32))
    h = (t + bl[...]) * 0.5
    h = jnp.where(h >= 0, h, 0.01 * h)
    out[...] = jnp.dot(h, wlin[...],
                       preferred_element_type=jnp.float32) + blin[...]


def _kron4(w):
    z = jnp.zeros_like(w)
    r1 = jnp.concatenate([w, z, z, z], axis=1)
    r2 = jnp.concatenate([z, w, z, z], axis=1)
    r3 = jnp.concatenate([z, z, w, z], axis=1)
    r4 = jnp.concatenate([z, z, z, w], axis=1)
    return jnp.concatenate([r1, r2, r3, r4], axis=0)


def _dense(sum_rt, cnt_rt, sum_s, cnt_s, xp, wl_rt, wl_s, wr_rt, wr_s,
           bl_rt, bl_s, wlin, blin):
    rows = N_PAD // 4
    blk = rows // 23
    grid = (23,)
    spec = lambda w: pl.BlockSpec((blk, w), lambda i: (i, 0))
    full = lambda a, b: pl.BlockSpec((a, b), lambda i: (0, 0))
    w1 = _kron4(wl_rt)
    w2 = _kron4(wl_s)
    wr = _kron4(wr_rt + wr_s)
    wlin4 = _kron4(wlin)
    e4 = jnp.repeat(jnp.eye(4, dtype=jnp.float32), D_H, axis=1)
    bl = jnp.tile(bl_rt + bl_s, 4).reshape(1, 4 * D_H)
    bl4 = jnp.tile(blin, 4).reshape(1, 4 * N_OUT)
    outp = pl.pallas_call(
        _dense_body,
        grid=grid,
        in_specs=[
            spec(4 * D_IN), spec(4), spec(4 * D_IN), spec(4), spec(4 * D_IN),
            full(4 * D_IN, 4 * D_H), full(4 * D_IN, 4 * D_H),
            full(4 * D_IN, 4 * D_H), full(4, 4 * D_H),
            full(1, 4 * D_H), full(4 * D_H, 4 * N_OUT), full(1, 4 * N_OUT),
        ],
        out_specs=spec(4 * N_OUT),
        out_shape=jax.ShapeDtypeStruct((N_PROD // 4, 4 * N_OUT), jnp.float32),
    )(sum_rt.reshape(rows, 4 * D_IN), cnt_rt.reshape(rows, 4),
      sum_s.reshape(rows, 4 * D_IN), cnt_s.reshape(rows, 4),
      xp.reshape(N_PROD // 4, 4 * D_IN), w1, w2, wr, e4, bl, wlin4, bl4)
    return outp.reshape(N_PROD, N_OUT)


def kernel(x_product, x_demographic, x_platform, edge_index_targets,
           edge_index_rev_targets, edge_index_uses, edge_index_rev_uses,
           edge_index_self,
           Wl_t, bl_t, Wr_t,
           Wl_rt, bl_rt, Wr_rt,
           Wl_u, bl_u, Wr_u,
           Wl_ru, bl_ru, Wr_ru,
           Wl_s, bl_s, Wr_s,
           W_lin, b_lin):
    ei_rt = edge_index_rev_targets.reshape(2, EDGE_ROWS, CHUNK)
    ei_s = edge_index_self.reshape(2, EDGE_ROWS, CHUNK)
    sum_rt, cnt_rt, sum_s, cnt_s = _segment_sums(
        ei_rt, x_demographic, ei_s, x_product)
    return _dense(sum_rt, cnt_rt, sum_s, cnt_s, x_product,
                  Wl_rt, Wl_s, Wr_rt, Wr_s, bl_rt, bl_s, W_lin, b_lin)

# --- scband reference (transcript-rebuilt; emitter-appended) ---
"""Pipeline reference for scband-marketing-gnn-71004399338030 (READ-ONLY COPY).

The authoritative reference and input builder live on the scoring server;
editing this copy changes nothing except your own understanding.
"""

import jax, jax.numpy as jnp
import numpy as np


def _sage(x_src, x_dst, ei, Wl, bl, Wr):
    # PyG SAGEConv with mean aggregation: lin_l(mean_j x_src[j]) + lin_r(x_dst)
    src = ei[0]
    dst = ei[1]
    msgs = jnp.take(x_src, src, axis=0)
    n = x_dst.shape[0]
    s = jax.ops.segment_sum(msgs, dst, num_segments=n)
    c = jax.ops.segment_sum(jnp.ones((ei.shape[1],), dtype=x_src.dtype), dst, num_segments=n)
    mean = s / jnp.maximum(c, 1.0)[:, None]
    return mean @ Wl + bl + x_dst @ Wr


def _edge_index(key, n_src, n_dst, e):
    k1, k2 = jax.random.split(key)
    return jnp.stack([
        jax.random.randint(k1, (e,), 0, n_src),
        jax.random.randint(k2, (e,), 0, n_dst),
    ]).astype(jnp.int32)


def setup_inputs(seed: int = 0):
    key = jax.random.key(seed)
    ks = jax.random.split(key, 32)
    Np, Nd, Npl = 50000, 10000, 100
    d_in, d_h, num_platforms = 32, 64, 100
    inp = {}
    inp['x_product'] = jax.random.normal(ks[0], (Np, d_in), jnp.float32)
    inp['x_demographic'] = jax.random.normal(ks[1], (Nd, d_in), jnp.float32)
    inp['x_platform'] = jax.random.normal(ks[2], (Npl, d_in), jnp.float32)
    inp['edge_index_targets'] = _edge_index(ks[3], Np, Nd, 800000)
    inp['edge_index_rev_targets'] = _edge_index(ks[4], Nd, Np, 800000)
    inp['edge_index_uses'] = _edge_index(ks[5], Nd, Npl, 320000)
    inp['edge_index_rev_uses'] = _edge_index(ks[6], Npl, Nd, 320000)
    inp['edge_index_self'] = _edge_index(ks[7], Np, Np, 800000)
    # Per-relation SAGEConv params: Wl [32,64] + bias [64] (lin_l), Wr [32,64] (lin_r, no bias)
    names = ['t', 'rt', 'u', 'ru', 's']
    for i, nm in enumerate(names):
        inp['Wl_' + nm] = jax.random.normal(ks[8 + 3 * i], (d_in, d_h), jnp.float32) * 0.1
        inp['bl_' + nm] = jnp.zeros((d_h,), jnp.float32)
        inp['Wr_' + nm] = jax.random.normal(ks[9 + 3 * i], (d_in, d_h), jnp.float32) * 0.1
    inp['W_lin'] = jax.random.normal(ks[30], (d_h, num_platforms), jnp.float32) * 0.1
    inp['b_lin'] = jnp.zeros((num_platforms,), jnp.float32)
    return inp


def reference(x_product, x_demographic, x_platform,
              edge_index_targets, edge_index_rev_targets, edge_index_uses,
              edge_index_rev_uses, edge_index_self,
              Wl_t, bl_t, Wr_t,
              Wl_rt, bl_rt, Wr_rt,
              Wl_u, bl_u, Wr_u,
              Wl_ru, bl_ru, Wr_ru,
              Wl_s, bl_s, Wr_s,
              W_lin, b_lin):
    out_dem1 = _sage(x_product, x_demographic, edge_index_targets, Wl_t, bl_t, Wr_t)
    out_prod1 = _sage(x_demographic, x_product, edge_index_rev_targets, Wl_rt, bl_rt, Wr_rt)
    out_plat = _sage(x_demographic, x_platform, edge_index_uses, Wl_u, bl_u, Wr_u)
    out_dem2 = _sage(x_platform, x_demographic, edge_index_rev_uses, Wl_ru, bl_ru, Wr_ru)
    out_prod2 = _sage(x_product, x_product, edge_index_self, Wl_s, bl_s, Wr_s)
    # HeteroConv aggr='mean' across relations sharing a dst node type
    h_prod = (out_prod1 + out_prod2) / 2.0
    h_dem = (out_dem1 + out_dem2) / 2.0
    h_plat = out_plat
    lrelu = lambda v: jnp.where(v >= 0, v, 0.01 * v)
    h_prod = lrelu(h_prod)
    h_dem = lrelu(h_dem)
    h_plat = lrelu(h_plat)
    return h_prod @ W_lin + b_lin

if __name__ == "__main__":
    import jax
    _d = setup_inputs()
    print(jax.jit(kernel)(*tuple(_d.values())))

</pallas_src>

<mosaic_0001>
#map = affine_map<(d0, d1) -> (0, 0, 0)>
#map1 = affine_map<(d0, d1) -> (0, 0)>
#map2 = affine_map<(d0, d1) -> (0)>
module attributes {stable_mosaic.version = 14 : i64} {
  func.func @_feat_body(%arg0: i32, %arg1: i32, %arg2: memref<2x6250x128xi32, #tpu.memory_space<hbm>>, %arg3: memref<10000x32xf32, #tpu.memory_space<hbm>>, %arg4: memref<2x6250x128xi32, #tpu.memory_space<hbm>>, %arg5: memref<50000x32xf32, #tpu.memory_space<hbm>>, %arg6: memref<3128x32xf32, #tpu.memory_space<hbm>>, %arg7: memref<3128xf32, #tpu.memory_space<hbm>>, %arg8: memref<128xf32, #tpu.memory_space<hbm>>, %arg9: memref<50048x32xf32, #tpu.memory_space<hbm>>, %arg10: memref<50048xf32, #tpu.memory_space<hbm>>, %arg11: memref<50048x32xf32, #tpu.memory_space<hbm>>, %arg12: memref<50048xf32, #tpu.memory_space<hbm>>, %arg13: memref<50048x32xf32, #tpu.memory_space<vmem_shared>>, %arg14: memref<50048xf32, #tpu.memory_space<vmem_shared>>, %arg15: memref<6x128x32xf32, #tpu.memory_space<vmem>>, %arg16: memref<6x2x2x128xi32, #tpu.memory_space<vmem>>, %arg17: memref<128xf32, #tpu.memory_space<vmem>>, %arg18: memref<!tpu.dma_semaphore, #tpu.memory_space<semaphore_mem>>, %arg19: memref<!tpu.dma_semaphore, #tpu.memory_space<semaphore_mem>>, %arg20: memref<!tpu.dma_semaphore, #tpu.memory_space<semaphore_mem>>) attributes {dimension_semantics = [#tpu.dimension_semantics<core_parallel>, #tpu.dimension_semantics<subcore_parallel>], iteration_bounds = array<i64: 2, 16>, scalar_prefetch = 0 : i64, scratch_operands = 8 : i64, tpu.core_type = #tpu.core_type<sc_vector_subcore>, window_params = [{transform_indices = #map}, {transform_indices = #map1}, {transform_indices = #map}, {transform_indices = #map1}, {transform_indices = #map1}, {transform_indices = #map2}, {transform_indices = #map2}, {transform_indices = #map1}, {transform_indices = #map2}, {transform_indices = #map1}, {transform_indices = #map2}]} {
    %mul3A = arith.constant 3128 : i32
    %mul3A_0 = arith.muli %arg1, %mul3A : i32
    %lt3A = arith.constant 5 : i32
    %lt3A_1 = arith.cmpi slt, %arg1, %lt3A : i32
    %jit3A = arith.constant 392 : i32
    %jit3A_2 = arith.constant 390 : i32
    %select_n3A = arith.select %lt3A_1, %jit3A, %jit3A_2 : i32
    %mul3A_3 = arith.constant 390 : i32
    %mul3A_4 = arith.muli %mul3A_3, %arg1 : i32
    %min3A = arith.constant 5 : i32
    %min3A_5 = arith.minsi %arg1, %min3A : i32
    %mul3A_6 = arith.constant 2 : i32
    %mul3A_7 = arith.muli %mul3A_6, %min3A_5 : i32
    %add3A = arith.addi %mul3A_4, %mul3A_7 : i32
    %jit3A_8 = arith.constant 2 : i32
    %div3A = arith.divsi %select_n3A, %jit3A_8 : i32
    %sign3A = arith.constant 0 : i32
    %sign3A_9 = arith.cmpi sgt, %select_n3A, %sign3A : i32
    %sign3A_10 = arith.extui %sign3A_9 : i1 to i32
    %sign3A_11 = arith.constant 0 : i32
    %sign3A_12 = arith.cmpi slt, %select_n3A, %sign3A_11 : i32
    %sign3A_13 = arith.extui %sign3A_12 : i1 to i32
    %sign3A_14 = arith.subi %sign3A_10, %sign3A_13 : i32
    %sign3A_15 = arith.constant 0 : i32
    %sign3A_16 = arith.cmpi sgt, %jit3A_8, %sign3A_15 : i32
    %sign3A_17 = arith.extui %sign3A_16 : i1 to i32
    %sign3A_18 = arith.constant 0 : i32
    %sign3A_19 = arith.cmpi slt, %jit3A_8, %sign3A_18 : i32
    %sign3A_20 = arith.extui %sign3A_19 : i1 to i32
    %sign3A_21 = arith.subi %sign3A_17, %sign3A_20 : i32
    %ne3A = arith.cmpi ne, %sign3A_14, %sign3A_21 : i32
    %rem3A = arith.remsi %select_n3A, %jit3A_8 : i32
    %ne3A_22 = arith.constant 0 : i32
    %ne3A_23 = arith.cmpi ne, %rem3A, %ne3A_22 : i32
    %and3A = arith.andi %ne3A, %ne3A_23 : i1
    %sub3A = arith.constant 1 : i32
    %sub3A_24 = arith.subi %div3A, %sub3A : i32
    %select_n3A_25 = arith.select %and3A, %sub3A_24, %div3A : i32
    "tpu.region"() ({
      %run_scoped3A = tpu.sem_alloc : memref<!tpu.dma_semaphore, #tpu.memory_space<semaphore_mem>>
      %dma_start3A = arith.constant 0 : i32
      %dma_start3A_33 = tpu.memref_slice %arg13[%mul3A_0, %dma_start3A] : memref<50048x32xf32, #tpu.memory_space<vmem_shared>> -> memref<3128x32xf32, #tpu.memory_space<vmem_shared>>
      tpu.enqueue_dma source(%arg6 : memref<3128x32xf32, #tpu.memory_space<hbm>>) target(%dma_start3A_33 : memref<3128x32xf32, #tpu.memory_space<vmem_shared>>) target_semaphore(%run_scoped3A : memref<!tpu.dma_semaphore, #tpu.memory_space<semaphore_mem>>)
      %dma_wait3A = arith.constant 0 : i32
      %dma_wait3A_34 = tpu.memref_slice %arg13[%mul3A_0, %dma_wait3A] : memref<50048x32xf32, #tpu.memory_space<vmem_shared>> -> memref<3128x32xf32, #tpu.memory_space<vmem_shared>>
      tpu.wait_dma2 semaphore(%run_scoped3A : memref<!tpu.dma_semaphore, #tpu.memory_space<semaphore_mem>>) src(%arg6 : memref<3128x32xf32, #tpu.memory_space<hbm>>) dst(%dma_wait3A_34 : memref<3128x32xf32, #tpu.memory_space<vmem_shared>>)
      tpu.yield
    }) : () -> ()
    "tpu.region"() ({
      %run_scoped3A = tpu.sem_alloc : memref<!tpu.dma_semaphore, #tpu.memory_space<semaphore_mem>>
      %dma_start3A = tpu.memref_slice %arg14[%mul3A_0] : memref<50048xf32, #tpu.memory_space<vmem_shared>> -> memref<3128xf32, #tpu.memory_space<vmem_shared>>
      tpu.enqueue_dma source(%arg7 : memref<3128xf32, #tpu.memory_space<hbm>>) target(%dma_start3A : memref<3128xf32, #tpu.memory_space<vmem_shared>>) target_semaphore(%run_scoped3A : memref<!tpu.dma_semaphore, #tpu.memory_space<semaphore_mem>>)
      %dma_wait3A = tpu.memref_slice %arg14[%mul3A_0] : memref<50048xf32, #tpu.memory_space<vmem_shared>> -> memref<3128xf32, #tpu.memory_space<vmem_shared>>
      tpu.wait_dma2 semaphore(%run_scoped3A : memref<!tpu.dma_semaphore, #tpu.memory_space<semaphore_mem>>) src(%arg7 : memref<3128xf32, #tpu.memory_space<hbm>>) dst(%dma_wait3A : memref<3128xf32, #tpu.memory_space<vmem_shared>>)
      tpu.yield
    }) : () -> ()
    "tpu.region"() ({
      %run_scoped3A = tpu.sem_alloc : memref<!tpu.dma_semaphore, #tpu.memory_space<semaphore_mem>>
      tpu.enqueue_dma source(%arg8 : memref<128xf32, #tpu.memory_space<hbm>>) target(%arg17 : memref<128xf32, #tpu.memory_space<vmem>>) target_semaphore(%run_scoped3A : memref<!tpu.dma_semaphore, #tpu.memory_space<semaphore_mem>>)
      tpu.wait_dma2 semaphore(%run_scoped3A : memref<!tpu.dma_semaphore, #tpu.memory_space<semaphore_mem>>) src(%arg8 : memref<128xf32, #tpu.memory_space<hbm>>) dst(%arg17 : memref<128xf32, #tpu.memory_space<vmem>>)
      tpu.yield
    }) : () -> ()
    %barrier3A = arith.constant 0 : index
    tpu.barrier barrier_id(%barrier3A)
    %eq3A = arith.constant 0 : i32
    %eq3A_26 = arith.cmpi eq, %arg0, %eq3A : i32
    %convert_element_type3A = arith.extui %eq3A_26 : i1 to i32
    %cond3A = arith.constant 0 : i32
    %cond3A_27 = arith.cmpi ne, %convert_element_type3A, %cond3A : i32
    scf.if %cond3A_27 {
      %add3A_33 = arith.constant 0 : i32
      %add3A_34 = arith.addi %add3A, %add3A_33 : i32
      %dma_start3A = arith.constant 0 : i32
      %dma_start3A_35 = arith.constant 0 : i32
      %dma_start3A_36 = arith.constant 0 : i32
      %dma_start3A_37 = arith.constant 0 : i32
      %dma_start3A_38 = tpu.memref_slice %arg16[%dma_start3A, %dma_start3A_35, %dma_start3A_36, %dma_start3A_37] : memref<6x2x2x128xi32, #tpu.memory_space<vmem>> -> memref<1x2x2x128xi32, #tpu.memory_space<vmem>>
      %dma_start3A_39 = tpu.memref_squeeze %dma_start3A_38 : memref<1x2x2x128xi32, #tpu.memory_space<vmem>> -> memref<2x2x128xi32, #tpu.memory_space<vmem>>
      %dma_start3A_40 = arith.constant 0 : i32
      %dma_start3A_41 = arith.constant 0 : i32
      %dma_start3A_42 = tpu.memref_slice %arg2[%dma_start3A_40, %add3A_34, %dma_start3A_41] : memref<2x6250x128xi32, #tpu.memory_space<hbm>> -> memref<2x2x128xi32, #tpu.memory_space<hbm>>
      %dma_start3A_43 = arith.constant 0 : i32
      %dma_start3A_44 = arith.constant 0 : i32
      %dma_start3A_45 = arith.constant 0 : i32
      %dma_start3A_46 = tpu.memref_slice %arg16[%dma_start3A, %dma_start3A_43, %dma_start3A_44, %dma_start3A_45] : memref<6x2x2x128xi32, #tpu.memory_space<vmem>> -> memref<1x2x2x128xi32, #tpu.memory_space<vmem>>
      %dma_start3A_47 = tpu.memref_squeeze %dma_start3A_46 : memref<1x2x2x128xi32, #tpu.memory_space<vmem>> -> memref<2x2x128xi32, #tpu.memory_space<vmem>>
      %dma_start3A_48 = arith.constant 0 : i32
      %dma_start3A_49 = arith.constant 0 : i32
      %dma_start3A_50 = tpu.memref_slice %arg2[%dma_start3A_48, %add3A_34, %dma_start3A_49] : memref<2x6250x128xi32, #tpu.memory_space<hbm>> -> memref<2x2x128xi32, #tpu.memory_space<hbm>>
      tpu.enqueue_dma source(%dma_start3A_50 : memref<2x2x128xi32, #tpu.memory_space<hbm>>) target(%dma_start3A_47 : memref<2x2x128xi32, #tpu.memory_space<vmem>>) target_semaphore(%arg20 : memref<!tpu.dma_semaphore, #tpu.memory_space<semaphore_mem>>)
      %add3A_51 = arith.constant 2 : i32
      %add3A_52 = arith.addi %add3A, %add3A_51 : i32
      %dma_start3A_53 = arith.constant 1 : i32
      %dma_start3A_54 = arith.constant 0 : i32
      %dma_start3A_55 = arith.constant 0 : i32
      %dma_start3A_56 = arith.constant 0 : i32
      %dma_start3A_57 = tpu.memref_slice %arg16[%dma_start3A_53, %dma_start3A_54, %dma_start3A_55, %dma_start3A_56] : memref<6x2x2x128xi32, #tpu.memory_space<vmem>> -> memref<1x2x2x128xi32, #tpu.memory_space<vmem>>
      %dma_start3A_58 = tpu.memref_squeeze %dma_start3A_57 : memref<1x2x2x128xi32, #tpu.memory_space<vmem>> -> memref<2x2x128xi32, #tpu.memory_space<vmem>>
      %dma_start3A_59 = arith.constant 0 : i32
      %dma_start3A_60 = arith.constant 0 : i32
      %dma_start3A_61 = tpu.memref_slice %arg2[%dma_start3A_59, %add3A_52, %dma_start3A_60] : memref<2x6250x128xi32, #tpu.memory_space<hbm>> -> memref<2x2x128xi32, #tpu.memory_space<hbm>>
      %dma_start3A_62 = arith.constant 0 : i32
      %dma_start3A_63 = arith.constant 0 : i32
      %dma_start3A_64 = arith.constant 0 : i32
      %dma_start3A_65 = tpu.memref_slice %arg16[%dma_start3A_53, %dma_start3A_62, %dma_start3A_63, %dma_start3A_64] : memref<6x2x2x128xi32, #tpu.memory_space<vmem>> -> memref<1x2x2x128xi32, #tpu.memory_space<vmem>>
      %dma_start3A_66 = tpu.memref_squeeze %dma_start3A_65 : memref<1x2x2x128xi32, #tpu.memory_space<vmem>> -> memref<2x2x128xi32, #tpu.memory_space<vmem>>
      %dma_start3A_67 = arith.constant 0 : i32
      %dma_start3A_68 = arith.constant 0 : i32
      %dma_start3A_69 = tpu.memref_slice %arg2[%dma_start3A_67, %add3A_52, %dma_start3A_68] : memref<2x6250x128xi32, #tpu.memory_space<hbm>> -> memref<2x2x128xi32, #tpu.memory_space<hbm>>
      tpu.enqueue_dma source(%dma_start3A_69 : memref<2x2x128xi32, #tpu.memory_space<hbm>>) target(%dma_start3A_66 : memref<2x2x128xi32, #tpu.memory_space<vmem>>) target_semaphore(%arg20 : memref<!tpu.dma_semaphore, #tpu.memory_space<semaphore_mem>>)
      %add3A_70 = arith.constant 4 : i32
      %add3A_71 = arith.addi %add3A, %add3A_70 : i32
      %dma_start3A_72 = arith.constant 2 : i32
      %dma_start3A_73 = arith.constant 0 : i32
      %dma_start3A_74 = arith.constant 0 : i32
      %dma_start3A_75 = arith.constant 0 : i32
      %dma_start3A_76 = tpu.memref_slice %arg16[%dma_start3A_72, %dma_start3A_73, %dma_start3A_74, %dma_start3A_75] : memref<6x2x2x128xi32, #tpu.memory_space<vmem>> -> memref<1x2x2x128xi32, #tpu.memory_space<vmem>>
      %dma_start3A_77 = tpu.memref_squeeze %dma_start3A_76 : memref<1x2x2x128xi32, #tpu.memory_space<vmem>> -> memref<2x2x128xi32, #tpu.memory_space<vmem>>
      %dma_start3A_78 = arith.constant 0 : i32
      %dma_start3A_79 = arith.constant 0 : i32
      %dma_start3A_80 = tpu.memref_slice %arg2[%dma_start3A_78, %add3A_71, %dma_start3A_79] : memref<2x6250x128xi32, #tpu.memory_space<hbm>> -> memref<2x2x128xi32, #tpu.memory_space<hbm>>
      %dma_start3A_81 = arith.constant 0 : i32
      %dma_start3A_82 = arith.constant 0 : i32
      %dma_start3A_83 = arith.constant 0 : i32
      %dma_start3A_84 = tpu.memref_slice %arg16[%dma_start3A_72, %dma_start3A_81, %dma_start3A_82, %dma_start3A_83] : memref<6x2x2x128xi32, #tpu.memory_space<vmem>> -> memref<1x2x2x128xi32, #tpu.memory_space<vmem>>
      %dma_start3A_85 = tpu.memref_squeeze %dma_start3A_84 : memref<1x2x2x128xi32, #tpu.memory_space<vmem>> -> memref<2x2x128xi32, #tpu.memory_space<vmem>>
      %dma_start3A_86 = arith.constant 0 : i32
      %dma_start3A_87 = arith.constant 0 : i32
      %dma_start3A_88 = tpu.memref_slice %arg2[%dma_start3A_86, %add3A_71, %dma_start3A_87] : memref<2x6250x128xi32, #tpu.memory_space<hbm>> -> memref<2x2x128xi32, #tpu.memory_space<hbm>>
      tpu.enqueue_dma source(%dma_start3A_88 : memref<2x2x128xi32, #tpu.memory_space<hbm>>) target(%dma_start3A_85 : memref<2x2x128xi32, #tpu.memory_space<vmem>>) target_semaphore(%arg20 : memref<!tpu.dma_semaphore, #tpu.memory_space<semaphore_mem>>)
      %add3A_89 = arith.constant 6 : i32
      %add3A_90 = arith.addi %add3A, %add3A_89 : i32
      %dma_start3A_91 = arith.constant 3 : i32
      %dma_start3A_92 = arith.constant 0 : i32
      %dma_start3A_93 = arith.constant 0 : i32
      %dma_start3A_94 = arith.constant 0 : i32
      %dma_start3A_95 = tpu.memref_slice %arg16[%dma_start3A_91, %dma_start3A_92, %dma_start3A_93, %dma_start3A_94] : memref<6x2x2x128xi32, #tpu.memory_space<vmem>> -> memref<1x2x2x128xi32, #tpu.memory_space<vmem>>
      %dma_start3A_96 = tpu.memref_squeeze %dma_start3A_95 : memref<1x2x2x128xi32, #tpu.memory_space<vmem>> -> memref<2x2x128xi32, #tpu.memory_space<vmem>>
      %dma_start3A_97 = arith.constant 0 : i32
      %dma_start3A_98 = arith.constant 0 : i32
      %dma_start3A_99 = tpu.memref_slice %arg2[%dma_start3A_97, %add3A_90, %dma_start3A_98] : memref<2x6250x128xi32, #tpu.memory_space<hbm>> -> memref<2x2x128xi32, #tpu.memory_space<hbm>>
      %dma_start3A_100 = arith.constant 0 : i32
      %dma_start3A_101 = arith.constant 0 : i32
      %dma_start3A_102 = arith.constant 0 : i32
      %dma_start3A_103 = tpu.memref_slice %arg16[%dma_start3A_91, %dma_start3A_100, %dma_start3A_101, %dma_start3A_102] : memref<6x2x2x128xi32, #tpu.memory_space<vmem>> -> memref<1x2x2x128xi32, #tpu.memory_space<vmem>>
      %dma_start3A_104 = tpu.memref_squeeze %dma_start3A_103 : memref<1x2x2x128xi32, #tpu.memory_space<vmem>> -> memref<2x2x128xi32, #tpu.memory_space<vmem>>
      %dma_start3A_105 = arith.constant 0 : i32
      %dma_start3A_106 = arith.constant 0 : i32
      %dma_start3A_107 = tpu.memref_slice %arg2[%dma_start3A_105, %add3A_90, %dma_start3A_106] : memref<2x6250x128xi32, #tpu.memory_space<hbm>> -> memref<2x2x128xi32, #tpu.memory_space<hbm>>
      tpu.enqueue_dma source(%dma_start3A_107 : memref<2x2x128xi32, #tpu.memory_space<hbm>>) target(%dma_start3A_104 : memref<2x2x128xi32, #tpu.memory_space<vmem>>) target_semaphore(%arg20 : memref<!tpu.dma_semaphore, #tpu.memory_space<semaphore_mem>>)
      %add3A_108 = arith.constant 8 : i32
      %add3A_109 = arith.addi %add3A, %add3A_108 : i32
      %dma_start3A_110 = arith.constant 4 : i32
      %dma_start3A_111 = arith.constant 0 : i32
      %dma_start3A_112 = arith.constant 0 : i32
      %dma_start3A_113 = arith.constant 0 : i32
      %dma_start3A_114 = tpu.memref_slice %arg16[%dma_start3A_110, %dma_start3A_111, %dma_start3A_112, %dma_start3A_113] : memref<6x2x2x128xi32, #tpu.memory_space<vmem>> -> memref<1x2x2x128xi32, #tpu.memory_space<vmem>>
      %dma_start3A_115 = tpu.memref_squeeze %dma_start3A_114 : memref<1x2x2x128xi32, #tpu.memory_space<vmem>> -> memref<2x2x128xi32, #tpu.memory_space<vmem>>
      %dma_start3A_116 = arith.constant 0 : i32
      %dma_start3A_117 = arith.constant 0 : i32
      %dma_start3A_118 = tpu.memref_slice %arg2[%dma_start3A_116, %add3A_109, %dma_start3A_117] : memref<2x6250x128xi32, #tpu.memory_space<hbm>> -> memref<2x2x128xi32, #tpu.memory_space<hbm>>
      %dma_start3A_119 = arith.constant 0 : i32
      %dma_start3A_120 = arith.constant 0 : i32
      %dma_start3A_121 = arith.constant 0 : i32
      %dma_start3A_122 = tpu.memref_slice %arg16[%dma_start3A_110, %dma_start3A_119, %dma_start3A_120, %dma_start3A_121] : memref<6x2x2x128xi32, #tpu.memory_space<vmem>> -> memref<1x2x2x128xi32, #tpu.memory_space<vmem>>
      %dma_start3A_123 = tpu.memref_squeeze %dma_start3A_122 : memref<1x2x2x128xi32, #tpu.memory_space<vmem>> -> memref<2x2x128xi32, #tpu.memory_space<vmem>>
      %dma_start3A_124 = arith.constant 0 : i32
      %dma_start3A_125 = arith.constant 0 : i32
      %dma_start3A_126 = tpu.memref_slice %arg2[%dma_start3A_124, %add3A_109, %dma_start3A_125] : memref<2x6250x128xi32, #tpu.memory_space<hbm>> -> memref<2x2x128xi32, #tpu.memory_space<hbm>>
      tpu.enqueue_dma source(%dma_start3A_126 : memref<2x2x128xi32, #tpu.memory_space<hbm>>) target(%dma_start3A_123 : memref<2x2x128xi32, #tpu.memory_space<vmem>>) target_semaphore(%arg20 : memref<!tpu.dma_semaphore, #tpu.memory_space<semaphore_mem>>)
      %dma_wait3A = arith.constant 0 : i32
      %dma_wait3A_127 = arith.constant 0 : i32
      %dma_wait3A_128 = arith.constant 0 : i32
      %dma_wait3A_129 = arith.constant 0 : i32
      %dma_wait3A_130 = tpu.memref_slice %arg16[%dma_wait3A, %dma_wait3A_127, %dma_wait3A_128, %dma_wait3A_129] : memref<6x2x2x128xi32, #tpu.memory_space<vmem>> -> memref<1x2x2x128xi32, #tpu.memory_space<vmem>>
      %dma_wait3A_131 = tpu.memref_squeeze %dma_wait3A_130 : memref<1x2x2x128xi32, #tpu.memory_space<vmem>> -> memref<2x2x128xi32, #tpu.memory_space<vmem>>
      %dma_wait3A_132 = arith.constant 0 : i32
      %dma_wait3A_133 = arith.constant 0 : i32
      %dma_wait3A_134 = tpu.memref_slice %arg2[%dma_wait3A_132, %add3A, %dma_wait3A_133] : memref<2x6250x128xi32, #tpu.memory_space<hbm>> -> memref<2x2x128xi32, #tpu.memory_space<hbm>>
      %dma_wait3A_135 = arith.constant 0 : i32
      %dma_wait3A_136 = arith.constant 0 : i32
      %dma_wait3A_137 = arith.constant 0 : i32
      %dma_wait3A_138 = tpu.memref_slice %arg16[%dma_wait3A, %dma_wait3A_135, %dma_wait3A_136, %dma_wait3A_137] : memref<6x2x2x128xi32, #tpu.memory_space<vmem>> -> memref<1x2x2x128xi32, #tpu.memory_space<vmem>>
      %dma_wait3A_139 = tpu.memref_squeeze %dma_wait3A_138 : memref<1x2x2x128xi32, #tpu.memory_space<vmem>> -> memref<2x2x128xi32, #tpu.memory_space<vmem>>
      %dma_wait3A_140 = arith.constant 0 : i32
      %dma_wait3A_141 = arith.constant 0 : i32
      %dma_wait3A_142 = tpu.memref_slice %arg2[%dma_wait3A_140, %add3A, %dma_wait3A_141] : memref<2x6250x128xi32, #tpu.memory_space<hbm>> -> memref<2x2x128xi32, #tpu.memory_space<hbm>>
      tpu.wait_dma2 semaphore(%arg20 : memref<!tpu.dma_semaphore, #tpu.memory_space<semaphore_mem>>) src(%dma_wait3A_142 : memref<2x2x128xi32, #tpu.memory_space<hbm>>) dst(%dma_wait3A_139 : memref<2x2x128xi32, #tpu.memory_space<vmem>>)
      %dma_wait3A_143 = arith.constant 0 : i32
      %dma_wait3A_144 = arith.constant 0 : i32
      %dma_wait3A_145 = arith.constant 0 : i32
      %dma_wait3A_146 = arith.constant 0 : i32
      %dma_wait3A_147 = tpu.memref_slice %arg16[%dma_wait3A_143, %dma_wait3A_144, %dma_wait3A_145, %dma_wait3A_146] : memref<6x2x2x128xi32, #tpu.memory_space<vmem>> -> memref<1x2x2x128xi32, #tpu.memory_space<vmem>>
      %dma_wait3A_148 = tpu.memref_squeeze %dma_wait3A_147 : memref<1x2x2x128xi32, #tpu.memory_space<vmem>> -> memref<2x2x128xi32, #tpu.memory_space<vmem>>
      %dma_wait3A_149 = arith.constant 0 : i32
      %dma_wait3A_150 = arith.constant 0 : i32
      %dma_wait3A_151 = tpu.memref_slice %arg2[%dma_wait3A_149, %add3A, %dma_wait3A_150] : memref<2x6250x128xi32, #tpu.memory_space<hbm>> -> memref<2x2x128xi32, #tpu.memory_space<hbm>>
      %dma_wait3A_152 = arith.constant 0 : i32
      %dma_wait3A_153 = arith.constant 0 : i32
      %dma_wait3A_154 = arith.constant 0 : i32
      %dma_wait3A_155 = tpu.memref_slice %arg16[%dma_wait3A_143, %dma_wait3A_152, %dma_wait3A_153, %dma_wait3A_154] : memref<6x2x2x128xi32, #tpu.memory_space<vmem>> -> memref<1x2x2x128xi32, #tpu.memory_space<vmem>>
      %dma_wait3A_156 = tpu.memref_squeeze %dma_wait3A_155 : memref<1x2x2x128xi32, #tpu.memory_space<vmem>> -> memref<2x2x128xi32, #tpu.memory_space<vmem>>
      %dma_wait3A_157 = arith.constant 0 : i32
      %dma_wait3A_158 = arith.constant 0 : i32
      %dma_wait3A_159 = tpu.memref_slice %arg2[%dma_wait3A_157, %add3A, %dma_wait3A_158] : memref<2x6250x128xi32, #tpu.memory_space<hbm>> -> memref<2x2x128xi32, #tpu.memory_space<hbm>>
      tpu.wait_dma2 semaphore(%arg20 : memref<!tpu.dma_semaphore, #tpu.memory_space<semaphore_mem>>) src(%dma_wait3A_159 : memref<2x2x128xi32, #tpu.memory_space<hbm>>) dst(%dma_wait3A_156 : memref<2x2x128xi32, #tpu.memory_space<vmem>>)
      %dma_start3A_160 = arith.constant 0 : i32
      %dma_start3A_161 = arith.constant 0 : i32
      %dma_start3A_162 = arith.constant 0 : i32
      %dma_start3A_163 = arith.constant 0 : i32
      %dma_start3A_164 = arith.constant 0 : i32
      %dma_start3A_165 = arith.constant 0 : i32
      %dma_start3A_166 = tpu.memref_slice %arg15[%dma_start3A_163, %dma_start3A_164, %dma_start3A_165] : memref<6x128x32xf32, #tpu.memory_space<vmem>> -> memref<1x128x32xf32, #tpu.memory_space<vmem>>
      %dma_start3A_167 = tpu.memref_squeeze %dma_start3A_166 : memref<1x128x32xf32, #tpu.memory_space<vmem>> -> memref<128x32xf32, #tpu.memory_space<vmem>>
      %dma_start3A_168 = arith.constant 0 : i32
      %dma_start3A_169 = tpu.memref_slice %arg16[%dma_start3A_160, %dma_start3A_161, %dma_start3A_162, %dma_start3A_168] : memref<6x2x2x128xi32, #tpu.memory_space<vmem>> -> memref<1x1x1x128xi32, #tpu.memory_space<vmem>>
      %dma_start3A_170 = tpu.memref_squeeze %dma_start3A_169 : memref<1x1x1x128xi32, #tpu.memory_space<vmem>> -> memref<128xi32, #tpu.memory_space<vmem>>
      %dma_start3A_171 = arith.constant 0 : i32
      %dma_start3A_172 = arith.constant 0 : i32
      %dma_start3A_173 = tpu.memref_slice %arg3[%dma_start3A_171, %dma_start3A_172] : memref<10000x32xf32, #tpu.memory_space<hbm>> -> memref<10000x32xf32, #tpu.memory_space<hbm>>
      tpu.enqueue_indirect_dma source(%dma_start3A_173 : memref<10000x32xf32, #tpu.memory_space<hbm>>) target(%dma_start3A_167 : memref<128x32xf32, #tpu.memory_space<vmem>>) offsets(%dma_start3A_170 : memref<128xi32, #tpu.memory_space<vmem>>) semaphore(%arg18 : memref<!tpu.dma_semaphore, #tpu.memory_space<semaphore_mem>>)
      %dma_start3A_174 = arith.constant 0 : i32
      %dma_start3A_175 = arith.constant 0 : i32
      %dma_start3A_176 = arith.constant 1 : i32
      %dma_start3A_177 = arith.constant 1 : i32
      %dma_start3A_178 = arith.constant 0 : i32
      %dma_start3A_179 = arith.constant 0 : i32
      %dma_start3A_180 = tpu.memref_slice %arg15[%dma_start3A_177, %dma_start3A_178, %dma_start3A_179] : memref<6x128x32xf32, #tpu.memory_space<vmem>> -> memref<1x128x32xf32, #tpu.memory_space<vmem>>
      %dma_start3A_181 = tpu.memref_squeeze %dma_start3A_180 : memref<1x128x32xf32, #tpu.memory_space<vmem>> -> memref<128x32xf32, #tpu.memory_space<vmem>>
      %dma_start3A_182 = arith.constant 0 : i32
      %dma_start3A_183 = tpu.memref_slice %arg16[%dma_start3A_174, %dma_start3A_175, %dma_start3A_176, %dma_start3A_182] : memref<6x2x2x128xi32, #tpu.memory_space<vmem>> -> memref<1x1x1x128xi32, #tpu.memory_space<vmem>>
      %dma_start3A_184 = tpu.memref_squeeze %dma_start3A_183 : memref<1x1x1x128xi32, #tpu.memory_space<vmem>> -> memref<128xi32, #tpu.memory_space<vmem>>
      %dma_start3A_185 = arith.constant 0 : i32
      %dma_start3A_186 = arith.constant 0 : i32
      %dma_start3A_187 = tpu.memref_slice %arg3[%dma_start3A_185, %dma_start3A_186] : memref<10000x32xf32, #tpu.memory_space<hbm>> -> memref<10000x32xf32, #tpu.memory_space<hbm>>
      tpu.enqueue_indirect_dma source(%dma_start3A_187 : memref<10000x32xf32, #tpu.memory_space<hbm>>) target(%dma_start3A_181 : memref<128x32xf32, #tpu.memory_space<vmem>>) offsets(%dma_start3A_184 : memref<128xi32, #tpu.memory_space<vmem>>) semaphore(%arg18 : memref<!tpu.dma_semaphore, #tpu.memory_space<semaphore_mem>>)
      %dma_start3A_188 = arith.constant 1 : i32
      %dma_start3A_189 = arith.constant 0 : i32
      %dma_start3A_190 = arith.constant 0 : i32
      %dma_start3A_191 = arith.constant 2 : i32
      %dma_start3A_192 = arith.constant 0 : i32
      %dma_start3A_193 = arith.constant 0 : i32
      %dma_start3A_194 = tpu.memref_slice %arg15[%dma_start3A_191, %dma_start3A_192, %dma_start3A_193] : memref<6x128x32xf32, #tpu.memory_space<vmem>> -> memref<1x128x32xf32, #tpu.memory_space<vmem>>
      %dma_start3A_195 = tpu.memref_squeeze %dma_start3A_194 : memref<1x128x32xf32, #tpu.memory_space<vmem>> -> memref<128x32xf32, #tpu.memory_space<vmem>>
      %dma_start3A_196 = arith.constant 0 : i32
      %dma_start3A_197 = tpu.memref_slice %arg16[%dma_start3A_188, %dma_start3A_189, %dma_start3A_190, %dma_start3A_196] : memref<6x2x2x128xi32, #tpu.memory_space<vmem>> -> memref<1x1x1x128xi32, #tpu.memory_space<vmem>>
      %dma_start3A_198 = tpu.memref_squeeze %dma_start3A_197 : memref<1x1x1x128xi32, #tpu.memory_space<vmem>> -> memref<128xi32, #tpu.memory_space<vmem>>
      %dma_start3A_199 = arith.constant 0 : i32
      %dma_start3A_200 = arith.constant 0 : i32
      %dma_start3A_201 = tpu.memref_slice %arg3[%dma_start3A_199, %dma_start3A_200] : memref<10000x32xf32, #tpu.memory_space<hbm>> -> memref<10000x32xf32, #tpu.memory_space<hbm>>
      tpu.enqueue_indirect_dma source(%dma_start3A_201 : memref<10000x32xf32, #tpu.memory_space<hbm>>) target(%dma_start3A_195 : memref<128x32xf32, #tpu.memory_space<vmem>>) offsets(%dma_start3A_198 : memref<128xi32, #tpu.memory_space<vmem>>) semaphore(%arg18 : memref<!tpu.dma_semaphore, #tpu.memory_space<semaphore_mem>>)
      %dma_start3A_202 = arith.constant 1 : i32
      %dma_start3A_203 = arith.constant 0 : i32
      %dma_start3A_204 = arith.constant 1 : i32
      %dma_start3A_205 = arith.constant 3 : i32
      %dma_start3A_206 = arith.constant 0 : i32
      %dma_start3A_207 = arith.constant 0 : i32
      %dma_start3A_208 = tpu.memref_slice %arg15[%dma_start3A_205, %dma_start3A_206, %dma_start3A_207] : memref<6x128x32xf32, #tpu.memory_space<vmem>> -> memref<1x128x32xf32, #tpu.memory_space<vmem>>
      %dma_start3A_209 = tpu.memref_squeeze %dma_start3A_208 : memref<1x128x32xf32, #tpu.memory_space<vmem>> -> memref<128x32xf32, #tpu.memory_space<vmem>>
      %dma_start3A_210 = arith.constant 0 : i32
      %dma_start3A_211 = tpu.memref_slice %arg16[%dma_start3A_202, %dma_start3A_203, %dma_start3A_204, %dma_start3A_210] : memref<6x2x2x128xi32, #tpu.memory_space<vmem>> -> memref<1x1x1x128xi32, #tpu.memory_space<vmem>>
      %dma_start3A_212 = tpu.memref_squeeze %dma_start3A_211 : memref<1x1x1x128xi32, #tpu.memory_space<vmem>> -> memref<128xi32, #tpu.memory_space<vmem>>
      %dma_start3A_213 = arith.constant 0 : i32
      %dma_start3A_214 = arith.constant 0 : i32
      %dma_start3A_215 = tpu.memref_slice %arg3[%dma_start3A_213, %dma_start3A_214] : memref<10000x32xf32, #tpu.memory_space<hbm>> -> memref<10000x32xf32, #tpu.memory_space<hbm>>
      tpu.enqueue_indirect_dma source(%dma_start3A_215 : memref<10000x32xf32, #tpu.memory_space<hbm>>) target(%dma_start3A_209 : memref<128x32xf32, #tpu.memory_space<vmem>>) offsets(%dma_start3A_212 : memref<128xi32, #tpu.memory_space<vmem>>) semaphore(%arg18 : memref<!tpu.dma_semaphore, #tpu.memory_space<semaphore_mem>>)
      %while3A = arith.constant 0 : i32
      %while3A_216 = arith.constant 0 : i32
      %while3A_217 = arith.subi %select_n3A, %while3A_216 : i32
      %while3A_218 = arith.addi %while3A_216, %while3A_217 : i32
      %while3A_219 = arith.constant 1 : i32
      %while3A_220 = arith.divsi %while3A_217, %while3A_219 : i32
      %while3A_221 = arith.muli %while3A_220, %while3A_219 : i32
      %while3A_222 = arith.addi %while3A_216, %while3A_221 : i32
      %while3A_223 = arith.constant 1 : i32
      scf.for %while3A_270 = %while3A_216 to %while3A_222 step %while3A_223  : i32 {
        %jit3A_271 = arith.constant 2 : i32
        %div3A_272 = arith.divsi %while3A_270, %jit3A_271 : i32
        %sign3A_273 = arith.constant 0 : i32
        %sign3A_274 = arith.cmpi sgt, %while3A_270, %sign3A_273 : i32
        %sign3A_275 = arith.extui %sign3A_274 : i1 to i32
        %sign3A_276 = arith.constant 0 : i32
        %sign3A_277 = arith.cmpi slt, %while3A_270, %sign3A_276 : i32
        %sign3A_278 = arith.extui %sign3A_277 : i1 to i32
        %sign3A_279 = arith.subi %sign3A_275, %sign3A_278 : i32
        %sign3A_280 = arith.constant 0 : i32
        %sign3A_281 = arith.cmpi sgt, %jit3A_271, %sign3A_280 : i32
        %sign3A_282 = arith.extui %sign3A_281 : i1 to i32
        %sign3A_283 = arith.constant 0 : i32
        %sign3A_284 = arith.cmpi slt, %jit3A_271, %sign3A_283 : i32
        %sign3A_285 = arith.extui %sign3A_284 : i1 to i32
        %sign3A_286 = arith.subi %sign3A_282, %sign3A_285 : i32
        %ne3A_287 = arith.cmpi ne, %sign3A_279, %sign3A_286 : i32
        %rem3A_288 = arith.remsi %while3A_270, %jit3A_271 : i32
        %ne3A_289 = arith.constant 0 : i32
        %ne3A_290 = arith.cmpi ne, %rem3A_288, %ne3A_289 : i32
        %and3A_291 = arith.andi %ne3A_287, %ne3A_290 : i1
        %sub3A_292 = arith.constant 1 : i32
        %sub3A_293 = arith.subi %div3A_272, %sub3A_292 : i32
        %select_n3A_294 = arith.select %and3A_291, %sub3A_293, %div3A_272 : i32
        %jit3A_295 = arith.constant 6 : i32
        %eq3A_296 = arith.constant 0 : i32
        %eq3A_297 = arith.cmpi eq, %jit3A_295, %eq3A_296 : i32
        %jit3A_298 = arith.constant 1 : i32
        %select_n3A_299 = arith.select %eq3A_297, %jit3A_298, %jit3A_295 : i32
        %rem3A_300 = arith.remsi %select_n3A_294, %select_n3A_299 : i32
        %ne3A_301 = arith.constant 0 : i32
        %ne3A_302 = arith.cmpi ne, %rem3A_300, %ne3A_301 : i32
        %lt3A_303 = arith.constant 0 : i32
        %lt3A_304 = arith.cmpi slt, %rem3A_300, %lt3A_303 : i32
        %lt3A_305 = arith.constant 0 : i32
        %lt3A_306 = arith.cmpi slt, %select_n3A_299, %lt3A_305 : i32
        %ne3A_307 = arith.xori %lt3A_304, %lt3A_306 : i1
        %and3A_308 = arith.andi %ne3A_307, %ne3A_302 : i1
        %add3A_309 = arith.addi %rem3A_300, %select_n3A_299 : i32
        %select_n3A_310 = arith.select %and3A_308, %add3A_309, %rem3A_300 : i32
        %jit3A_311 = arith.constant 2 : i32
        %eq3A_312 = arith.constant 0 : i32
        %eq3A_313 = arith.cmpi eq, %jit3A_311, %eq3A_312 : i32
        %jit3A_314 = arith.constant 1 : i32
        %select_n3A_315 = arith.select %eq3A_313, %jit3A_314, %jit3A_311 : i32
        %rem3A_316 = arith.remsi %while3A_270, %select_n3A_315 : i32
        %ne3A_317 = arith.constant 0 : i32
        %ne3A_318 = arith.cmpi ne, %rem3A_316, %ne3A_317 : i32
        %lt3A_319 = arith.constant 0 : i32
        %lt3A_320 = arith.cmpi slt, %rem3A_316, %lt3A_319 : i32
        %lt3A_321 = arith.constant 0 : i32
        %lt3A_322 = arith.cmpi slt, %select_n3A_315, %lt3A_321 : i32
        %ne3A_323 = arith.xori %lt3A_320, %lt3A_322 : i1
        %and3A_324 = arith.andi %ne3A_323, %ne3A_318 : i1
        %add3A_325 = arith.addi %rem3A_316, %select_n3A_315 : i32
        %select_n3A_326 = arith.select %and3A_324, %add3A_325, %rem3A_316 : i32
        %jit3A_327 = arith.constant 6 : i32
        %eq3A_328 = arith.constant 0 : i32
        %eq3A_329 = arith.cmpi eq, %jit3A_327, %eq3A_328 : i32
        %jit3A_330 = arith.constant 1 : i32
        %select_n3A_331 = arith.select %eq3A_329, %jit3A_330, %jit3A_327 : i32
        %rem3A_332 = arith.remsi %while3A_270, %select_n3A_331 : i32
        %ne3A_333 = arith.constant 0 : i32
        %ne3A_334 = arith.cmpi ne, %rem3A_332, %ne3A_333 : i32
        %lt3A_335 = arith.constant 0 : i32
        %lt3A_336 = arith.cmpi slt, %rem3A_332, %lt3A_335 : i32
        %lt3A_337 = arith.constant 0 : i32
        %lt3A_338 = arith.cmpi slt, %select_n3A_331, %lt3A_337 : i32
        %ne3A_339 = arith.xori %lt3A_336, %lt3A_338 : i1
        %and3A_340 = arith.andi %ne3A_339, %ne3A_334 : i1
        %add3A_341 = arith.addi %rem3A_332, %select_n3A_331 : i32
        %select_n3A_342 = arith.select %and3A_340, %add3A_341, %rem3A_332 : i32
        %dma_wait3A_343 = arith.constant 0 : i32
        %dma_wait3A_344 = arith.constant 0 : i32
        %dma_wait3A_345 = arith.constant 0 : i32
        %dma_wait3A_346 = tpu.memref_slice %arg15[%select_n3A_342, %dma_wait3A_344, %dma_wait3A_345] : memref<6x128x32xf32, #tpu.memory_space<vmem>> -> memref<1x128x32xf32, #tpu.memory_space<vmem>>
        %dma_wait3A_347 = tpu.memref_squeeze %dma_wait3A_346 : memref<1x128x32xf32, #tpu.memory_space<vmem>> -> memref<128x32xf32, #tpu.memory_space<vmem>>
        %dma_wait3A_348 = arith.constant 0 : i32
        %dma_wait3A_349 = tpu.memref_slice %arg16[%select_n3A_310, %dma_wait3A_343, %select_n3A_326, %dma_wait3A_348] : memref<6x2x2x128xi32, #tpu.memory_space<vmem>> -> memref<1x1x1x128xi32, #tpu.memory_space<vmem>>
        %dma_wait3A_350 = tpu.memref_squeeze %dma_wait3A_349 : memref<1x1x1x128xi32, #tpu.memory_space<vmem>> -> memref<128xi32, #tpu.memory_space<vmem>>
        %dma_wait3A_351 = arith.constant 0 : i32
        %dma_wait3A_352 = arith.constant 0 : i32
        %dma_wait3A_353 = tpu.memref_slice %arg3[%dma_wait3A_351, %dma_wait3A_352] : memref<10000x32xf32, #tpu.memory_space<hbm>> -> memref<10000x32xf32, #tpu.memory_space<hbm>>
        tpu.wait_indirect_dma semaphore(%arg18 : memref<!tpu.dma_semaphore, #tpu.memory_space<semaphore_mem>>) src(%dma_wait3A_353 : memref<10000x32xf32, #tpu.memory_space<hbm>>) dst(%dma_wait3A_347 : memref<128x32xf32, #tpu.memory_space<vmem>>)
        %dma_start3A_354 = arith.constant 1 : i32
        %dma_start3A_355 = arith.constant 0 : i32
        %dma_start3A_356 = arith.constant 0 : i32
        %dma_start3A_357 = tpu.memref_slice %arg15[%select_n3A_342, %dma_start3A_355, %dma_start3A_356] : memref<6x128x32xf32, #tpu.memory_space<vmem>> -> memref<1x128x32xf32, #tpu.memory_space<vmem>>
        %dma_start3A_358 = tpu.memref_squeeze %dma_start3A_357 : memref<1x128x32xf32, #tpu.memory_space<vmem>> -> memref<128x32xf32, #tpu.memory_space<vmem>>
        %dma_start3A_359 = arith.constant 0 : i32
        %dma_start3A_360 = tpu.memref_slice %arg16[%select_n3A_310, %dma_start3A_354, %select_n3A_326, %dma_start3A_359] : memref<6x2x2x128xi32, #tpu.memory_space<vmem>> -> memref<1x1x1x128xi32, #tpu.memory_space<vmem>>
        %dma_start3A_361 = tpu.memref_squeeze %dma_start3A_360 : memref<1x1x1x128xi32, #tpu.memory_space<vmem>> -> memref<128xi32, #tpu.memory_space<vmem>>
        %dma_start3A_362 = arith.constant 0 : i32
        %dma_start3A_363 = arith.constant 0 : i32
        %dma_start3A_364 = tpu.memref_slice %arg13[%dma_start3A_362, %dma_start3A_363] : memref<50048x32xf32, #tpu.memory_space<vmem_shared>> -> memref<50048x32xf32, #tpu.memory_space<vmem_shared>>
        tpu.enqueue_indirect_dma source(%dma_start3A_358 : memref<128x32xf32, #tpu.memory_space<vmem>>) target(%dma_start3A_364 : memref<50048x32xf32, #tpu.memory_space<vmem_shared>>) offsets(%dma_start3A_361 : memref<128xi32, #tpu.memory_space<vmem>>) semaphore(%arg19 : memref<!tpu.dma_semaphore, #tpu.memory_space<semaphore_mem>>) {add = true}
        %dma_start3A_365 = arith.constant 1 : i32
        %dma_start3A_366 = arith.constant 0 : i32
        %dma_start3A_367 = tpu.memref_slice %arg16[%select_n3A_310, %dma_start3A_365, %select_n3A_326, %dma_start3A_366] : memref<6x2x2x128xi32, #tpu.memory_space<vmem>> -> memref<1x1x1x128xi32, #tpu.memory_space<vmem>>
        %dma_start3A_368 = tpu.memref_squeeze %dma_start3A_367 : memref<1x1x1x128xi32, #tpu.memory_space<vmem>> -> memref<128xi32, #tpu.memory_space<vmem>>
        %dma_start3A_369 = arith.constant 0 : i32
        %dma_start3A_370 = tpu.memref_slice %arg14[%dma_start3A_369] : memref<50048xf32, #tpu.memory_space<vmem_shared>> -> memref<50048xf32, #tpu.memory_space<vmem_shared>>
        tpu.enqueue_indirect_dma source(%arg17 : memref<128xf32, #tpu.memory_space<vmem>>) target(%dma_start3A_370 : memref<50048xf32, #tpu.memory_space<vmem_shared>>) offsets(%dma_start3A_368 : memref<128xi32, #tpu.memory_space<vmem>>) semaphore(%arg19 : memref<!tpu.dma_semaphore, #tpu.memory_space<semaphore_mem>>) {add = true}
        %ge3A = arith.constant 2 : i32
        %ge3A_371 = arith.cmpi sge, %while3A_270, %ge3A : i32
        %convert_element_type3A_372 = arith.extui %ge3A_371 : i1 to i32
        %cond3A_373 = arith.constant 0 : i32
        %cond3A_374 = arith.cmpi ne, %convert_element_type3A_372, %cond3A_373 : i32
        scf.if %cond3A_374 {
          %dma_wait3A_443 = arith.constant 0 : i32
          %dma_wait3A_444 = arith.constant 0 : i32
          %dma_wait3A_445 = arith.constant 1 : i32
          %dma_wait3A_446 = arith.constant 0 : i32
          %dma_wait3A_447 = arith.constant 0 : i32
          %dma_wait3A_448 = arith.constant 0 : i32
          %dma_wait3A_449 = tpu.memref_slice %arg15[%dma_wait3A_443, %dma_wait3A_447, %dma_wait3A_448] : memref<6x128x32xf32, #tpu.memory_space<vmem>> -> memref<1x128x32xf32, #tpu.memory_space<vmem>>
          %dma_wait3A_450 = tpu.memref_squeeze %dma_wait3A_449 : memref<1x128x32xf32, #tpu.memory_space<vmem>> -> memref<128x32xf32, #tpu.memory_space<vmem>>
          %dma_wait3A_451 = arith.constant 0 : i32
          %dma_wait3A_452 = tpu.memref_slice %arg16[%dma_wait3A_444, %dma_wait3A_445, %dma_wait3A_446, %dma_wait3A_451] : memref<6x2x2x128xi32, #tpu.memory_space<vmem>> -> memref<1x1x1x128xi32, #tpu.memory_space<vmem>>
          %dma_wait3A_453 = tpu.memref_squeeze %dma_wait3A_452 : memref<1x1x1x128xi32, #tpu.memory_space<vmem>> -> memref<128xi32, #tpu.memory_space<vmem>>
          %dma_wait3A_454 = arith.constant 0 : i32
          %dma_wait3A_455 = arith.constant 0 : i32
          %dma_wait3A_456 = tpu.memref_slice %arg13[%dma_wait3A_454, %dma_wait3A_455] : memref<50048x32xf32, #tpu.memory_space<vmem_shared>> -> memref<50048x32xf32, #tpu.memory_space<vmem_shared>>
          tpu.wait_indirect_dma semaphore(%arg19 : memref<!tpu.dma_semaphore, #tpu.memory_space<semaphore_mem>>) src(%dma_wait3A_450 : memref<128x32xf32, #tpu.memory_space<vmem>>) dst(%dma_wait3A_456 : memref<50048x32xf32, #tpu.memory_space<vmem_shared>>)
          %dma_wait3A_457 = arith.constant 0 : i32
          %dma_wait3A_458 = arith.constant 1 : i32
          %dma_wait3A_459 = arith.constant 0 : i32
          %dma_wait3A_460 = arith.constant 0 : i32
          %dma_wait3A_461 = tpu.memref_slice %arg16[%dma_wait3A_457, %dma_wait3A_458, %dma_wait3A_459, %dma_wait3A_460] : memref<6x2x2x128xi32, #tpu.memory_space<vmem>> -> memref<1x1x1x128xi32, #tpu.memory_space<vmem>>
          %dma_wait3A_462 = tpu.memref_squeeze %dma_wait3A_461 : memref<1x1x1x128xi32, #tpu.memory_space<vmem>> -> memref<128xi32, #tpu.memory_space<vmem>>
          %dma_wait3A_463 = arith.constant 0 : i32
          %dma_wait3A_464 = tpu.memref_slice %arg14[%dma_wait3A_463] : memref<50048xf32, #tpu.memory_space<vmem_shared>> -> memref<50048xf32, #tpu.memory_space<vmem_shared>>
          tpu.wait_indirect_dma semaphore(%arg19 : memref<!tpu.dma_semaphore, #tpu.memory_space<semaphore_mem>>) src(%arg17 : memref<128xf32, #tpu.memory_space<vmem>>) dst(%dma_wait3A_464 : memref<50048xf32, #tpu.memory_space<vmem_shared>>)
        } else {
        }
        %jit3A_375 = arith.constant 2 : i32
        %eq3A_376 = arith.constant 0 : i32
        %eq3A_377 = arith.cmpi eq, %jit3A_375, %eq3A_376 : i32
        %jit3A_378 = arith.constant 1 : i32
        %select_n3A_379 = arith.select %eq3A_377, %jit3A_378, %jit3A_375 : i32
        %rem3A_380 = arith.remsi %while3A_270, %select_n3A_379 : i32
        %ne3A_381 = arith.constant 0 : i32
        %ne3A_382 = arith.cmpi ne, %rem3A_380, %ne3A_381 : i32
        %lt3A_383 = arith.constant 0 : i32
        %lt3A_384 = arith.cmpi slt, %rem3A_380, %lt3A_383 : i32
        %lt3A_385 = arith.constant 0 : i32
        %lt3A_386 = arith.cmpi slt, %select_n3A_379, %lt3A_385 : i32
        %ne3A_387 = arith.xori %lt3A_384, %lt3A_386 : i1
        %and3A_388 = arith.andi %ne3A_387, %ne3A_382 : i1
        %add3A_389 = arith.addi %rem3A_380, %select_n3A_379 : i32
        %select_n3A_390 = arith.select %and3A_388, %add3A_389, %rem3A_380 : i32
        %eq3A_391 = arith.constant 1 : i32
        %eq3A_392 = arith.cmpi eq, %select_n3A_390, %eq3A_391 : i32
        %add3A_393 = arith.constant 6 : i32
        %add3A_394 = arith.addi %while3A_270, %add3A_393 : i32
        %sub3A_395 = arith.constant 2 : i32
        %sub3A_396 = arith.subi %add3A_394, %sub3A_395 : i32
        %lt3A_397 = arith.cmpi slt, %sub3A_396, %select_n3A : i32
        %and3A_398 = arith.andi %eq3A_392, %lt3A_397 : i1
        %convert_element_type3A_399 = arith.extui %and3A_398 : i1 to i32
        %cond3A_400 = arith.constant 0 : i32
        %cond3A_401 = arith.cmpi ne, %convert_element_type3A_399, %cond3A_400 : i32
        scf.if %cond3A_401 {
          %dma_wait3A_443 = arith.constant 0 : i32
          %dma_wait3A_444 = arith.constant 0 : i32
          %dma_wait3A_445 = arith.constant 0 : i32
          %dma_wait3A_446 = arith.constant 0 : i32
          %dma_wait3A_447 = tpu.memref_slice %arg16[%dma_wait3A_443, %dma_wait3A_444, %dma_wait3A_445, %dma_wait3A_446] : memref<6x2x2x128xi32, #tpu.memory_space<vmem>> -> memref<1x2x2x128xi32, #tpu.memory_space<vmem>>
          %dma_wait3A_448 = tpu.memref_squeeze %dma_wait3A_447 : memref<1x2x2x128xi32, #tpu.memory_space<vmem>> -> memref<2x2x128xi32, #tpu.memory_space<vmem>>
          %dma_wait3A_449 = arith.constant 0 : i32
          %dma_wait3A_450 = arith.constant 0 : i32
          %dma_wait3A_451 = tpu.memref_slice %arg2[%dma_wait3A_449, %add3A, %dma_wait3A_450] : memref<2x6250x128xi32, #tpu.memory_space<hbm>> -> memref<2x2x128xi32, #tpu.memory_space<hbm>>
          %dma_wait3A_452 = arith.constant 0 : i32
          %dma_wait3A_453 = arith.constant 0 : i32
          %dma_wait3A_454 = arith.constant 0 : i32
          %dma_wait3A_455 = tpu.memref_slice %arg16[%dma_wait3A_443, %dma_wait3A_452, %dma_wait3A_453, %dma_wait3A_454] : memref<6x2x2x128xi32, #tpu.memory_space<vmem>> -> memref<1x2x2x128xi32, #tpu.memory_space<vmem>>
          %dma_wait3A_456 = tpu.memref_squeeze %dma_wait3A_455 : memref<1x2x2x128xi32, #tpu.memory_space<vmem>> -> memref<2x2x128xi32, #tpu.memory_space<vmem>>
          %dma_wait3A_457 = arith.constant 0 : i32
          %dma_wait3A_458 = arith.constant 0 : i32
          %dma_wait3A_459 = tpu.memref_slice %arg2[%dma_wait3A_457, %add3A, %dma_wait3A_458] : memref<2x6250x128xi32, #tpu.memory_space<hbm>> -> memref<2x2x128xi32, #tpu.memory_space<hbm>>
          tpu.wait_dma2 semaphore(%arg20 : memref<!tpu.dma_semaphore, #tpu.memory_space<semaphore_mem>>) src(%dma_wait3A_459 : memref<2x2x128xi32, #tpu.memory_space<hbm>>) dst(%dma_wait3A_456 : memref<2x2x128xi32, #tpu.memory_space<vmem>>)
        } else {
        }
        %add3A_402 = arith.constant 6 : i32
        %add3A_403 = arith.addi %while3A_270, %add3A_402 : i32
        %sub3A_404 = arith.constant 2 : i32
        %sub3A_405 = arith.subi %add3A_403, %sub3A_404 : i32
        %lt3A_406 = arith.cmpi slt, %sub3A_405, %select_n3A : i32
        %convert_element_type3A_407 = arith.extui %lt3A_406 : i1 to i32
        %cond3A_408 = arith.constant 0 : i32
        %cond3A_409 = arith.cmpi ne, %convert_element_type3A_407, %cond3A_408 : i32
        scf.if %cond3A_409 {
          %add3A_443 = arith.constant 6 : i32
          %add3A_444 = arith.addi %while3A_270, %add3A_443 : i32
          %sub3A_445 = arith.constant 2 : i32
          %sub3A_446 = arith.subi %add3A_444, %sub3A_445 : i32
          %jit3A_447 = arith.constant 2 : i32
          %div3A_448 = arith.divsi %sub3A_446, %jit3A_447 : i32
          %sign3A_449 = arith.constant 0 : i32
          %sign3A_450 = arith.cmpi sgt, %sub3A_446, %sign3A_449 : i32
          %sign3A_451 = arith.extui %sign3A_450 : i1 to i32
          %sign3A_452 = arith.constant 0 : i32
          %sign3A_453 = arith.cmpi slt, %sub3A_446, %sign3A_452 : i32
          %sign3A_454 = arith.extui %sign3A_453 : i1 to i32
          %sign3A_455 = arith.subi %sign3A_451, %sign3A_454 : i32
          %sign3A_456 = arith.constant 0 : i32
          %sign3A_457 = arith.cmpi sgt, %jit3A_447, %sign3A_456 : i32
          %sign3A_458 = arith.extui %sign3A_457 : i1 to i32
          %sign3A_459 = arith.constant 0 : i32
          %sign3A_460 = arith.cmpi slt, %jit3A_447, %sign3A_459 : i32
          %sign3A_461 = arith.extui %sign3A_460 : i1 to i32
          %sign3A_462 = arith.subi %sign3A_458, %sign3A_461 : i32
          %ne3A_463 = arith.cmpi ne, %sign3A_455, %sign3A_462 : i32
          %rem3A_464 = arith.remsi %sub3A_446, %jit3A_447 : i32
          %ne3A_465 = arith.constant 0 : i32
          %ne3A_466 = arith.cmpi ne, %rem3A_464, %ne3A_465 : i32
          %and3A_467 = arith.andi %ne3A_463, %ne3A_466 : i1
          %sub3A_468 = arith.constant 1 : i32
          %sub3A_469 = arith.subi %div3A_448, %sub3A_468 : i32
          %select_n3A_470 = arith.select %and3A_467, %sub3A_469, %div3A_448 : i32
          %jit3A_471 = arith.constant 6 : i32
          %eq3A_472 = arith.constant 0 : i32
          %eq3A_473 = arith.cmpi eq, %jit3A_471, %eq3A_472 : i32
          %jit3A_474 = arith.constant 1 : i32
          %select_n3A_475 = arith.select %eq3A_473, %jit3A_474, %jit3A_471 : i32
          %rem3A_476 = arith.remsi %select_n3A_470, %select_n3A_475 : i32
          %ne3A_477 = arith.constant 0 : i32
          %ne3A_478 = arith.cmpi ne, %rem3A_476, %ne3A_477 : i32
          %lt3A_479 = arith.constant 0 : i32
          %lt3A_480 = arith.cmpi slt, %rem3A_476, %lt3A_479 : i32
          %lt3A_481 = arith.constant 0 : i32
          %lt3A_482 = arith.cmpi slt, %select_n3A_475, %lt3A_481 : i32
          %ne3A_483 = arith.xori %lt3A_480, %lt3A_482 : i1
          %and3A_484 = arith.andi %ne3A_483, %ne3A_478 : i1
          %add3A_485 = arith.addi %rem3A_476, %select_n3A_475 : i32
          %select_n3A_486 = arith.select %and3A_484, %add3A_485, %rem3A_476 : i32
          %jit3A_487 = arith.constant 2 : i32
          %eq3A_488 = arith.constant 0 : i32
          %eq3A_489 = arith.cmpi eq, %jit3A_487, %eq3A_488 : i32
          %jit3A_490 = arith.constant 1 : i32
          %select_n3A_491 = arith.select %eq3A_489, %jit3A_490, %jit3A_487 : i32
          %rem3A_492 = arith.remsi %sub3A_446, %select_n3A_491 : i32
          %ne3A_493 = arith.constant 0 : i32
          %ne3A_494 = arith.cmpi ne, %rem3A_492, %ne3A_493 : i32
          %lt3A_495 = arith.constant 0 : i32
          %lt3A_496 = arith.cmpi slt, %rem3A_492, %lt3A_495 : i32
          %lt3A_497 = arith.constant 0 : i32
          %lt3A_498 = arith.cmpi slt, %select_n3A_491, %lt3A_497 : i32
          %ne3A_499 = arith.xori %lt3A_496, %lt3A_498 : i1
          %and3A_500 = arith.andi %ne3A_499, %ne3A_494 : i1
          %add3A_501 = arith.addi %rem3A_492, %select_n3A_491 : i32
          %select_n3A_502 = arith.select %and3A_500, %add3A_501, %rem3A_492 : i32
          %jit3A_503 = arith.constant 6 : i32
          %eq3A_504 = arith.constant 0 : i32
          %eq3A_505 = arith.cmpi eq, %jit3A_503, %eq3A_504 : i32
          %jit3A_506 = arith.constant 1 : i32
          %select_n3A_507 = arith.select %eq3A_505, %jit3A_506, %jit3A_503 : i32
          %rem3A_508 = arith.remsi %sub3A_446, %select_n3A_507 : i32
          %ne3A_509 = arith.constant 0 : i32
          %ne3A_510 = arith.cmpi ne, %rem3A_508, %ne3A_509 : i32
          %lt3A_511 = arith.constant 0 : i32
          %lt3A_512 = arith.cmpi slt, %rem3A_508, %lt3A_511 : i32
          %lt3A_513 = arith.constant 0 : i32
          %lt3A_514 = arith.cmpi slt, %select_n3A_507, %lt3A_513 : i32
          %ne3A_515 = arith.xori %lt3A_512, %lt3A_514 : i1
          %and3A_516 = arith.andi %ne3A_515, %ne3A_510 : i1
          %add3A_517 = arith.addi %rem3A_508, %select_n3A_507 : i32
          %select_n3A_518 = arith.select %and3A_516, %add3A_517, %rem3A_508 : i32
          %dma_start3A_519 = arith.constant 0 : i32
          %dma_start3A_520 = arith.constant 0 : i32
          %dma_start3A_521 = arith.constant 0 : i32
          %dma_start3A_522 = tpu.memref_slice %arg15[%select_n3A_518, %dma_start3A_520, %dma_start3A_521] : memref<6x128x32xf32, #tpu.memory_space<vmem>> -> memref<1x128x32xf32, #tpu.memory_space<vmem>>
          %dma_start3A_523 = tpu.memref_squeeze %dma_start3A_522 : memref<1x128x32xf32, #tpu.memory_space<vmem>> -> memref<128x32xf32, #tpu.memory_space<vmem>>
          %dma_start3A_524 = arith.constant 0 : i32
          %dma_start3A_525 = tpu.memref_slice %arg16[%select_n3A_486, %dma_start3A_519, %select_n3A_502, %dma_start3A_524] : memref<6x2x2x128xi32, #tpu.memory_space<vmem>> -> memref<1x1x1x128xi32, #tpu.memory_space<vmem>>
          %dma_start3A_526 = tpu.memref_squeeze %dma_start3A_525 : memref<1x1x1x128xi32, #tpu.memory_space<vmem>> -> memref<128xi32, #tpu.memory_space<vmem>>
          %dma_start3A_527 = arith.constant 0 : i32
          %dma_start3A_528 = arith.constant 0 : i32
          %dma_start3A_529 = tpu.memref_slice %arg3[%dma_start3A_527, %dma_start3A_528] : memref<10000x32xf32, #tpu.memory_space<hbm>> -> memref<10000x32xf32, #tpu.memory_space<hbm>>
          tpu.enqueue_indirect_dma source(%dma_start3A_529 : memref<10000x32xf32, #tpu.memory_space<hbm>>) target(%dma_start3A_523 : memref<128x32xf32, #tpu.memory_space<vmem>>) offsets(%dma_start3A_526 : memref<128xi32, #tpu.memory_space<vmem>>) semaphore(%arg18 : memref<!tpu.dma_semaphore, #tpu.memory_space<semaphore_mem>>)
        } else {
        }
        %sub3A_410 = arith.constant 1 : i32
        %sub3A_411 = arith.subi %while3A_270, %sub3A_410 : i32
        %jit3A_412 = arith.constant 2 : i32
        %div3A_413 = arith.divsi %sub3A_411, %jit3A_412 : i32
        %sign3A_414 = arith.constant 0 : i32
        %sign3A_415 = arith.cmpi sgt, %sub3A_411, %sign3A_414 : i32
        %sign3A_416 = arith.extui %sign3A_415 : i1 to i32
        %sign3A_417 = arith.constant 0 : i32
        %sign3A_418 = arith.cmpi slt, %sub3A_411, %sign3A_417 : i32
        %sign3A_419 = arith.extui %sign3A_418 : i1 to i32
        %sign3A_420 = arith.subi %sign3A_416, %sign3A_419 : i32
        %sign3A_421 = arith.constant 0 : i32
        %sign3A_422 = arith.cmpi sgt, %jit3A_412, %sign3A_421 : i32
        %sign3A_423 = arith.extui %sign3A_422 : i1 to i32
        %sign3A_424 = arith.constant 0 : i32
        %sign3A_425 = arith.cmpi slt, %jit3A_412, %sign3A_424 : i32
        %sign3A_426 = arith.extui %sign3A_425 : i1 to i32
        %sign3A_427 = arith.subi %sign3A_423, %sign3A_426 : i32
        %ne3A_428 = arith.cmpi ne, %sign3A_420, %sign3A_427 : i32
        %rem3A_429 = arith.remsi %sub3A_411, %jit3A_412 : i32
        %ne3A_430 = arith.constant 0 : i32
        %ne3A_431 = arith.cmpi ne, %rem3A_429, %ne3A_430 : i32
        %and3A_432 = arith.andi %ne3A_428, %ne3A_431 : i1
        %sub3A_433 = arith.constant 1 : i32
        %sub3A_434 = arith.subi %div3A_413, %sub3A_433 : i32
        %select_n3A_435 = arith.select %and3A_432, %sub3A_434, %div3A_413 : i32
        %add3A_436 = arith.constant 5 : i32
        %add3A_437 = arith.addi %select_n3A_435, %add3A_436 : i32
        %lt3A_438 = arith.cmpi slt, %add3A_437, %select_n3A_25 : i32
        %and3A_439 = arith.andi %eq3A_392, %lt3A_438 : i1
        %convert_element_type3A_440 = arith.extui %and3A_439 : i1 to i32
        %cond3A_441 = arith.constant 0 : i32
        %cond3A_442 = arith.cmpi ne, %convert_element_type3A_440, %cond3A_441 : i32
        scf.if %cond3A_442 {
          %sub3A_443 = arith.constant 1 : i32
          %sub3A_444 = arith.subi %while3A_270, %sub3A_443 : i32
          %jit3A_445 = arith.constant 2 : i32
          %div3A_446 = arith.divsi %sub3A_444, %jit3A_445 : i32
          %sign3A_447 = arith.constant 0 : i32
          %sign3A_448 = arith.cmpi sgt, %sub3A_444, %sign3A_447 : i32
          %sign3A_449 = arith.extui %sign3A_448 : i1 to i32
          %sign3A_450 = arith.constant 0 : i32
          %sign3A_451 = arith.cmpi slt, %sub3A_444, %sign3A_450 : i32
          %sign3A_452 = arith.extui %sign3A_451 : i1 to i32
          %sign3A_453 = arith.subi %sign3A_449, %sign3A_452 : i32
          %sign3A_454 = arith.constant 0 : i32
          %sign3A_455 = arith.cmpi sgt, %jit3A_445, %sign3A_454 : i32
          %sign3A_456 = arith.extui %sign3A_455 : i1 to i32
          %sign3A_457 = arith.constant 0 : i32
          %sign3A_458 = arith.cmpi slt, %jit3A_445, %sign3A_457 : i32
          %sign3A_459 = arith.extui %sign3A_458 : i1 to i32
          %sign3A_460 = arith.subi %sign3A_456, %sign3A_459 : i32
          %ne3A_461 = arith.cmpi ne, %sign3A_453, %sign3A_460 : i32
          %rem3A_462 = arith.remsi %sub3A_444, %jit3A_445 : i32
          %ne3A_463 = arith.constant 0 : i32
          %ne3A_464 = arith.cmpi ne, %rem3A_462, %ne3A_463 : i32
          %and3A_465 = arith.andi %ne3A_461, %ne3A_464 : i1
          %sub3A_466 = arith.constant 1 : i32
          %sub3A_467 = arith.subi %div3A_446, %sub3A_466 : i32
          %select_n3A_468 = arith.select %and3A_465, %sub3A_467, %div3A_446 : i32
          %add3A_469 = arith.constant 5 : i32
          %add3A_470 = arith.addi %select_n3A_468, %add3A_469 : i32
          %jit3A_471 = arith.constant 6 : i32
          %eq3A_472 = arith.constant 0 : i32
          %eq3A_473 = arith.cmpi eq, %jit3A_471, %eq3A_472 : i32
          %jit3A_474 = arith.constant 1 : i32
          %select_n3A_475 = arith.select %eq3A_473, %jit3A_474, %jit3A_471 : i32
          %rem3A_476 = arith.remsi %add3A_470, %select_n3A_475 : i32
          %ne3A_477 = arith.constant 0 : i32
          %ne3A_478 = arith.cmpi ne, %rem3A_476, %ne3A_477 : i32
          %lt3A_479 = arith.constant 0 : i32
          %lt3A_480 = arith.cmpi slt, %rem3A_476, %lt3A_479 : i32
          %lt3A_481 = arith.constant 0 : i32
          %lt3A_482 = arith.cmpi slt, %select_n3A_475, %lt3A_481 : i32
          %ne3A_483 = arith.xori %lt3A_480, %lt3A_482 : i1
          %and3A_484 = arith.andi %ne3A_483, %ne3A_478 : i1
          %add3A_485 = arith.addi %rem3A_476, %select_n3A_475 : i32
          %select_n3A_486 = arith.select %and3A_484, %add3A_485, %rem3A_476 : i32
          %mul3A_487 = arith.constant 2 : i32
          %mul3A_488 = arith.muli %add3A_470, %mul3A_487 : i32
          %add3A_489 = arith.addi %add3A, %mul3A_488 : i32
          %dma_start3A_490 = arith.constant 0 : i32
          %dma_start3A_491 = arith.constant 0 : i32
          %dma_start3A_492 = arith.constant 0 : i32
          %dma_start3A_493 = tpu.memref_slice %arg16[%select_n3A_486, %dma_start3A_490, %dma_start3A_491, %dma_start3A_492] : memref<6x2x2x128xi32, #tpu.memory_space<vmem>> -> memref<1x2x2x128xi32, #tpu.memory_space<vmem>>
          %dma_start3A_494 = tpu.memref_squeeze %dma_start3A_493 : memref<1x2x2x128xi32, #tpu.memory_space<vmem>> -> memref<2x2x128xi32, #tpu.memory_space<vmem>>
          %dma_start3A_495 = arith.constant 0 : i32
          %dma_start3A_496 = arith.constant 0 : i32
          %dma_start3A_497 = tpu.memref_slice %arg2[%dma_start3A_495, %add3A_489, %dma_start3A_496] : memref<2x6250x128xi32, #tpu.memory_space<hbm>> -> memref<2x2x128xi32, #tpu.memory_space<hbm>>
          %dma_start3A_498 = arith.constant 0 : i32
          %dma_start3A_499 = arith.constant 0 : i32
          %dma_start3A_500 = arith.constant 0 : i32
          %dma_start3A_501 = tpu.memref_slice %arg16[%select_n3A_486, %dma_start3A_498, %dma_start3A_499, %dma_start3A_500] : memref<6x2x2x128xi32, #tpu.memory_space<vmem>> -> memref<1x2x2x128xi32, #tpu.memory_space<vmem>>
          %dma_start3A_502 = tpu.memref_squeeze %dma_start3A_501 : memref<1x2x2x128xi32, #tpu.memory_space<vmem>> -> memref<2x2x128xi32, #tpu.memory_space<vmem>>
          %dma_start3A_503 = arith.constant 0 : i32
          %dma_start3A_504 = arith.constant 0 : i32
          %dma_start3A_505 = tpu.memref_slice %arg2[%dma_start3A_503, %add3A_489, %dma_start3A_504] : memref<2x6250x128xi32, #tpu.memory_space<hbm>> -> memref<2x2x128xi32, #tpu.memory_space<hbm>>
          tpu.enqueue_dma source(%dma_start3A_505 : memref<2x2x128xi32, #tpu.memory_space<hbm>>) target(%dma_start3A_502 : memref<2x2x128xi32, #tpu.memory_space<vmem>>) target_semaphore(%arg20 : memref<!tpu.dma_semaphore, #tpu.memory_space<semaphore_mem>>)
        } else {
        }
      }
      %while3A_224 = arith.constant 1 : i32
      scf.for %while3A_270 = %while3A_222 to %while3A_218 step %while3A_224  : i32 {
        %jit3A_271 = arith.constant 2 : i32
        %div3A_272 = arith.divsi %while3A_270, %jit3A_271 : i32
        %sign3A_273 = arith.constant 0 : i32
        %sign3A_274 = arith.cmpi sgt, %while3A_270, %sign3A_273 : i32
        %sign3A_275 = arith.extui %sign3A_274 : i1 to i32
        %sign3A_276 = arith.constant 0 : i32
        %sign3A_277 = arith.cmpi slt, %while3A_270, %sign3A_276 : i32
        %sign3A_278 = arith.extui %sign3A_277 : i1 to i32
        %sign3A_279 = arith.subi %sign3A_275, %sign3A_278 : i32
        %sign3A_280 = arith.constant 0 : i32
        %sign3A_281 = arith.cmpi sgt, %jit3A_271, %sign3A_280 : i32
        %sign3A_282 = arith.extui %sign3A_281 : i1 to i32
        %sign3A_283 = arith.constant 0 : i32
        %sign3A_284 = arith.cmpi slt, %jit3A_271, %sign3A_283 : i32
        %sign3A_285 = arith.extui %sign3A_284 : i1 to i32
        %sign3A_286 = arith.subi %sign3A_282, %sign3A_285 : i32
        %ne3A_287 = arith.cmpi ne, %sign3A_279, %sign3A_286 : i32
        %rem3A_288 = arith.remsi %while3A_270, %jit3A_271 : i32
        %ne3A_289 = arith.constant 0 : i32
        %ne3A_290 = arith.cmpi ne, %rem3A_288, %ne3A_289 : i32
        %and3A_291 = arith.andi %ne3A_287, %ne3A_290 : i1
        %sub3A_292 = arith.constant 1 : i32
        %sub3A_293 = arith.subi %div3A_272, %sub3A_292 : i32
        %select_n3A_294 = arith.select %and3A_291, %sub3A_293, %div3A_272 : i32
        %jit3A_295 = arith.constant 6 : i32
        %eq3A_296 = arith.constant 0 : i32
        %eq3A_297 = arith.cmpi eq, %jit3A_295, %eq3A_296 : i32
        %jit3A_298 = arith.constant 1 : i32
        %select_n3A_299 = arith.select %eq3A_297, %jit3A_298, %jit3A_295 : i32
        %rem3A_300 = arith.remsi %select_n3A_294, %select_n3A_299 : i32
        %ne3A_301 = arith.constant 0 : i32
        %ne3A_302 = arith.cmpi ne, %rem3A_300, %ne3A_301 : i32
        %lt3A_303 = arith.constant 0 : i32
        %lt3A_304 = arith.cmpi slt, %rem3A_300, %lt3A_303 : i32
        %lt3A_305 = arith.constant 0 : i32
        %lt3A_306 = arith.cmpi slt, %select_n3A_299, %lt3A_305 : i32
        %ne3A_307 = arith.xori %lt3A_304, %lt3A_306 : i1
        %and3A_308 = arith.andi %ne3A_307, %ne3A_302 : i1
        %add3A_309 = arith.addi %rem3A_300, %select_n3A_299 : i32
        %select_n3A_310 = arith.select %and3A_308, %add3A_309, %rem3A_300 : i32
        %jit3A_311 = arith.constant 2 : i32
        %eq3A_312 = arith.constant 0 : i32
        %eq3A_313 = arith.cmpi eq, %jit3A_311, %eq3A_312 : i32
        %jit3A_314 = arith.constant 1 : i32
        %select_n3A_315 = arith.select %eq3A_313, %jit3A_314, %jit3A_311 : i32
        %rem3A_316 = arith.remsi %while3A_270, %select_n3A_315 : i32
        %ne3A_317 = arith.constant 0 : i32
        %ne3A_318 = arith.cmpi ne, %rem3A_316, %ne3A_317 : i32
        %lt3A_319 = arith.constant 0 : i32
        %lt3A_320 = arith.cmpi slt, %rem3A_316, %lt3A_319 : i32
        %lt3A_321 = arith.constant 0 : i32
        %lt3A_322 = arith.cmpi slt, %select_n3A_315, %lt3A_321 : i32
        %ne3A_323 = arith.xori %lt3A_320, %lt3A_322 : i1
        %and3A_324 = arith.andi %ne3A_323, %ne3A_318 : i1
        %add3A_325 = arith.addi %rem3A_316, %select_n3A_315 : i32
        %select_n3A_326 = arith.select %and3A_324, %add3A_325, %rem3A_316 : i32
        %jit3A_327 = arith.constant 6 : i32
        %eq3A_328 = arith.constant 0 : i32
        %eq3A_329 = arith.cmpi eq, %jit3A_327, %eq3A_328 : i32
        %jit3A_330 = arith.constant 1 : i32
        %select_n3A_331 = arith.select %eq3A_329, %jit3A_330, %jit3A_327 : i32
        %rem3A_332 = arith.remsi %while3A_270, %select_n3A_331 : i32
        %ne3A_333 = arith.constant 0 : i32
        %ne3A_334 = arith.cmpi ne, %rem3A_332, %ne3A_333 : i32
        %lt3A_335 = arith.constant 0 : i32
        %lt3A_336 = arith.cmpi slt, %rem3A_332, %lt3A_335 : i32
        %lt3A_337 = arith.constant 0 : i32
        %lt3A_338 = arith.cmpi slt, %select_n3A_331, %lt3A_337 : i32
        %ne3A_339 = arith.xori %lt3A_336, %lt3A_338 : i1
        %and3A_340 = arith.andi %ne3A_339, %ne3A_334 : i1
        %add3A_341 = arith.addi %rem3A_332, %select_n3A_331 : i32
        %select_n3A_342 = arith.select %and3A_340, %add3A_341, %rem3A_332 : i32
        %dma_wait3A_343 = arith.constant 0 : i32
        %dma_wait3A_344 = arith.constant 0 : i32
        %dma_wait3A_345 = arith.constant 0 : i32
        %dma_wait3A_346 = tpu.memref_slice %arg15[%select_n3A_342, %dma_wait3A_344, %dma_wait3A_345] : memref<6x128x32xf32, #tpu.memory_space<vmem>> -> memref<1x128x32xf32, #tpu.memory_space<vmem>>
        %dma_wait3A_347 = tpu.memref_squeeze %dma_wait3A_346 : memref<1x128x32xf32, #tpu.memory_space<vmem>> -> memref<128x32xf32, #tpu.memory_space<vmem>>
        %dma_wait3A_348 = arith.constant 0 : i32
        %dma_wait3A_349 = tpu.memref_slice %arg16[%select_n3A_310, %dma_wait3A_343, %select_n3A_326, %dma_wait3A_348] : memref<6x2x2x128xi32, #tpu.memory_space<vmem>> -> memref<1x1x1x128xi32, #tpu.memory_space<vmem>>
        %dma_wait3A_350 = tpu.memref_squeeze %dma_wait3A_349 : memref<1x1x1x128xi32, #tpu.memory_space<vmem>> -> memref<128xi32, #tpu.memory_space<vmem>>
        %dma_wait3A_351 = arith.constant 0 : i32
        %dma_wait3A_352 = arith.constant 0 : i32
        %dma_wait3A_353 = tpu.memref_slice %arg3[%dma_wait3A_351, %dma_wait3A_352] : memref<10000x32xf32, #tpu.memory_space<hbm>> -> memref<10000x32xf32, #tpu.memory_space<hbm>>
        tpu.wait_indirect_dma semaphore(%arg18 : memref<!tpu.dma_semaphore, #tpu.memory_space<semaphore_mem>>) src(%dma_wait3A_353 : memref<10000x32xf32, #tpu.memory_space<hbm>>) dst(%dma_wait3A_347 : memref<128x32xf32, #tpu.memory_space<vmem>>)
        %dma_start3A_354 = arith.constant 1 : i32
        %dma_start3A_355 = arith.constant 0 : i32
        %dma_start3A_356 = arith.constant 0 : i32
        %dma_start3A_357 = tpu.memref_slice %arg15[%select_n3A_342, %dma_start3A_355, %dma_start3A_356] : memref<6x128x32xf32, #tpu.memory_space<vmem>> -> memref<1x128x32xf32, #tpu.memory_space<vmem>>
        %dma_start3A_358 = tpu.memref_squeeze %dma_start3A_357 : memref<1x128x32xf32, #tpu.memory_space<vmem>> -> memref<128x32xf32, #tpu.memory_space<vmem>>
        %dma_start3A_359 = arith.constant 0 : i32
        %dma_start3A_360 = tpu.memref_slice %arg16[%select_n3A_310, %dma_start3A_354, %select_n3A_326, %dma_start3A_359] : memref<6x2x2x128xi32, #tpu.memory_space<vmem>> -> memref<1x1x1x128xi32, #tpu.memory_space<vmem>>
        %dma_start3A_361 = tpu.memref_squeeze %dma_start3A_360 : memref<1x1x1x128xi32, #tpu.memory_space<vmem>> -> memref<128xi32, #tpu.memory_space<vmem>>
        %dma_start3A_362 = arith.constant 0 : i32
        %dma_start3A_363 = arith.constant 0 : i32
        %dma_start3A_364 = tpu.memref_slice %arg13[%dma_start3A_362, %dma_start3A_363] : memref<50048x32xf32, #tpu.memory_space<vmem_shared>> -> memref<50048x32xf32, #tpu.memory_space<vmem_shared>>
        tpu.enqueue_indirect_dma source(%dma_start3A_358 : memref<128x32xf32, #tpu.memory_space<vmem>>) target(%dma_start3A_364 : memref<50048x32xf32, #tpu.memory_space<vmem_shared>>) offsets(%dma_start3A_361 : memref<128xi32, #tpu.memory_space<vmem>>) semaphore(%arg19 : memref<!tpu.dma_semaphore, #tpu.memory_space<semaphore_mem>>) {add = true}
        %dma_start3A_365 = arith.constant 1 : i32
        %dma_start3A_366 = arith.constant 0 : i32
        %dma_start3A_367 = tpu.memref_slice %arg16[%select_n3A_310, %dma_start3A_365, %select_n3A_326, %dma_start3A_366] : memref<6x2x2x128xi32, #tpu.memory_space<vmem>> -> memref<1x1x1x128xi32, #tpu.memory_space<vmem>>
        %dma_start3A_368 = tpu.memref_squeeze %dma_start3A_367 : memref<1x1x1x128xi32, #tpu.memory_space<vmem>> -> memref<128xi32, #tpu.memory_space<vmem>>
        %dma_start3A_369 = arith.constant 0 : i32
        %dma_start3A_370 = tpu.memref_slice %arg14[%dma_start3A_369] : memref<50048xf32, #tpu.memory_space<vmem_shared>> -> memref<50048xf32, #tpu.memory_space<vmem_shared>>
        tpu.enqueue_indirect_dma source(%arg17 : memref<128xf32, #tpu.memory_space<vmem>>) target(%dma_start3A_370 : memref<50048xf32, #tpu.memory_space<vmem_shared>>) offsets(%dma_start3A_368 : memref<128xi32, #tpu.memory_space<vmem>>) semaphore(%arg19 : memref<!tpu.dma_semaphore, #tpu.memory_space<semaphore_mem>>) {add = true}
        %ge3A = arith.constant 2 : i32
        %ge3A_371 = arith.cmpi sge, %while3A_270, %ge3A : i32
        %convert_element_type3A_372 = arith.extui %ge3A_371 : i1 to i32
        %cond3A_373 = arith.constant 0 : i32
        %cond3A_374 = arith.cmpi ne, %convert_element_type3A_372, %cond3A_373 : i32
        scf.if %cond3A_374 {
          %dma_wait3A_443 = arith.constant 0 : i32
          %dma_wait3A_444 = arith.constant 0 : i32
          %dma_wait3A_445 = arith.constant 1 : i32
          %dma_wait3A_446 = arith.constant 0 : i32
          %dma_wait3A_447 = arith.constant 0 : i32
          %dma_wait3A_448 = arith.constant 0 : i32
          %dma_wait3A_449 = tpu.memref_slice %arg15[%dma_wait3A_443, %dma_wait3A_447, %dma_wait3A_448] : memref<6x128x32xf32, #tpu.memory_space<vmem>> -> memref<1x128x32xf32, #tpu.memory_space<vmem>>
          %dma_wait3A_450 = tpu.memref_squeeze %dma_wait3A_449 : memref<1x128x32xf32, #tpu.memory_space<vmem>> -> memref<128x32xf32, #tpu.memory_space<vmem>>
          %dma_wait3A_451 = arith.constant 0 : i32
          %dma_wait3A_452 = tpu.memref_slice %arg16[%dma_wait3A_444, %dma_wait3A_445, %dma_wait3A_446, %dma_wait3A_451] : memref<6x2x2x128xi32, #tpu.memory_space<vmem>> -> memref<1x1x1x128xi32, #tpu.memory_space<vmem>>
          %dma_wait3A_453 = tpu.memref_squeeze %dma_wait3A_452 : memref<1x1x1x128xi32, #tpu.memory_space<vmem>> -> memref<128xi32, #tpu.memory_space<vmem>>
          %dma_wait3A_454 = arith.constant 0 : i32
          %dma_wait3A_455 = arith.constant 0 : i32
          %dma_wait3A_456 = tpu.memref_slice %arg13[%dma_wait3A_454, %dma_wait3A_455] : memref<50048x32xf32, #tpu.memory_space<vmem_shared>> -> memref<50048x32xf32, #tpu.memory_space<vmem_shared>>
          tpu.wait_indirect_dma semaphore(%arg19 : memref<!tpu.dma_semaphore, #tpu.memory_space<semaphore_mem>>) src(%dma_wait3A_450 : memref<128x32xf32, #tpu.memory_space<vmem>>) dst(%dma_wait3A_456 : memref<50048x32xf32, #tpu.memory_space<vmem_shared>>)
          %dma_wait3A_457 = arith.constant 0 : i32
          %dma_wait3A_458 = arith.constant 1 : i32
          %dma_wait3A_459 = arith.constant 0 : i32
          %dma_wait3A_460 = arith.constant 0 : i32
          %dma_wait3A_461 = tpu.memref_slice %arg16[%dma_wait3A_457, %dma_wait3A_458, %dma_wait3A_459, %dma_wait3A_460] : memref<6x2x2x128xi32, #tpu.memory_space<vmem>> -> memref<1x1x1x128xi32, #tpu.memory_space<vmem>>
          %dma_wait3A_462 = tpu.memref_squeeze %dma_wait3A_461 : memref<1x1x1x128xi32, #tpu.memory_space<vmem>> -> memref<128xi32, #tpu.memory_space<vmem>>
          %dma_wait3A_463 = arith.constant 0 : i32
          %dma_wait3A_464 = tpu.memref_slice %arg14[%dma_wait3A_463] : memref<50048xf32, #tpu.memory_space<vmem_shared>> -> memref<50048xf32, #tpu.memory_space<vmem_shared>>
          tpu.wait_indirect_dma semaphore(%arg19 : memref<!tpu.dma_semaphore, #tpu.memory_space<semaphore_mem>>) src(%arg17 : memref<128xf32, #tpu.memory_space<vmem>>) dst(%dma_wait3A_464 : memref<50048xf32, #tpu.memory_space<vmem_shared>>)
        } else {
        }
        %jit3A_375 = arith.constant 2 : i32
        %eq3A_376 = arith.constant 0 : i32
        %eq3A_377 = arith.cmpi eq, %jit3A_375, %eq3A_376 : i32
        %jit3A_378 = arith.constant 1 : i32
        %select_n3A_379 = arith.select %eq3A_377, %jit3A_378, %jit3A_375 : i32
        %rem3A_380 = arith.remsi %while3A_270, %select_n3A_379 : i32
        %ne3A_381 = arith.constant 0 : i32
        %ne3A_382 = arith.cmpi ne, %rem3A_380, %ne3A_381 : i32
        %lt3A_383 = arith.constant 0 : i32
        %lt3A_384 = arith.cmpi slt, %rem3A_380, %lt3A_383 : i32
        %lt3A_385 = arith.constant 0 : i32
        %lt3A_386 = arith.cmpi slt, %select_n3A_379, %lt3A_385 : i32
        %ne3A_387 = arith.xori %lt3A_384, %lt3A_386 : i1
        %and3A_388 = arith.andi %ne3A_387, %ne3A_382 : i1
        %add3A_389 = arith.addi %rem3A_380, %select_n3A_379 : i32
        %select_n3A_390 = arith.select %and3A_388, %add3A_389, %rem3A_380 : i32
        %eq3A_391 = arith.constant 1 : i32
        %eq3A_392 = arith.cmpi eq, %select_n3A_390, %eq3A_391 : i32
        %add3A_393 = arith.constant 6 : i32
        %add3A_394 = arith.addi %while3A_270, %add3A_393 : i32
        %sub3A_395 = arith.constant 2 : i32
        %sub3A_396 = arith.subi %add3A_394, %sub3A_395 : i32
        %lt3A_397 = arith.cmpi slt, %sub3A_396, %select_n3A : i32
        %and3A_398 = arith.andi %eq3A_392, %lt3A_397 : i1
        %convert_element_type3A_399 = arith.extui %and3A_398 : i1 to i32
        %cond3A_400 = arith.constant 0 : i32
        %cond3A_401 = arith.cmpi ne, %convert_element_type3A_399, %cond3A_400 : i32
        scf.if %cond3A_401 {
          %dma_wait3A_443 = arith.constant 0 : i32
          %dma_wait3A_444 = arith.constant 0 : i32
          %dma_wait3A_445 = arith.constant 0 : i32
          %dma_wait3A_446 = arith.constant 0 : i32
          %dma_wait3A_447 = tpu.memref_slice %arg16[%dma_wait3A_443, %dma_wait3A_444, %dma_wait3A_445, %dma_wait3A_446] : memref<6x2x2x128xi32, #tpu.memory_space<vmem>> -> memref<1x2x2x128xi32, #tpu.memory_space<vmem>>
          %dma_wait3A_448 = tpu.memref_squeeze %dma_wait3A_447 : memref<1x2x2x128xi32, #tpu.memory_space<vmem>> -> memref<2x2x128xi32, #tpu.memory_space<vmem>>
          %dma_wait3A_449 = arith.constant 0 : i32
          %dma_wait3A_450 = arith.constant 0 : i32
          %dma_wait3A_451 = tpu.memref_slice %arg2[%dma_wait3A_449, %add3A, %dma_wait3A_450] : memref<2x6250x128xi32, #tpu.memory_space<hbm>> -> memref<2x2x128xi32, #tpu.memory_space<hbm>>
          %dma_wait3A_452 = arith.constant 0 : i32
          %dma_wait3A_453 = arith.constant 0 : i32
          %dma_wait3A_454 = arith.constant 0 : i32
          %dma_wait3A_455 = tpu.memref_slice %arg16[%dma_wait3A_443, %dma_wait3A_452, %dma_wait3A_453, %dma_wait3A_454] : memref<6x2x2x128xi32, #tpu.memory_space<vmem>> -> memref<1x2x2x128xi32, #tpu.memory_space<vmem>>
          %dma_wait3A_456 = tpu.memref_squeeze %dma_wait3A_455 : memref<1x2x2x128xi32, #tpu.memory_space<vmem>> -> memref<2x2x128xi32, #tpu.memory_space<vmem>>
          %dma_wait3A_457 = arith.constant 0 : i32
          %dma_wait3A_458 = arith.constant 0 : i32
          %dma_wait3A_459 = tpu.memref_slice %arg2[%dma_wait3A_457, %add3A, %dma_wait3A_458] : memref<2x6250x128xi32, #tpu.memory_space<hbm>> -> memref<2x2x128xi32, #tpu.memory_space<hbm>>
          tpu.wait_dma2 semaphore(%arg20 : memref<!tpu.dma_semaphore, #tpu.memory_space<semaphore_mem>>) src(%dma_wait3A_459 : memref<2x2x128xi32, #tpu.memory_space<hbm>>) dst(%dma_wait3A_456 : memref<2x2x128xi32, #tpu.memory_space<vmem>>)
        } else {
        }
        %add3A_402 = arith.constant 6 : i32
        %add3A_403 = arith.addi %while3A_270, %add3A_402 : i32
        %sub3A_404 = arith.constant 2 : i32
        %sub3A_405 = arith.subi %add3A_403, %sub3A_404 : i32
        %lt3A_406 = arith.cmpi slt, %sub3A_405, %select_n3A : i32
        %convert_element_type3A_407 = arith.extui %lt3A_406 : i1 to i32
        %cond3A_408 = arith.constant 0 : i32
        %cond3A_409 = arith.cmpi ne, %convert_element_type3A_407, %cond3A_408 : i32
        scf.if %cond3A_409 {
          %add3A_443 = arith.constant 6 : i32
          %add3A_444 = arith.addi %while3A_270, %add3A_443 : i32
          %sub3A_445 = arith.constant 2 : i32
          %sub3A_446 = arith.subi %add3A_444, %sub3A_445 : i32
          %jit3A_447 = arith.constant 2 : i32
          %div3A_448 = arith.divsi %sub3A_446, %jit3A_447 : i32
          %sign3A_449 = arith.constant 0 : i32
          %sign3A_450 = arith.cmpi sgt, %sub3A_446, %sign3A_449 : i32
          %sign3A_451 = arith.extui %sign3A_450 : i1 to i32
          %sign3A_452 = arith.constant 0 : i32
          %sign3A_453 = arith.cmpi slt, %sub3A_446, %sign3A_452 : i32
          %sign3A_454 = arith.extui %sign3A_453 : i1 to i32
          %sign3A_455 = arith.subi %sign3A_451, %sign3A_454 : i32
          %sign3A_456 = arith.constant 0 : i32
          %sign3A_457 = arith.cmpi sgt, %jit3A_447, %sign3A_456 : i32
          %sign3A_458 = arith.extui %sign3A_457 : i1 to i32
          %sign3A_459 = arith.constant 0 : i32
          %sign3A_460 = arith.cmpi slt, %jit3A_447, %sign3A_459 : i32
          %sign3A_461 = arith.extui %sign3A_460 : i1 to i32
          %sign3A_462 = arith.subi %sign3A_458, %sign3A_461 : i32
          %ne3A_463 = arith.cmpi ne, %sign3A_455, %sign3A_462 : i32
          %rem3A_464 = arith.remsi %sub3A_446, %jit3A_447 : i32
          %ne3A_465 = arith.constant 0 : i32
          %ne3A_466 = arith.cmpi ne, %rem3A_464, %ne3A_465 : i32
          %and3A_467 = arith.andi %ne3A_463, %ne3A_466 : i1
          %sub3A_468 = arith.constant 1 : i32
          %sub3A_469 = arith.subi %div3A_448, %sub3A_468 : i32
          %select_n3A_470 = arith.select %and3A_467, %sub3A_469, %div3A_448 : i32
          %jit3A_471 = arith.constant 6 : i32
          %eq3A_472 = arith.constant 0 : i32
          %eq3A_473 = arith.cmpi eq, %jit3A_471, %eq3A_472 : i32
          %jit3A_474 = arith.constant 1 : i32
          %select_n3A_475 = arith.select %eq3A_473, %jit3A_474, %jit3A_471 : i32
          %rem3A_476 = arith.remsi %select_n3A_470, %select_n3A_475 : i32
          %ne3A_477 = arith.constant 0 : i32
          %ne3A_478 = arith.cmpi ne, %rem3A_476, %ne3A_477 : i32
          %lt3A_479 = arith.constant 0 : i32
          %lt3A_480 = arith.cmpi slt, %rem3A_476, %lt3A_479 : i32
          %lt3A_481 = arith.constant 0 : i32
          %lt3A_482 = arith.cmpi slt, %select_n3A_475, %lt3A_481 : i32
          %ne3A_483 = arith.xori %lt3A_480, %lt3A_482 : i1
          %and3A_484 = arith.andi %ne3A_483, %ne3A_478 : i1
          %add3A_485 = arith.addi %rem3A_476, %select_n3A_475 : i32
          %select_n3A_486 = arith.select %and3A_484, %add3A_485, %rem3A_476 : i32
          %jit3A_487 = arith.constant 2 : i32
          %eq3A_488 = arith.constant 0 : i32
          %eq3A_489 = arith.cmpi eq, %jit3A_487, %eq3A_488 : i32
          %jit3A_490 = arith.constant 1 : i32
          %select_n3A_491 = arith.select %eq3A_489, %jit3A_490, %jit3A_487 : i32
          %rem3A_492 = arith.remsi %sub3A_446, %select_n3A_491 : i32
          %ne3A_493 = arith.constant 0 : i32
          %ne3A_494 = arith.cmpi ne, %rem3A_492, %ne3A_493 : i32
          %lt3A_495 = arith.constant 0 : i32
          %lt3A_496 = arith.cmpi slt, %rem3A_492, %lt3A_495 : i32
          %lt3A_497 = arith.constant 0 : i32
          %lt3A_498 = arith.cmpi slt, %select_n3A_491, %lt3A_497 : i32
          %ne3A_499 = arith.xori %lt3A_496, %lt3A_498 : i1
          %and3A_500 = arith.andi %ne3A_499, %ne3A_494 : i1
          %add3A_501 = arith.addi %rem3A_492, %select_n3A_491 : i32
          %select_n3A_502 = arith.select %and3A_500, %add3A_501, %rem3A_492 : i32
          %jit3A_503 = arith.constant 6 : i32
          %eq3A_504 = arith.constant 0 : i32
          %eq3A_505 = arith.cmpi eq, %jit3A_503, %eq3A_504 : i32
          %jit3A_506 = arith.constant 1 : i32
          %select_n3A_507 = arith.select %eq3A_505, %jit3A_506, %jit3A_503 : i32
          %rem3A_508 = arith.remsi %sub3A_446, %select_n3A_507 : i32
          %ne3A_509 = arith.constant 0 : i32
          %ne3A_510 = arith.cmpi ne, %rem3A_508, %ne3A_509 : i32
          %lt3A_511 = arith.constant 0 : i32
          %lt3A_512 = arith.cmpi slt, %rem3A_508, %lt3A_511 : i32
          %lt3A_513 = arith.constant 0 : i32
          %lt3A_514 = arith.cmpi slt, %select_n3A_507, %lt3A_513 : i32
          %ne3A_515 = arith.xori %lt3A_512, %lt3A_514 : i1
          %and3A_516 = arith.andi %ne3A_515, %ne3A_510 : i1
          %add3A_517 = arith.addi %rem3A_508, %select_n3A_507 : i32
          %select_n3A_518 = arith.select %and3A_516, %add3A_517, %rem3A_508 : i32
          %dma_start3A_519 = arith.constant 0 : i32
          %dma_start3A_520 = arith.constant 0 : i32
          %dma_start3A_521 = arith.constant 0 : i32
          %dma_start3A_522 = tpu.memref_slice %arg15[%select_n3A_518, %dma_start3A_520, %dma_start3A_521] : memref<6x128x32xf32, #tpu.memory_space<vmem>> -> memref<1x128x32xf32, #tpu.memory_space<vmem>>
          %dma_start3A_523 = tpu.memref_squeeze %dma_start3A_522 : memref<1x128x32xf32, #tpu.memory_space<vmem>> -> memref<128x32xf32, #tpu.memory_space<vmem>>
          %dma_start3A_524 = arith.constant 0 : i32
          %dma_start3A_525 = tpu.memref_slice %arg16[%select_n3A_486, %dma_start3A_519, %select_n3A_502, %dma_start3A_524] : memref<6x2x2x128xi32, #tpu.memory_space<vmem>> -> memref<1x1x1x128xi32, #tpu.memory_space<vmem>>
          %dma_start3A_526 = tpu.memref_squeeze %dma_start3A_525 : memref<1x1x1x128xi32, #tpu.memory_space<vmem>> -> memref<128xi32, #tpu.memory_space<vmem>>
          %dma_start3A_527 = arith.constant 0 : i32
          %dma_start3A_528 = arith.constant 0 : i32
          %dma_start3A_529 = tpu.memref_slice %arg3[%dma_start3A_527, %dma_start3A_528] : memref<10000x32xf32, #tpu.memory_space<hbm>> -> memref<10000x32xf32, #tpu.memory_space<hbm>>
          tpu.enqueue_indirect_dma source(%dma_start3A_529 : memref<10000x32xf32, #tpu.memory_space<hbm>>) target(%dma_start3A_523 : memref<128x32xf32, #tpu.memory_space<vmem>>) offsets(%dma_start3A_526 : memref<128xi32, #tpu.memory_space<vmem>>) semaphore(%arg18 : memref<!tpu.dma_semaphore, #tpu.memory_space<semaphore_mem>>)
        } else {
        }
        %sub3A_410 = arith.constant 1 : i32
        %sub3A_411 = arith.subi %while3A_270, %sub3A_410 : i32
        %jit3A_412 = arith.constant 2 : i32
        %div3A_413 = arith.divsi %sub3A_411, %jit3A_412 : i32
        %sign3A_414 = arith.constant 0 : i32
        %sign3A_415 = arith.cmpi sgt, %sub3A_411, %sign3A_414 : i32
        %sign3A_416 = arith.extui %sign3A_415 : i1 to i32
        %sign3A_417 = arith.constant 0 : i32
        %sign3A_418 = arith.cmpi slt, %sub3A_411, %sign3A_417 : i32
        %sign3A_419 = arith.extui %sign3A_418 : i1 to i32
        %sign3A_420 = arith.subi %sign3A_416, %sign3A_419 : i32
        %sign3A_421 = arith.constant 0 : i32
        %sign3A_422 = arith.cmpi sgt, %jit3A_412, %sign3A_421 : i32
        %sign3A_423 = arith.extui %sign3A_422 : i1 to i32
        %sign3A_424 = arith.constant 0 : i32
        %sign3A_425 = arith.cmpi slt, %jit3A_412, %sign3A_424 : i32
        %sign3A_426 = arith.extui %sign3A_425 : i1 to i32
        %sign3A_427 = arith.subi %sign3A_423, %sign3A_426 : i32
        %ne3A_428 = arith.cmpi ne, %sign3A_420, %sign3A_427 : i32
        %rem3A_429 = arith.remsi %sub3A_411, %jit3A_412 : i32
        %ne3A_430 = arith.constant 0 : i32
        %ne3A_431 = arith.cmpi ne, %rem3A_429, %ne3A_430 : i32
        %and3A_432 = arith.andi %ne3A_428, %ne3A_431 : i1
        %sub3A_433 = arith.constant 1 : i32
        %sub3A_434 = arith.subi %div3A_413, %sub3A_433 : i32
        %select_n3A_435 = arith.select %and3A_432, %sub3A_434, %div3A_413 : i32
        %add3A_436 = arith.constant 5 : i32
        %add3A_437 = arith.addi %select_n3A_435, %add3A_436 : i32
        %lt3A_438 = arith.cmpi slt, %add3A_437, %select_n3A_25 : i32
        %and3A_439 = arith.andi %eq3A_392, %lt3A_438 : i1
        %convert_element_type3A_440 = arith.extui %and3A_439 : i1 to i32
        %cond3A_441 = arith.constant 0 : i32
        %cond3A_442 = arith.cmpi ne, %convert_element_type3A_440, %cond3A_441 : i32
        scf.if %cond3A_442 {
          %sub3A_443 = arith.constant 1 : i32
          %sub3A_444 = arith.subi %while3A_270, %sub3A_443 : i32
          %jit3A_445 = arith.constant 2 : i32
          %div3A_446 = arith.divsi %sub3A_444, %jit3A_445 : i32
          %sign3A_447 = arith.constant 0 : i32
          %sign3A_448 = arith.cmpi sgt, %sub3A_444, %sign3A_447 : i32
          %sign3A_449 = arith.extui %sign3A_448 : i1 to i32
          %sign3A_450 = arith.constant 0 : i32
          %sign3A_451 = arith.cmpi slt, %sub3A_444, %sign3A_450 : i32
          %sign3A_452 = arith.extui %sign3A_451 : i1 to i32
          %sign3A_453 = arith.subi %sign3A_449, %sign3A_452 : i32
          %sign3A_454 = arith.constant 0 : i32
          %sign3A_455 = arith.cmpi sgt, %jit3A_445, %sign3A_454 : i32
          %sign3A_456 = arith.extui %sign3A_455 : i1 to i32
          %sign3A_457 = arith.constant 0 : i32
          %sign3A_458 = arith.cmpi slt, %jit3A_445, %sign3A_457 : i32
          %sign3A_459 = arith.extui %sign3A_458 : i1 to i32
          %sign3A_460 = arith.subi %sign3A_456, %sign3A_459 : i32
          %ne3A_461 = arith.cmpi ne, %sign3A_453, %sign3A_460 : i32
          %rem3A_462 = arith.remsi %sub3A_444, %jit3A_445 : i32
          %ne3A_463 = arith.constant 0 : i32
          %ne3A_464 = arith.cmpi ne, %rem3A_462, %ne3A_463 : i32
          %and3A_465 = arith.andi %ne3A_461, %ne3A_464 : i1
          %sub3A_466 = arith.constant 1 : i32
          %sub3A_467 = arith.subi %div3A_446, %sub3A_466 : i32
          %select_n3A_468 = arith.select %and3A_465, %sub3A_467, %div3A_446 : i32
          %add3A_469 = arith.constant 5 : i32
          %add3A_470 = arith.addi %select_n3A_468, %add3A_469 : i32
          %jit3A_471 = arith.constant 6 : i32
          %eq3A_472 = arith.constant 0 : i32
          %eq3A_473 = arith.cmpi eq, %jit3A_471, %eq3A_472 : i32
          %jit3A_474 = arith.constant 1 : i32
          %select_n3A_475 = arith.select %eq3A_473, %jit3A_474, %jit3A_471 : i32
          %rem3A_476 = arith.remsi %add3A_470, %select_n3A_475 : i32
          %ne3A_477 = arith.constant 0 : i32
          %ne3A_478 = arith.cmpi ne, %rem3A_476, %ne3A_477 : i32
          %lt3A_479 = arith.constant 0 : i32
          %lt3A_480 = arith.cmpi slt, %rem3A_476, %lt3A_479 : i32
          %lt3A_481 = arith.constant 0 : i32
          %lt3A_482 = arith.cmpi slt, %select_n3A_475, %lt3A_481 : i32
          %ne3A_483 = arith.xori %lt3A_480, %lt3A_482 : i1
          %and3A_484 = arith.andi %ne3A_483, %ne3A_478 : i1
          %add3A_485 = arith.addi %rem3A_476, %select_n3A_475 : i32
          %select_n3A_486 = arith.select %and3A_484, %add3A_485, %rem3A_476 : i32
          %mul3A_487 = arith.constant 2 : i32
          %mul3A_488 = arith.muli %add3A_470, %mul3A_487 : i32
          %add3A_489 = arith.addi %add3A, %mul3A_488 : i32
          %dma_start3A_490 = arith.constant 0 : i32
          %dma_start3A_491 = arith.constant 0 : i32
          %dma_start3A_492 = arith.constant 0 : i32
          %dma_start3A_493 = tpu.memref_slice %arg16[%select_n3A_486, %dma_start3A_490, %dma_start3A_491, %dma_start3A_492] : memref<6x2x2x128xi32, #tpu.memory_space<vmem>> -> memref<1x2x2x128xi32, #tpu.memory_space<vmem>>
          %dma_start3A_494 = tpu.memref_squeeze %dma_start3A_493 : memref<1x2x2x128xi32, #tpu.memory_space<vmem>> -> memref<2x2x128xi32, #tpu.memory_space<vmem>>
          %dma_start3A_495 = arith.constant 0 : i32
          %dma_start3A_496 = arith.constant 0 : i32
          %dma_start3A_497 = tpu.memref_slice %arg2[%dma_start3A_495, %add3A_489, %dma_start3A_496] : memref<2x6250x128xi32, #tpu.memory_space<hbm>> -> memref<2x2x128xi32, #tpu.memory_space<hbm>>
          %dma_start3A_498 = arith.constant 0 : i32
          %dma_start3A_499 = arith.constant 0 : i32
          %dma_start3A_500 = arith.constant 0 : i32
          %dma_start3A_501 = tpu.memref_slice %arg16[%select_n3A_486, %dma_start3A_498, %dma_start3A_499, %dma_start3A_500] : memref<6x2x2x128xi32, #tpu.memory_space<vmem>> -> memref<1x2x2x128xi32, #tpu.memory_space<vmem>>
          %dma_start3A_502 = tpu.memref_squeeze %dma_start3A_501 : memref<1x2x2x128xi32, #tpu.memory_space<vmem>> -> memref<2x2x128xi32, #tpu.memory_space<vmem>>
          %dma_start3A_503 = arith.constant 0 : i32
          %dma_start3A_504 = arith.constant 0 : i32
          %dma_start3A_505 = tpu.memref_slice %arg2[%dma_start3A_503, %add3A_489, %dma_start3A_504] : memref<2x6250x128xi32, #tpu.memory_space<hbm>> -> memref<2x2x128xi32, #tpu.memory_space<hbm>>
          tpu.enqueue_dma source(%dma_start3A_505 : memref<2x2x128xi32, #tpu.memory_space<hbm>>) target(%dma_start3A_502 : memref<2x2x128xi32, #tpu.memory_space<vmem>>) target_semaphore(%arg20 : memref<!tpu.dma_semaphore, #tpu.memory_space<semaphore_mem>>)
        } else {
        }
      }
      %dma_wait3A_225 = arith.constant 0 : i32
      %dma_wait3A_226 = arith.constant 0 : i32
      %dma_wait3A_227 = arith.constant 1 : i32
      %dma_wait3A_228 = arith.constant 0 : i32
      %dma_wait3A_229 = arith.constant 0 : i32
      %dma_wait3A_230 = arith.constant 0 : i32
      %dma_wait3A_231 = tpu.memref_slice %arg15[%dma_wait3A_225, %dma_wait3A_229, %dma_wait3A_230] : memref<6x128x32xf32, #tpu.memory_space<vmem>> -> memref<1x128x32xf32, #tpu.memory_space<vmem>>
      %dma_wait3A_232 = tpu.memref_squeeze %dma_wait3A_231 : memref<1x128x32xf32, #tpu.memory_space<vmem>> -> memref<128x32xf32, #tpu.memory_space<vmem>>
      %dma_wait3A_233 = arith.constant 0 : i32
      %dma_wait3A_234 = tpu.memref_slice %arg16[%dma_wait3A_226, %dma_wait3A_227, %dma_wait3A_228, %dma_wait3A_233] : memref<6x2x2x128xi32, #tpu.memory_space<vmem>> -> memref<1x1x1x128xi32, #tpu.memory_space<vmem>>
      %dma_wait3A_235 = tpu.memref_squeeze %dma_wait3A_234 : memref<1x1x1x128xi32, #tpu.memory_space<vmem>> -> memref<128xi32, #tpu.memory_space<vmem>>
      %dma_wait3A_236 = arith.constant 0 : i32
      %dma_wait3A_237 = arith.constant 0 : i32
      %dma_wait3A_238 = tpu.memref_slice %arg13[%dma_wait3A_236, %dma_wait3A_237] : memref<50048x32xf32, #tpu.memory_space<vmem_shared>> -> memref<50048x32xf32, #tpu.memory_space<vmem_shared>>
      tpu.wait_indirect_dma semaphore(%arg19 : memref<!tpu.dma_semaphore, #tpu.memory_space<semaphore_mem>>) src(%dma_wait3A_232 : memref<128x32xf32, #tpu.memory_space<vmem>>) dst(%dma_wait3A_238 : memref<50048x32xf32, #tpu.memory_space<vmem_shared>>)
      %dma_wait3A_239 = arith.constant 0 : i32
      %dma_wait3A_240 = arith.constant 1 : i32
      %dma_wait3A_241 = arith.constant 0 : i32
      %dma_wait3A_242 = arith.constant 0 : i32
      %dma_wait3A_243 = tpu.memref_slice %arg16[%dma_wait3A_239, %dma_wait3A_240, %dma_wait3A_241, %dma_wait3A_242] : memref<6x2x2x128xi32, #tpu.memory_space<vmem>> -> memref<1x1x1x128xi32, #tpu.memory_space<vmem>>
      %dma_wait3A_244 = tpu.memref_squeeze %dma_wait3A_243 : memref<1x1x1x128xi32, #tpu.memory_space<vmem>> -> memref<128xi32, #tpu.memory_space<vmem>>
      %dma_wait3A_245 = arith.constant 0 : i32
      %dma_wait3A_246 = tpu.memref_slice %arg14[%dma_wait3A_245] : memref<50048xf32, #tpu.memory_space<vmem_shared>> -> memref<50048xf32, #tpu.memory_space<vmem_shared>>
      tpu.wait_indirect_dma semaphore(%arg19 : memref<!tpu.dma_semaphore, #tpu.memory_space<semaphore_mem>>) src(%arg17 : memref<128xf32, #tpu.memory_space<vmem>>) dst(%dma_wait3A_246 : memref<50048xf32, #tpu.memory_space<vmem_shared>>)
      %dma_wait3A_247 = arith.constant 0 : i32
      %dma_wait3A_248 = arith.constant 0 : i32
      %dma_wait3A_249 = arith.constant 1 : i32
      %dma_wait3A_250 = arith.constant 0 : i32
      %dma_wait3A_251 = arith.constant 0 : i32
      %dma_wait3A_252 = arith.constant 0 : i32
      %dma_wait3A_253 = tpu.memref_slice %arg15[%dma_wait3A_247, %dma_wait3A_251, %dma_wait3A_252] : memref<6x128x32xf32, #tpu.memory_space<vmem>> -> memref<1x128x32xf32, #tpu.memory_space<vmem>>
      %dma_wait3A_254 = tpu.memref_squeeze %dma_wait3A_253 : memref<1x128x32xf32, #tpu.memory_space<vmem>> -> memref<128x32xf32, #tpu.memory_space<vmem>>
      %dma_wait3A_255 = arith.constant 0 : i32
      %dma_wait3A_256 = tpu.memref_slice %arg16[%dma_wait3A_248, %dma_wait3A_249, %dma_wait3A_250, %dma_wait3A_255] : memref<6x2x2x128xi32, #tpu.memory_space<vmem>> -> memref<1x1x1x128xi32, #tpu.memory_space<vmem>>
      %dma_wait3A_257 = tpu.memref_squeeze %dma_wait3A_256 : memref<1x1x1x128xi32, #tpu.memory_space<vmem>> -> memref<128xi32, #tpu.memory_space<vmem>>
      %dma_wait3A_258 = arith.constant 0 : i32
      %dma_wait3A_259 = arith.constant 0 : i32
      %dma_wait3A_260 = tpu.memref_slice %arg13[%dma_wait3A_258, %dma_wait3A_259] : memref<50048x32xf32, #tpu.memory_space<vmem_shared>> -> memref<50048x32xf32, #tpu.memory_space<vmem_shared>>
      tpu.wait_indirect_dma semaphore(%arg19 : memref<!tpu.dma_semaphore, #tpu.memory_space<semaphore_mem>>) src(%dma_wait3A_254 : memref<128x32xf32, #tpu.memory_space<vmem>>) dst(%dma_wait3A_260 : memref<50048x32xf32, #tpu.memory_space<vmem_shared>>)
      %dma_wait3A_261 = arith.constant 0 : i32
      %dma_wait3A_262 = arith.constant 1 : i32
      %dma_wait3A_263 = arith.constant 0 : i32
      %dma_wait3A_264 = arith.constant 0 : i32
      %dma_wait3A_265 = tpu.memref_slice %arg16[%dma_wait3A_261, %dma_wait3A_262, %dma_wait3A_263, %dma_wait3A_264] : memref<6x2x2x128xi32, #tpu.memory_space<vmem>> -> memref<1x1x1x128xi32, #tpu.memory_space<vmem>>
      %dma_wait3A_266 = tpu.memref_squeeze %dma_wait3A_265 : memref<1x1x1x128xi32, #tpu.memory_space<vmem>> -> memref<128xi32, #tpu.memory_space<vmem>>
      %dma_wait3A_267 = arith.constant 0 : i32
      %dma_wait3A_268 = tpu.memref_slice %arg14[%dma_wait3A_267] : memref<50048xf32, #tpu.memory_space<vmem_shared>> -> memref<50048xf32, #tpu.memory_space<vmem_shared>>
      tpu.wait_indirect_dma semaphore(%arg19 : memref<!tpu.dma_semaphore, #tpu.memory_space<semaphore_mem>>) src(%arg17 : memref<128xf32, #tpu.memory_space<vmem>>) dst(%dma_wait3A_268 : memref<50048xf32, #tpu.memory_space<vmem_shared>>)
      %barrier3A_269 = arith.constant 0 : index
      tpu.barrier barrier_id(%barrier3A_269)
      "tpu.region"() ({
        %run_scoped3A = tpu.sem_alloc : memref<!tpu.dma_semaphore, #tpu.memory_space<semaphore_mem>>
        %dma_start3A_270 = arith.constant 0 : i32
        %dma_start3A_271 = tpu.memref_slice %arg9[%mul3A_0, %dma_start3A_270] : memref<50048x32xf32, #tpu.memory_space<hbm>> -> memref<3128x32xf32, #tpu.memory_space<hbm>>
        %dma_start3A_272 = arith.constant 0 : i32
        %dma_start3A_273 = tpu.memref_slice %arg13[%mul3A_0, %dma_start3A_272] : memref<50048x32xf32, #tpu.memory_space<vmem_shared>> -> memref<3128x32xf32, #tpu.memory_space<vmem_shared>>
        tpu.enqueue_dma source(%dma_start3A_273 : memref<3128x32xf32, #tpu.memory_space<vmem_shared>>) target(%dma_start3A_271 : memref<3128x32xf32, #tpu.memory_space<hbm>>) target_semaphore(%run_scoped3A : memref<!tpu.dma_semaphore, #tpu.memory_space<semaphore_mem>>)
        %dma_wait3A_274 = arith.constant 0 : i32
        %dma_wait3A_275 = tpu.memref_slice %arg9[%mul3A_0, %dma_wait3A_274] : memref<50048x32xf32, #tpu.memory_space<hbm>> -> memref<3128x32xf32, #tpu.memory_space<hbm>>
        %dma_wait3A_276 = arith.constant 0 : i32
        %dma_wait3A_277 = tpu.memref_slice %arg13[%mul3A_0, %dma_wait3A_276] : memref<50048x32xf32, #tpu.memory_space<vmem_shared>> -> memref<3128x32xf32, #tpu.memory_space<vmem_shared>>
        tpu.wait_dma2 semaphore(%run_scoped3A : memref<!tpu.dma_semaphore, #tpu.memory_space<semaphore_mem>>) src(%dma_wait3A_277 : memref<3128x32xf32, #tpu.memory_space<vmem_shared>>) dst(%dma_wait3A_275 : memref<3128x32xf32, #tpu.memory_space<hbm>>)
        tpu.yield
      }) : () -> ()
      "tpu.region"() ({
        %run_scoped3A = tpu.sem_alloc : memref<!tpu.dma_semaphore, #tpu.memory_space<semaphore_mem>>
        %dma_start3A_270 = tpu.memref_slice %arg10[%mul3A_0] : memref<50048xf32, #tpu.memory_space<hbm>> -> memref<3128xf32, #tpu.memory_space<hbm>>
        %dma_start3A_271 = tpu.memref_slice %arg14[%mul3A_0] : memref<50048xf32, #tpu.memory_space<vmem_shared>> -> memref<3128xf32, #tpu.memory_space<vmem_shared>>
        tpu.enqueue_dma source(%dma_start3A_271 : memref<3128xf32, #tpu.memory_space<vmem_shared>>) target(%dma_start3A_270 : memref<3128xf32, #tpu.memory_space<hbm>>) target_semaphore(%run_scoped3A : memref<!tpu.dma_semaphore, #tpu.memory_space<semaphore_mem>>)
        %dma_wait3A_272 = tpu.memref_slice %arg10[%mul3A_0] : memref<50048xf32, #tpu.memory_space<hbm>> -> memref<3128xf32, #tpu.memory_space<hbm>>
        %dma_wait3A_273 = tpu.memref_slice %arg14[%mul3A_0] : memref<50048xf32, #tpu.memory_space<vmem_shared>> -> memref<3128xf32, #tpu.memory_space<vmem_shared>>
        tpu.wait_dma2 semaphore(%run_scoped3A : memref<!tpu.dma_semaphore, #tpu.memory_space<semaphore_mem>>) src(%dma_wait3A_273 : memref<3128xf32, #tpu.memory_space<vmem_shared>>) dst(%dma_wait3A_272 : memref<3128xf32, #tpu.memory_space<hbm>>)
        tpu.yield
      }) : () -> ()
    } else {
    }
    %eq3A_28 = arith.constant 1 : i32
    %eq3A_29 = arith.cmpi eq, %arg0, %eq3A_28 : i32
    %convert_element_type3A_30 = arith.extui %eq3A_29 : i1 to i32
    %cond3A_31 = arith.constant 0 : i32
    %cond3A_32 = arith.cmpi ne, %convert_element_type3A_30, %cond3A_31 : i32
    scf.if %cond3A_32 {
      %add3A_33 = arith.constant 0 : i32
      %add3A_34 = arith.addi %add3A, %add3A_33 : i32
      %dma_start3A = arith.constant 0 : i32
      %dma_start3A_35 = arith.constant 0 : i32
      %dma_start3A_36 = arith.constant 0 : i32
      %dma_start3A_37 = arith.constant 0 : i32
      %dma_start3A_38 = tpu.memref_slice %arg16[%dma_start3A, %dma_start3A_35, %dma_start3A_36, %dma_start3A_37] : memref<6x2x2x128xi32, #tpu.memory_space<vmem>> -> memref<1x2x2x128xi32, #tpu.memory_space<vmem>>
      %dma_start3A_39 = tpu.memref_squeeze %dma_start3A_38 : memref<1x2x2x128xi32, #tpu.memory_space<vmem>> -> memref<2x2x128xi32, #tpu.memory_space<vmem>>
      %dma_start3A_40 = arith.constant 0 : i32
      %dma_start3A_41 = arith.constant 0 : i32
      %dma_start3A_42 = tpu.memref_slice %arg4[%dma_start3A_40, %add3A_34, %dma_start3A_41] : memref<2x6250x128xi32, #tpu.memory_space<hbm>> -> memref<2x2x128xi32, #tpu.memory_space<hbm>>
      %dma_start3A_43 = arith.constant 0 : i32
      %dma_start3A_44 = arith.constant 0 : i32
      %dma_start3A_45 = arith.constant 0 : i32
      %dma_start3A_46 = tpu.memref_slice %arg16[%dma_start3A, %dma_start3A_43, %dma_start3A_44, %dma_start3A_45] : memref<6x2x2x128xi32, #tpu.memory_space<vmem>> -> memref<1x2x2x128xi32, #tpu.memory_space<vmem>>
      %dma_start3A_47 = tpu.memref_squeeze %dma_start3A_46 : memref<1x2x2x128xi32, #tpu.memory_space<vmem>> -> memref<2x2x128xi32, #tpu.memory_space<vmem>>
      %dma_start3A_48 = arith.constant 0 : i32
      %dma_start3A_49 = arith.constant 0 : i32
      %dma_start3A_50 = tpu.memref_slice %arg4[%dma_start3A_48, %add3A_34, %dma_start3A_49] : memref<2x6250x128xi32, #tpu.memory_space<hbm>> -> memref<2x2x128xi32, #tpu.memory_space<hbm>>
      tpu.enqueue_dma source(%dma_start3A_50 : memref<2x2x128xi32, #tpu.memory_space<hbm>>) target(%dma_start3A_47 : memref<2x2x128xi32, #tpu.memory_space<vmem>>) target_semaphore(%arg20 : memref<!tpu.dma_semaphore, #tpu.memory_space<semaphore_mem>>)
      %add3A_51 = arith.constant 2 : i32
      %add3A_52 = arith.addi %add3A, %add3A_51 : i32
      %dma_start3A_53 = arith.constant 1 : i32
      %dma_start3A_54 = arith.constant 0 : i32
      %dma_start3A_55 = arith.constant 0 : i32
      %dma_start3A_56 = arith.constant 0 : i32
      %dma_start3A_57 = tpu.memref_slice %arg16[%dma_start3A_53, %dma_start3A_54, %dma_start3A_55, %dma_start3A_56] : memref<6x2x2x128xi32, #tpu.memory_space<vmem>> -> memref<1x2x2x128xi32, #tpu.memory_space<vmem>>
      %dma_start3A_58 = tpu.memref_squeeze %dma_start3A_57 : memref<1x2x2x128xi32, #tpu.memory_space<vmem>> -> memref<2x2x128xi32, #tpu.memory_space<vmem>>
      %dma_start3A_59 = arith.constant 0 : i32
      %dma_start3A_60 = arith.constant 0 : i32
      %dma_start3A_61 = tpu.memref_slice %arg4[%dma_start3A_59, %add3A_52, %dma_start3A_60] : memref<2x6250x128xi32, #tpu.memory_space<hbm>> -> memref<2x2x128xi32, #tpu.memory_space<hbm>>
      %dma_start3A_62 = arith.constant 0 : i32
      %dma_start3A_63 = arith.constant 0 : i32
      %dma_start3A_64 = arith.constant 0 : i32
      %dma_start3A_65 = tpu.memref_slice %arg16[%dma_start3A_53, %dma_start3A_62, %dma_start3A_63, %dma_start3A_64] : memref<6x2x2x128xi32, #tpu.memory_space<vmem>> -> memref<1x2x2x128xi32, #tpu.memory_space<vmem>>
      %dma_start3A_66 = tpu.memref_squeeze %dma_start3A_65 : memref<1x2x2x128xi32, #tpu.memory_space<vmem>> -> memref<2x2x128xi32, #tpu.memory_space<vmem>>
      %dma_start3A_67 = arith.constant 0 : i32
      %dma_start3A_68 = arith.constant 0 : i32
      %dma_start3A_69 = tpu.memref_slice %arg4[%dma_start3A_67, %add3A_52, %dma_start3A_68] : memref<2x6250x128xi32, #tpu.memory_space<hbm>> -> memref<2x2x128xi32, #tpu.memory_space<hbm>>
      tpu.enqueue_dma source(%dma_start3A_69 : memref<2x2x128xi32, #tpu.memory_space<hbm>>) target(%dma_start3A_66 : memref<2x2x128xi32, #tpu.memory_space<vmem>>) target_semaphore(%arg20 : memref<!tpu.dma_semaphore, #tpu.memory_space<semaphore_mem>>)
      %add3A_70 = arith.constant 4 : i32
      %add3A_71 = arith.addi %add3A, %add3A_70 : i32
      %dma_start3A_72 = arith.constant 2 : i32
      %dma_start3A_73 = arith.constant 0 : i32
      %dma_start3A_74 = arith.constant 0 : i32
      %dma_start3A_75 = arith.constant 0 : i32
      %dma_start3A_76 = tpu.memref_slice %arg16[%dma_start3A_72, %dma_start3A_73, %dma_start3A_74, %dma_start3A_75] : memref<6x2x2x128xi32, #tpu.memory_space<vmem>> -> memref<1x2x2x128xi32, #tpu.memory_space<vmem>>
      %dma_start3A_77 = tpu.memref_squeeze %dma_start3A_76 : memref<1x2x2x128xi32, #tpu.memory_space<vmem>> -> memref<2x2x128xi32, #tpu.memory_space<vmem>>
      %dma_start3A_78 = arith.constant 0 : i32
      %dma_start3A_79 = arith.constant 0 : i32
      %dma_start3A_80 = tpu.memref_slice %arg4[%dma_start3A_78, %add3A_71, %dma_start3A_79] : memref<2x6250x128xi32, #tpu.memory_space<hbm>> -> memref<2x2x128xi32, #tpu.memory_space<hbm>>
      %dma_start3A_81 = arith.constant 0 : i32
      %dma_start3A_82 = arith.constant 0 : i32
      %dma_start3A_83 = arith.constant 0 : i32
      %dma_start3A_84 = tpu.memref_slice %arg16[%dma_start3A_72, %dma_start3A_81, %dma_start3A_82, %dma_start3A_83] : memref<6x2x2x128xi32, #tpu.memory_space<vmem>> -> memref<1x2x2x128xi32, #tpu.memory_space<vmem>>
      %dma_start3A_85 = tpu.memref_squeeze %dma_start3A_84 : memref<1x2x2x128xi32, #tpu.memory_space<vmem>> -> memref<2x2x128xi32, #tpu.memory_space<vmem>>
      %dma_start3A_86 = arith.constant 0 : i32
      %dma_start3A_87 = arith.constant 0 : i32
      %dma_start3A_88 = tpu.memref_slice %arg4[%dma_start3A_86, %add3A_71, %dma_start3A_87] : memref<2x6250x128xi32, #tpu.memory_space<hbm>> -> memref<2x2x128xi32, #tpu.memory_space<hbm>>
      tpu.enqueue_dma source(%dma_start3A_88 : memref<2x2x128xi32, #tpu.memory_space<hbm>>) target(%dma_start3A_85 : memref<2x2x128xi32, #tpu.memory_space<vmem>>) target_semaphore(%arg20 : memref<!tpu.dma_semaphore, #tpu.memory_space<semaphore_mem>>)
      %add3A_89 = arith.constant 6 : i32
      %add3A_90 = arith.addi %add3A, %add3A_89 : i32
      %dma_start3A_91 = arith.constant 3 : i32
      %dma_start3A_92 = arith.constant 0 : i32
      %dma_start3A_93 = arith.constant 0 : i32
      %dma_start3A_94 = arith.constant 0 : i32
      %dma_start3A_95 = tpu.memref_slice %arg16[%dma_start3A_91, %dma_start3A_92, %dma_start3A_93, %dma_start3A_94] : memref<6x2x2x128xi32, #tpu.memory_space<vmem>> -> memref<1x2x2x128xi32, #tpu.memory_space<vmem>>
      %dma_start3A_96 = tpu.memref_squeeze %dma_start3A_95 : memref<1x2x2x128xi32, #tpu.memory_space<vmem>> -> memref<2x2x128xi32, #tpu.memory_space<vmem>>
      %dma_start3A_97 = arith.constant 0 : i32
      %dma_start3A_98 = arith.constant 0 : i32
      %dma_start3A_99 = tpu.memref_slice %arg4[%dma_start3A_97, %add3A_90, %dma_start3A_98] : memref<2x6250x128xi32, #tpu.memory_space<hbm>> -> memref<2x2x128xi32, #tpu.memory_space<hbm>>
      %dma_start3A_100 = arith.constant 0 : i32
      %dma_start3A_101 = arith.constant 0 : i32
      %dma_start3A_102 = arith.constant 0 : i32
      %dma_start3A_103 = tpu.memref_slice %arg16[%dma_start3A_91, %dma_start3A_100, %dma_start3A_101, %dma_start3A_102] : memref<6x2x2x128xi32, #tpu.memory_space<vmem>> -> memref<1x2x2x128xi32, #tpu.memory_space<vmem>>
      %dma_start3A_104 = tpu.memref_squeeze %dma_start3A_103 : memref<1x2x2x128xi32, #tpu.memory_space<vmem>> -> memref<2x2x128xi32, #tpu.memory_space<vmem>>
      %dma_start3A_105 = arith.constant 0 : i32
      %dma_start3A_106 = arith.constant 0 : i32
      %dma_start3A_107 = tpu.memref_slice %arg4[%dma_start3A_105, %add3A_90, %dma_start3A_106] : memref<2x6250x128xi32, #tpu.memory_space<hbm>> -> memref<2x2x128xi32, #tpu.memory_space<hbm>>
      tpu.enqueue_dma source(%dma_start3A_107 : memref<2x2x128xi32, #tpu.memory_space<hbm>>) target(%dma_start3A_104 : memref<2x2x128xi32, #tpu.memory_space<vmem>>) target_semaphore(%arg20 : memref<!tpu.dma_semaphore, #tpu.memory_space<semaphore_mem>>)
      %add3A_108 = arith.constant 8 : i32
      %add3A_109 = arith.addi %add3A, %add3A_108 : i32
      %dma_start3A_110 = arith.constant 4 : i32
      %dma_start3A_111 = arith.constant 0 : i32
      %dma_start3A_112 = arith.constant 0 : i32
      %dma_start3A_113 = arith.constant 0 : i32
      %dma_start3A_114 = tpu.memref_slice %arg16[%dma_start3A_110, %dma_start3A_111, %dma_start3A_112, %dma_start3A_113] : memref<6x2x2x128xi32, #tpu.memory_space<vmem>> -> memref<1x2x2x128xi32, #tpu.memory_space<vmem>>
      %dma_start3A_115 = tpu.memref_squeeze %dma_start3A_114 : memref<1x2x2x128xi32, #tpu.memory_space<vmem>> -> memref<2x2x128xi32, #tpu.memory_space<vmem>>
      %dma_start3A_116 = arith.constant 0 : i32
      %dma_start3A_117 = arith.constant 0 : i32
      %dma_start3A_118 = tpu.memref_slice %arg4[%dma_start3A_116, %add3A_109, %dma_start3A_117] : memref<2x6250x128xi32, #tpu.memory_space<hbm>> -> memref<2x2x128xi32, #tpu.memory_space<hbm>>
      %dma_start3A_119 = arith.constant 0 : i32
      %dma_start3A_120 = arith.constant 0 : i32
      %dma_start3A_121 = arith.constant 0 : i32
      %dma_start3A_122 = tpu.memref_slice %arg16[%dma_start3A_110, %dma_start3A_119, %dma_start3A_120, %dma_start3A_121] : memref<6x2x2x128xi32, #tpu.memory_space<vmem>> -> memref<1x2x2x128xi32, #tpu.memory_space<vmem>>
      %dma_start3A_123 = tpu.memref_squeeze %dma_start3A_122 : memref<1x2x2x128xi32, #tpu.memory_space<vmem>> -> memref<2x2x128xi32, #tpu.memory_space<vmem>>
      %dma_start3A_124 = arith.constant 0 : i32
      %dma_start3A_125 = arith.constant 0 : i32
      %dma_start3A_126 = tpu.memref_slice %arg4[%dma_start3A_124, %add3A_109, %dma_start3A_125] : memref<2x6250x128xi32, #tpu.memory_space<hbm>> -> memref<2x2x128xi32, #tpu.memory_space<hbm>>
      tpu.enqueue_dma source(%dma_start3A_126 : memref<2x2x128xi32, #tpu.memory_space<hbm>>) target(%dma_start3A_123 : memref<2x2x128xi32, #tpu.memory_space<vmem>>) target_semaphore(%arg20 : memref<!tpu.dma_semaphore, #tpu.memory_space<semaphore_mem>>)
      %dma_wait3A = arith.constant 0 : i32
      %dma_wait3A_127 = arith.constant 0 : i32
      %dma_wait3A_128 = arith.constant 0 : i32
      %dma_wait3A_129 = arith.constant 0 : i32
      %dma_wait3A_130 = tpu.memref_slice %arg16[%dma_wait3A, %dma_wait3A_127, %dma_wait3A_128, %dma_wait3A_129] : memref<6x2x2x128xi32, #tpu.memory_space<vmem>> -> memref<1x2x2x128xi32, #tpu.memory_space<vmem>>
      %dma_wait3A_131 = tpu.memref_squeeze %dma_wait3A_130 : memref<1x2x2x128xi32, #tpu.memory_space<vmem>> -> memref<2x2x128xi32, #tpu.memory_space<vmem>>
      %dma_wait3A_132 = arith.constant 0 : i32
      %dma_wait3A_133 = arith.constant 0 : i32
      %dma_wait3A_134 = tpu.memref_slice %arg4[%dma_wait3A_132, %add3A, %dma_wait3A_133] : memref<2x6250x128xi32, #tpu.memory_space<hbm>> -> memref<2x2x128xi32, #tpu.memory_space<hbm>>
      %dma_wait3A_135 = arith.constant 0 : i32
      %dma_wait3A_136 = arith.constant 0 : i32
      %dma_wait3A_137 = arith.constant 0 : i32
      %dma_wait3A_138 = tpu.memref_slice %arg16[%dma_wait3A, %dma_wait3A_135, %dma_wait3A_136, %dma_wait3A_137] : memref<6x2x2x128xi32, #tpu.memory_space<vmem>> -> memref<1x2x2x128xi32, #tpu.memory_space<vmem>>
      %dma_wait3A_139 = tpu.memref_squeeze %dma_wait3A_138 : memref<1x2x2x128xi32, #tpu.memory_space<vmem>> -> memref<2x2x128xi32, #tpu.memory_space<vmem>>
      %dma_wait3A_140 = arith.constant 0 : i32
      %dma_wait3A_141 = arith.constant 0 : i32
      %dma_wait3A_142 = tpu.memref_slice %arg4[%dma_wait3A_140, %add3A, %dma_wait3A_141] : memref<2x6250x128xi32, #tpu.memory_space<hbm>> -> memref<2x2x128xi32, #tpu.memory_space<hbm>>
      tpu.wait_dma2 semaphore(%arg20 : memref<!tpu.dma_semaphore, #tpu.memory_space<semaphore_mem>>) src(%dma_wait3A_142 : memref<2x2x128xi32, #tpu.memory_space<hbm>>) dst(%dma_wait3A_139 : memref<2x2x128xi32, #tpu.memory_space<vmem>>)
      %dma_wait3A_143 = arith.constant 0 : i32
      %dma_wait3A_144 = arith.constant 0 : i32
      %dma_wait3A_145 = arith.constant 0 : i32
      %dma_wait3A_146 = arith.constant 0 : i32
      %dma_wait3A_147 = tpu.memref_slice %arg16[%dma_wait3A_143, %dma_wait3A_144, %dma_wait3A_145, %dma_wait3A_146] : memref<6x2x2x128xi32, #tpu.memory_space<vmem>> -> memref<1x2x2x128xi32, #tpu.memory_space<vmem>>
      %dma_wait3A_148 = tpu.memref_squeeze %dma_wait3A_147 : memref<1x2x2x128xi32, #tpu.memory_space<vmem>> -> memref<2x2x128xi32, #tpu.memory_space<vmem>>
      %dma_wait3A_149 = arith.constant 0 : i32
      %dma_wait3A_150 = arith.constant 0 : i32
      %dma_wait3A_151 = tpu.memref_slice %arg4[%dma_wait3A_149, %add3A, %dma_wait3A_150] : memref<2x6250x128xi32, #tpu.memory_space<hbm>> -> memref<2x2x128xi32, #tpu.memory_space<hbm>>
      %dma_wait3A_152 = arith.constant 0 : i32
      %dma_wait3A_153 = arith.constant 0 : i32
      %dma_wait3A_154 = arith.constant 0 : i32
      %dma_wait3A_155 = tpu.memref_slice %arg16[%dma_wait3A_143, %dma_wait3A_152, %dma_wait3A_153, %dma_wait3A_154] : memref<6x2x2x128xi32, #tpu.memory_space<vmem>> -> memref<1x2x2x128xi32, #tpu.memory_space<vmem>>
      %dma_wait3A_156 = tpu.memref_squeeze %dma_wait3A_155 : memref<1x2x2x128xi32, #tpu.memory_space<vmem>> -> memref<2x2x128xi32, #tpu.memory_space<vmem>>
      %dma_wait3A_157 = arith.constant 0 : i32
      %dma_wait3A_158 = arith.constant 0 : i32
      %dma_wait3A_159 = tpu.memref_slice %arg4[%dma_wait3A_157, %add3A, %dma_wait3A_158] : memref<2x6250x128xi32, #tpu.memory_space<hbm>> -> memref<2x2x128xi32, #tpu.memory_space<hbm>>
      tpu.wait_dma2 semaphore(%arg20 : memref<!tpu.dma_semaphore, #tpu.memory_space<semaphore_mem>>) src(%dma_wait3A_159 : memref<2x2x128xi32, #tpu.memory_space<hbm>>) dst(%dma_wait3A_156 : memref<2x2x128xi32, #tpu.memory_space<vmem>>)
      %dma_start3A_160 = arith.constant 0 : i32
      %dma_start3A_161 = arith.constant 0 : i32
      %dma_start3A_162 = arith.constant 0 : i32
      %dma_start3A_163 = arith.constant 0 : i32
      %dma_start3A_164 = arith.constant 0 : i32
      %dma_start3A_165 = arith.constant 0 : i32
      %dma_start3A_166 = tpu.memref_slice %arg15[%dma_start3A_163, %dma_start3A_164, %dma_start3A_165] : memref<6x128x32xf32, #tpu.memory_space<vmem>> -> memref<1x128x32xf32, #tpu.memory_space<vmem>>
      %dma_start3A_167 = tpu.memref_squeeze %dma_start3A_166 : memref<1x128x32xf32, #tpu.memory_space<vmem>> -> memref<128x32xf32, #tpu.memory_space<vmem>>
      %dma_start3A_168 = arith.constant 0 : i32
      %dma_start3A_169 = tpu.memref_slice %arg16[%dma_start3A_160, %dma_start3A_161, %dma_start3A_162, %dma_start3A_168] : memref<6x2x2x128xi32, #tpu.memory_space<vmem>> -> memref<1x1x1x128xi32, #tpu.memory_space<vmem>>
      %dma_start3A_170 = tpu.memref_squeeze %dma_start3A_169 : memref<1x1x1x128xi32, #tpu.memory_space<vmem>> -> memref<128xi32, #tpu.memory_space<vmem>>
      %dma_start3A_171 = arith.constant 0 : i32
      %dma_start3A_172 = arith.constant 0 : i32
      %dma_start3A_173 = tpu.memref_slice %arg5[%dma_start3A_171, %dma_start3A_172] : memref<50000x32xf32, #tpu.memory_space<hbm>> -> memref<50000x32xf32, #tpu.memory_space<hbm>>
      tpu.enqueue_indirect_dma source(%dma_start3A_173 : memref<50000x32xf32, #tpu.memory_space<hbm>>) target(%dma_start3A_167 : memref<128x32xf32, #tpu.memory_space<vmem>>) offsets(%dma_start3A_170 : memref<128xi32, #tpu.memory_space<vmem>>) semaphore(%arg18 : memref<!tpu.dma_semaphore, #tpu.memory_space<semaphore_mem>>)
      %dma_start3A_174 = arith.constant 0 : i32
      %dma_start3A_175 = arith.constant 0 : i32
      %dma_start3A_176 = arith.constant 1 : i32
      %dma_start3A_177 = arith.constant 1 : i32
      %dma_start3A_178 = arith.constant 0 : i32
      %dma_start3A_179 = arith.constant 0 : i32
      %dma_start3A_180 = tpu.memref_slice %arg15[%dma_start3A_177, %dma_start3A_178, %dma_start3A_179] : memref<6x128x32xf32, #tpu.memory_space<vmem>> -> memref<1x128x32xf32, #tpu.memory_space<vmem>>
      %dma_start3A_181 = tpu.memref_squeeze %dma_start3A_180 : memref<1x128x32xf32, #tpu.memory_space<vmem>> -> memref<128x32xf32, #tpu.memory_space<vmem>>
      %dma_start3A_182 = arith.constant 0 : i32
      %dma_start3A_183 = tpu.memref_slice %arg16[%dma_start3A_174, %dma_start3A_175, %dma_start3A_176, %dma_start3A_182] : memref<6x2x2x128xi32, #tpu.memory_space<vmem>> -> memref<1x1x1x128xi32, #tpu.memory_space<vmem>>
      %dma_start3A_184 = tpu.memref_squeeze %dma_start3A_183 : memref<1x1x1x128xi32, #tpu.memory_space<vmem>> -> memref<128xi32, #tpu.memory_space<vmem>>
      %dma_start3A_185 = arith.constant 0 : i32
      %dma_start3A_186 = arith.constant 0 : i32
      %dma_start3A_187 = tpu.memref_slice %arg5[%dma_start3A_185, %dma_start3A_186] : memref<50000x32xf32, #tpu.memory_space<hbm>> -> memref<50000x32xf32, #tpu.memory_space<hbm>>
      tpu.enqueue_indirect_dma source(%dma_start3A_187 : memref<50000x32xf32, #tpu.memory_space<hbm>>) target(%dma_start3A_181 : memref<128x32xf32, #tpu.memory_space<vmem>>) offsets(%dma_start3A_184 : memref<128xi32, #tpu.memory_space<vmem>>) semaphore(%arg18 : memref<!tpu.dma_semaphore, #tpu.memory_space<semaphore_mem>>)
      %dma_start3A_188 = arith.constant 1 : i32
      %dma_start3A_189 = arith.constant 0 : i32
      %dma_start3A_190 = arith.constant 0 : i32
      %dma_start3A_191 = arith.constant 2 : i32
      %dma_start3A_192 = arith.constant 0 : i32
      %dma_start3A_193 = arith.constant 0 : i32
      %dma_start3A_194 = tpu.memref_slice %arg15[%dma_start3A_191, %dma_start3A_192, %dma_start3A_193] : memref<6x128x32xf32, #tpu.memory_space<vmem>> -> memref<1x128x32xf32, #tpu.memory_space<vmem>>
      %dma_start3A_195 = tpu.memref_squeeze %dma_start3A_194 : memref<1x128x32xf32, #tpu.memory_space<vmem>> -> memref<128x32xf32, #tpu.memory_space<vmem>>
      %dma_start3A_196 = arith.constant 0 : i32
      %dma_start3A_197 = tpu.memref_slice %arg16[%dma_start3A_188, %dma_start3A_189, %dma_start3A_190, %dma_start3A_196] : memref<6x2x2x128xi32, #tpu.memory_space<vmem>> -> memref<1x1x1x128xi32, #tpu.memory_space<vmem>>
      %dma_start3A_198 = tpu.memref_squeeze %dma_start3A_197 : memref<1x1x1x128xi32, #tpu.memory_space<vmem>> -> memref<128xi32, #tpu.memory_space<vmem>>
      %dma_start3A_199 = arith.constant 0 : i32
      %dma_start3A_200 = arith.constant 0 : i32
      %dma_start3A_201 = tpu.memref_slice %arg5[%dma_start3A_199, %dma_start3A_200] : memref<50000x32xf32, #tpu.memory_space<hbm>> -> memref<50000x32xf32, #tpu.memory_space<hbm>>
      tpu.enqueue_indirect_dma source(%dma_start3A_201 : memref<50000x32xf32, #tpu.memory_space<hbm>>) target(%dma_start3A_195 : memref<128x32xf32, #tpu.memory_space<vmem>>) offsets(%dma_start3A_198 : memref<128xi32, #tpu.memory_space<vmem>>) semaphore(%arg18 : memref<!tpu.dma_semaphore, #tpu.memory_space<semaphore_mem>>)
      %dma_start3A_202 = arith.constant 1 : i32
      %dma_start3A_203 = arith.constant 0 : i32
      %dma_start3A_204 = arith.constant 1 : i32
      %dma_start3A_205 = arith.constant 3 : i32
      %dma_start3A_206 = arith.constant 0 : i32
      %dma_start3A_207 = arith.constant 0 : i32
      %dma_start3A_208 = tpu.memref_slice %arg15[%dma_start3A_205, %dma_start3A_206, %dma_start3A_207] : memref<6x128x32xf32, #tpu.memory_space<vmem>> -> memref<1x128x32xf32, #tpu.memory_space<vmem>>
      %dma_start3A_209 = tpu.memref_squeeze %dma_start3A_208 : memref<1x128x32xf32, #tpu.memory_space<vmem>> -> memref<128x32xf32, #tpu.memory_space<vmem>>
      %dma_start3A_210 = arith.constant 0 : i32
      %dma_start3A_211 = tpu.memref_slice %arg16[%dma_start3A_202, %dma_start3A_203, %dma_start3A_204, %dma_start3A_210] : memref<6x2x2x128xi32, #tpu.memory_space<vmem>> -> memref<1x1x1x128xi32, #tpu.memory_space<vmem>>
      %dma_start3A_212 = tpu.memref_squeeze %dma_start3A_211 : memref<1x1x1x128xi32, #tpu.memory_space<vmem>> -> memref<128xi32, #tpu.memory_space<vmem>>
      %dma_start3A_213 = arith.constant 0 : i32
      %dma_start3A_214 = arith.constant 0 : i32
      %dma_start3A_215 = tpu.memref_slice %arg5[%dma_start3A_213, %dma_start3A_214] : memref<50000x32xf32, #tpu.memory_space<hbm>> -> memref<50000x32xf32, #tpu.memory_space<hbm>>
      tpu.enqueue_indirect_dma source(%dma_start3A_215 : memref<50000x32xf32, #tpu.memory_space<hbm>>) target(%dma_start3A_209 : memref<128x32xf32, #tpu.memory_space<vmem>>) offsets(%dma_start3A_212 : memref<128xi32, #tpu.memory_space<vmem>>) semaphore(%arg18 : memref<!tpu.dma_semaphore, #tpu.memory_space<semaphore_mem>>)
      %while3A = arith.constant 0 : i32
      %while3A_216 = arith.constant 0 : i32
      %while3A_217 = arith.subi %select_n3A, %while3A_216 : i32
      %while3A_218 = arith.addi %while3A_216, %while3A_217 : i32
      %while3A_219 = arith.constant 1 : i32
      %while3A_220 = arith.divsi %while3A_217, %while3A_219 : i32
      %while3A_221 = arith.muli %while3A_220, %while3A_219 : i32
      %while3A_222 = arith.addi %while3A_216, %while3A_221 : i32
      %while3A_223 = arith.constant 1 : i32
      scf.for %while3A_270 = %while3A_216 to %while3A_222 step %while3A_223  : i32 {
        %jit3A_271 = arith.constant 2 : i32
        %div3A_272 = arith.divsi %while3A_270, %jit3A_271 : i32
        %sign3A_273 = arith.constant 0 : i32
        %sign3A_274 = arith.cmpi sgt, %while3A_270, %sign3A_273 : i32
        %sign3A_275 = arith.extui %sign3A_274 : i1 to i32
        %sign3A_276 = arith.constant 0 : i32
        %sign3A_277 = arith.cmpi slt, %while3A_270, %sign3A_276 : i32
        %sign3A_278 = arith.extui %sign3A_277 : i1 to i32
        %sign3A_279 = arith.subi %sign3A_275, %sign3A_278 : i32
        %sign3A_280 = arith.constant 0 : i32
        %sign3A_281 = arith.cmpi sgt, %jit3A_271, %sign3A_280 : i32
        %sign3A_282 = arith.extui %sign3A_281 : i1 to i32
        %sign3A_283 = arith.constant 0 : i32
        %sign3A_284 = arith.cmpi slt, %jit3A_271, %sign3A_283 : i32
        %sign3A_285 = arith.extui %sign3A_284 : i1 to i32
        %sign3A_286 = arith.subi %sign3A_282, %sign3A_285 : i32
        %ne3A_287 = arith.cmpi ne, %sign3A_279, %sign3A_286 : i32
        %rem3A_288 = arith.remsi %while3A_270, %jit3A_271 : i32
        %ne3A_289 = arith.constant 0 : i32
        %ne3A_290 = arith.cmpi ne, %rem3A_288, %ne3A_289 : i32
        %and3A_291 = arith.andi %ne3A_287, %ne3A_290 : i1
        %sub3A_292 = arith.constant 1 : i32
        %sub3A_293 = arith.subi %div3A_272, %sub3A_292 : i32
        %select_n3A_294 = arith.select %and3A_291, %sub3A_293, %div3A_272 : i32
        %jit3A_295 = arith.constant 6 : i32
        %eq3A_296 = arith.constant 0 : i32
        %eq3A_297 = arith.cmpi eq, %jit3A_295, %eq3A_296 : i32
        %jit3A_298 = arith.constant 1 : i32
        %select_n3A_299 = arith.select %eq3A_297, %jit3A_298, %jit3A_295 : i32
        %rem3A_300 = arith.remsi %select_n3A_294, %select_n3A_299 : i32
        %ne3A_301 = arith.constant 0 : i32
        %ne3A_302 = arith.cmpi ne, %rem3A_300, %ne3A_301 : i32
        %lt3A_303 = arith.constant 0 : i32
        %lt3A_304 = arith.cmpi slt, %rem3A_300, %lt3A_303 : i32
        %lt3A_305 = arith.constant 0 : i32
        %lt3A_306 = arith.cmpi slt, %select_n3A_299, %lt3A_305 : i32
        %ne3A_307 = arith.xori %lt3A_304, %lt3A_306 : i1
        %and3A_308 = arith.andi %ne3A_307, %ne3A_302 : i1
        %add3A_309 = arith.addi %rem3A_300, %select_n3A_299 : i32
        %select_n3A_310 = arith.select %and3A_308, %add3A_309, %rem3A_300 : i32
        %jit3A_311 = arith.constant 2 : i32
        %eq3A_312 = arith.constant 0 : i32
        %eq3A_313 = arith.cmpi eq, %jit3A_311, %eq3A_312 : i32
        %jit3A_314 = arith.constant 1 : i32
        %select_n3A_315 = arith.select %eq3A_313, %jit3A_314, %jit3A_311 : i32
        %rem3A_316 = arith.remsi %while3A_270, %select_n3A_315 : i32
        %ne3A_317 = arith.constant 0 : i32
        %ne3A_318 = arith.cmpi ne, %rem3A_316, %ne3A_317 : i32
        %lt3A_319 = arith.constant 0 : i32
        %lt3A_320 = arith.cmpi slt, %rem3A_316, %lt3A_319 : i32
        %lt3A_321 = arith.constant 0 : i32
        %lt3A_322 = arith.cmpi slt, %select_n3A_315, %lt3A_321 : i32
        %ne3A_323 = arith.xori %lt3A_320, %lt3A_322 : i1
        %and3A_324 = arith.andi %ne3A_323, %ne3A_318 : i1
        %add3A_325 = arith.addi %rem3A_316, %select_n3A_315 : i32
        %select_n3A_326 = arith.select %and3A_324, %add3A_325, %rem3A_316 : i32
        %jit3A_327 = arith.constant 6 : i32
        %eq3A_328 = arith.constant 0 : i32
        %eq3A_329 = arith.cmpi eq, %jit3A_327, %eq3A_328 : i32
        %jit3A_330 = arith.constant 1 : i32
        %select_n3A_331 = arith.select %eq3A_329, %jit3A_330, %jit3A_327 : i32
        %rem3A_332 = arith.remsi %while3A_270, %select_n3A_331 : i32
        %ne3A_333 = arith.constant 0 : i32
        %ne3A_334 = arith.cmpi ne, %rem3A_332, %ne3A_333 : i32
        %lt3A_335 = arith.constant 0 : i32
        %lt3A_336 = arith.cmpi slt, %rem3A_332, %lt3A_335 : i32
        %lt3A_337 = arith.constant 0 : i32
        %lt3A_338 = arith.cmpi slt, %select_n3A_331, %lt3A_337 : i32
        %ne3A_339 = arith.xori %lt3A_336, %lt3A_338 : i1
        %and3A_340 = arith.andi %ne3A_339, %ne3A_334 : i1
        %add3A_341 = arith.addi %rem3A_332, %select_n3A_331 : i32
        %select_n3A_342 = arith.select %and3A_340, %add3A_341, %rem3A_332 : i32
        %dma_wait3A_343 = arith.constant 0 : i32
        %dma_wait3A_344 = arith.constant 0 : i32
        %dma_wait3A_345 = arith.constant 0 : i32
        %dma_wait3A_346 = tpu.memref_slice %arg15[%select_n3A_342, %dma_wait3A_344, %dma_wait3A_345] : memref<6x128x32xf32, #tpu.memory_space<vmem>> -> memref<1x128x32xf32, #tpu.memory_space<vmem>>
        %dma_wait3A_347 = tpu.memref_squeeze %dma_wait3A_346 : memref<1x128x32xf32, #tpu.memory_space<vmem>> -> memref<128x32xf32, #tpu.memory_space<vmem>>
        %dma_wait3A_348 = arith.constant 0 : i32
        %dma_wait3A_349 = tpu.memref_slice %arg16[%select_n3A_310, %dma_wait3A_343, %select_n3A_326, %dma_wait3A_348] : memref<6x2x2x128xi32, #tpu.memory_space<vmem>> -> memref<1x1x1x128xi32, #tpu.memory_space<vmem>>
        %dma_wait3A_350 = tpu.memref_squeeze %dma_wait3A_349 : memref<1x1x1x128xi32, #tpu.memory_space<vmem>> -> memref<128xi32, #tpu.memory_space<vmem>>
        %dma_wait3A_351 = arith.constant 0 : i32
        %dma_wait3A_352 = arith.constant 0 : i32
        %dma_wait3A_353 = tpu.memref_slice %arg5[%dma_wait3A_351, %dma_wait3A_352] : memref<50000x32xf32, #tpu.memory_space<hbm>> -> memref<50000x32xf32, #tpu.memory_space<hbm>>
        tpu.wait_indirect_dma semaphore(%arg18 : memref<!tpu.dma_semaphore, #tpu.memory_space<semaphore_mem>>) src(%dma_wait3A_353 : memref<50000x32xf32, #tpu.memory_space<hbm>>) dst(%dma_wait3A_347 : memref<128x32xf32, #tpu.memory_space<vmem>>)
        %dma_start3A_354 = arith.constant 1 : i32
        %dma_start3A_355 = arith.constant 0 : i32
        %dma_start3A_356 = arith.constant 0 : i32
        %dma_start3A_357 = tpu.memref_slice %arg15[%select_n3A_342, %dma_start3A_355, %dma_start3A_356] : memref<6x128x32xf32, #tpu.memory_space<vmem>> -> memref<1x128x32xf32, #tpu.memory_space<vmem>>
        %dma_start3A_358 = tpu.memref_squeeze %dma_start3A_357 : memref<1x128x32xf32, #tpu.memory_space<vmem>> -> memref<128x32xf32, #tpu.memory_space<vmem>>
        %dma_start3A_359 = arith.constant 0 : i32
        %dma_start3A_360 = tpu.memref_slice %arg16[%select_n3A_310, %dma_start3A_354, %select_n3A_326, %dma_start3A_359] : memref<6x2x2x128xi32, #tpu.memory_space<vmem>> -> memref<1x1x1x128xi32, #tpu.memory_space<vmem>>
        %dma_start3A_361 = tpu.memref_squeeze %dma_start3A_360 : memref<1x1x1x128xi32, #tpu.memory_space<vmem>> -> memref<128xi32, #tpu.memory_space<vmem>>
        %dma_start3A_362 = arith.constant 0 : i32
        %dma_start3A_363 = arith.constant 0 : i32
        %dma_start3A_364 = tpu.memref_slice %arg13[%dma_start3A_362, %dma_start3A_363] : memref<50048x32xf32, #tpu.memory_space<vmem_shared>> -> memref<50048x32xf32, #tpu.memory_space<vmem_shared>>
        tpu.enqueue_indirect_dma source(%dma_start3A_358 : memref<128x32xf32, #tpu.memory_space<vmem>>) target(%dma_start3A_364 : memref<50048x32xf32, #tpu.memory_space<vmem_shared>>) offsets(%dma_start3A_361 : memref<128xi32, #tpu.memory_space<vmem>>) semaphore(%arg19 : memref<!tpu.dma_semaphore, #tpu.memory_space<semaphore_mem>>) {add = true}
        %dma_start3A_365 = arith.constant 1 : i32
        %dma_start3A_366 = arith.constant 0 : i32
        %dma_start3A_367 = tpu.memref_slice %arg16[%select_n3A_310, %dma_start3A_365, %select_n3A_326, %dma_start3A_366] : memref<6x2x2x128xi32, #tpu.memory_space<vmem>> -> memref<1x1x1x128xi32, #tpu.memory_space<vmem>>
        %dma_start3A_368 = tpu.memref_squeeze %dma_start3A_367 : memref<1x1x1x128xi32, #tpu.memory_space<vmem>> -> memref<128xi32, #tpu.memory_space<vmem>>
        %dma_start3A_369 = arith.constant 0 : i32
        %dma_start3A_370 = tpu.memref_slice %arg14[%dma_start3A_369] : memref<50048xf32, #tpu.memory_space<vmem_shared>> -> memref<50048xf32, #tpu.memory_space<vmem_shared>>
        tpu.enqueue_indirect_dma source(%arg17 : memref<128xf32, #tpu.memory_space<vmem>>) target(%dma_start3A_370 : memref<50048xf32, #tpu.memory_space<vmem_shared>>) offsets(%dma_start3A_368 : memref<128xi32, #tpu.memory_space<vmem>>) semaphore(%arg19 : memref<!tpu.dma_semaphore, #tpu.memory_space<semaphore_mem>>) {add = true}
        %ge3A = arith.constant 2 : i32
        %ge3A_371 = arith.cmpi sge, %while3A_270, %ge3A : i32
        %convert_element_type3A_372 = arith.extui %ge3A_371 : i1 to i32
        %cond3A_373 = arith.constant 0 : i32
        %cond3A_374 = arith.cmpi ne, %convert_element_type3A_372, %cond3A_373 : i32
        scf.if %cond3A_374 {
          %dma_wait3A_443 = arith.constant 0 : i32
          %dma_wait3A_444 = arith.constant 0 : i32
          %dma_wait3A_445 = arith.constant 1 : i32
          %dma_wait3A_446 = arith.constant 0 : i32
          %dma_wait3A_447 = arith.constant 0 : i32
          %dma_wait3A_448 = arith.constant 0 : i32
          %dma_wait3A_449 = tpu.memref_slice %arg15[%dma_wait3A_443, %dma_wait3A_447, %dma_wait3A_448] : memref<6x128x32xf32, #tpu.memory_space<vmem>> -> memref<1x128x32xf32, #tpu.memory_space<vmem>>
          %dma_wait3A_450 = tpu.memref_squeeze %dma_wait3A_449 : memref<1x128x32xf32, #tpu.memory_space<vmem>> -> memref<128x32xf32, #tpu.memory_space<vmem>>
          %dma_wait3A_451 = arith.constant 0 : i32
          %dma_wait3A_452 = tpu.memref_slice %arg16[%dma_wait3A_444, %dma_wait3A_445, %dma_wait3A_446, %dma_wait3A_451] : memref<6x2x2x128xi32, #tpu.memory_space<vmem>> -> memref<1x1x1x128xi32, #tpu.memory_space<vmem>>
          %dma_wait3A_453 = tpu.memref_squeeze %dma_wait3A_452 : memref<1x1x1x128xi32, #tpu.memory_space<vmem>> -> memref<128xi32, #tpu.memory_space<vmem>>
          %dma_wait3A_454 = arith.constant 0 : i32
          %dma_wait3A_455 = arith.constant 0 : i32
          %dma_wait3A_456 = tpu.memref_slice %arg13[%dma_wait3A_454, %dma_wait3A_455] : memref<50048x32xf32, #tpu.memory_space<vmem_shared>> -> memref<50048x32xf32, #tpu.memory_space<vmem_shared>>
          tpu.wait_indirect_dma semaphore(%arg19 : memref<!tpu.dma_semaphore, #tpu.memory_space<semaphore_mem>>) src(%dma_wait3A_450 : memref<128x32xf32, #tpu.memory_space<vmem>>) dst(%dma_wait3A_456 : memref<50048x32xf32, #tpu.memory_space<vmem_shared>>)
          %dma_wait3A_457 = arith.constant 0 : i32
          %dma_wait3A_458 = arith.constant 1 : i32
          %dma_wait3A_459 = arith.constant 0 : i32
          %dma_wait3A_460 = arith.constant 0 : i32
          %dma_wait3A_461 = tpu.memref_slice %arg16[%dma_wait3A_457, %dma_wait3A_458, %dma_wait3A_459, %dma_wait3A_460] : memref<6x2x2x128xi32, #tpu.memory_space<vmem>> -> memref<1x1x1x128xi32, #tpu.memory_space<vmem>>
          %dma_wait3A_462 = tpu.memref_squeeze %dma_wait3A_461 : memref<1x1x1x128xi32, #tpu.memory_space<vmem>> -> memref<128xi32, #tpu.memory_space<vmem>>
          %dma_wait3A_463 = arith.constant 0 : i32
          %dma_wait3A_464 = tpu.memref_slice %arg14[%dma_wait3A_463] : memref<50048xf32, #tpu.memory_space<vmem_shared>> -> memref<50048xf32, #tpu.memory_space<vmem_shared>>
          tpu.wait_indirect_dma semaphore(%arg19 : memref<!tpu.dma_semaphore, #tpu.memory_space<semaphore_mem>>) src(%arg17 : memref<128xf32, #tpu.memory_space<vmem>>) dst(%dma_wait3A_464 : memref<50048xf32, #tpu.memory_space<vmem_shared>>)
        } else {
        }
        %jit3A_375 = arith.constant 2 : i32
        %eq3A_376 = arith.constant 0 : i32
        %eq3A_377 = arith.cmpi eq, %jit3A_375, %eq3A_376 : i32
        %jit3A_378 = arith.constant 1 : i32
        %select_n3A_379 = arith.select %eq3A_377, %jit3A_378, %jit3A_375 : i32
        %rem3A_380 = arith.remsi %while3A_270, %select_n3A_379 : i32
        %ne3A_381 = arith.constant 0 : i32
        %ne3A_382 = arith.cmpi ne, %rem3A_380, %ne3A_381 : i32
        %lt3A_383 = arith.constant 0 : i32
        %lt3A_384 = arith.cmpi slt, %rem3A_380, %lt3A_383 : i32
        %lt3A_385 = arith.constant 0 : i32
        %lt3A_386 = arith.cmpi slt, %select_n3A_379, %lt3A_385 : i32
        %ne3A_387 = arith.xori %lt3A_384, %lt3A_386 : i1
        %and3A_388 = arith.andi %ne3A_387, %ne3A_382 : i1
        %add3A_389 = arith.addi %rem3A_380, %select_n3A_379 : i32
        %select_n3A_390 = arith.select %and3A_388, %add3A_389, %rem3A_380 : i32
        %eq3A_391 = arith.constant 1 : i32
        %eq3A_392 = arith.cmpi eq, %select_n3A_390, %eq3A_391 : i32
        %add3A_393 = arith.constant 6 : i32
        %add3A_394 = arith.addi %while3A_270, %add3A_393 : i32
        %sub3A_395 = arith.constant 2 : i32
        %sub3A_396 = arith.subi %add3A_394, %sub3A_395 : i32
        %lt3A_397 = arith.cmpi slt, %sub3A_396, %select_n3A : i32
        %and3A_398 = arith.andi %eq3A_392, %lt3A_397 : i1
        %convert_element_type3A_399 = arith.extui %and3A_398 : i1 to i32
        %cond3A_400 = arith.constant 0 : i32
        %cond3A_401 = arith.cmpi ne, %convert_element_type3A_399, %cond3A_400 : i32
        scf.if %cond3A_401 {
          %dma_wait3A_443 = arith.constant 0 : i32
          %dma_wait3A_444 = arith.constant 0 : i32
          %dma_wait3A_445 = arith.constant 0 : i32
          %dma_wait3A_446 = arith.constant 0 : i32
          %dma_wait3A_447 = tpu.memref_slice %arg16[%dma_wait3A_443, %dma_wait3A_444, %dma_wait3A_445, %dma_wait3A_446] : memref<6x2x2x128xi32, #tpu.memory_space<vmem>> -> memref<1x2x2x128xi32, #tpu.memory_space<vmem>>
          %dma_wait3A_448 = tpu.memref_squeeze %dma_wait3A_447 : memref<1x2x2x128xi32, #tpu.memory_space<vmem>> -> memref<2x2x128xi32, #tpu.memory_space<vmem>>
          %dma_wait3A_449 = arith.constant 0 : i32
          %dma_wait3A_450 = arith.constant 0 : i32
          %dma_wait3A_451 = tpu.memref_slice %arg4[%dma_wait3A_449, %add3A, %dma_wait3A_450] : memref<2x6250x128xi32, #tpu.memory_space<hbm>> -> memref<2x2x128xi32, #tpu.memory_space<hbm>>
          %dma_wait3A_452 = arith.constant 0 : i32
          %dma_wait3A_453 = arith.constant 0 : i32
          %dma_wait3A_454 = arith.constant 0 : i32
          %dma_wait3A_455 = tpu.memref_slice %arg16[%dma_wait3A_443, %dma_wait3A_452, %dma_wait3A_453, %dma_wait3A_454] : memref<6x2x2x128xi32, #tpu.memory_space<vmem>> -> memref<1x2x2x128xi32, #tpu.memory_space<vmem>>
          %dma_wait3A_456 = tpu.memref_squeeze %dma_wait3A_455 : memref<1x2x2x128xi32, #tpu.memory_space<vmem>> -> memref<2x2x128xi32, #tpu.memory_space<vmem>>
          %dma_wait3A_457 = arith.constant 0 : i32
          %dma_wait3A_458 = arith.constant 0 : i32
          %dma_wait3A_459 = tpu.memref_slice %arg4[%dma_wait3A_457, %add3A, %dma_wait3A_458] : memref<2x6250x128xi32, #tpu.memory_space<hbm>> -> memref<2x2x128xi32, #tpu.memory_space<hbm>>
          tpu.wait_dma2 semaphore(%arg20 : memref<!tpu.dma_semaphore, #tpu.memory_space<semaphore_mem>>) src(%dma_wait3A_459 : memref<2x2x128xi32, #tpu.memory_space<hbm>>) dst(%dma_wait3A_456 : memref<2x2x128xi32, #tpu.memory_space<vmem>>)
        } else {
        }
        %add3A_402 = arith.constant 6 : i32
        %add3A_403 = arith.addi %while3A_270, %add3A_402 : i32
        %sub3A_404 = arith.constant 2 : i32
        %sub3A_405 = arith.subi %add3A_403, %sub3A_404 : i32
        %lt3A_406 = arith.cmpi slt, %sub3A_405, %select_n3A : i32
        %convert_element_type3A_407 = arith.extui %lt3A_406 : i1 to i32
        %cond3A_408 = arith.constant 0 : i32
        %cond3A_409 = arith.cmpi ne, %convert_element_type3A_407, %cond3A_408 : i32
        scf.if %cond3A_409 {
          %add3A_443 = arith.constant 6 : i32
          %add3A_444 = arith.addi %while3A_270, %add3A_443 : i32
          %sub3A_445 = arith.constant 2 : i32
          %sub3A_446 = arith.subi %add3A_444, %sub3A_445 : i32
          %jit3A_447 = arith.constant 2 : i32
          %div3A_448 = arith.divsi %sub3A_446, %jit3A_447 : i32
          %sign3A_449 = arith.constant 0 : i32
          %sign3A_450 = arith.cmpi sgt, %sub3A_446, %sign3A_449 : i32
          %sign3A_451 = arith.extui %sign3A_450 : i1 to i32
          %sign3A_452 = arith.constant 0 : i32
          %sign3A_453 = arith.cmpi slt, %sub3A_446, %sign3A_452 : i32
          %sign3A_454 = arith.extui %sign3A_453 : i1 to i32
          %sign3A_455 = arith.subi %sign3A_451, %sign3A_454 : i32
          %sign3A_456 = arith.constant 0 : i32
          %sign3A_457 = arith.cmpi sgt, %jit3A_447, %sign3A_456 : i32
          %sign3A_458 = arith.extui %sign3A_457 : i1 to i32
          %sign3A_459 = arith.constant 0 : i32
          %sign3A_460 = arith.cmpi slt, %jit3A_447, %sign3A_459 : i32
          %sign3A_461 = arith.extui %sign3A_460 : i1 to i32
          %sign3A_462 = arith.subi %sign3A_458, %sign3A_461 : i32
          %ne3A_463 = arith.cmpi ne, %sign3A_455, %sign3A_462 : i32
          %rem3A_464 = arith.remsi %sub3A_446, %jit3A_447 : i32
          %ne3A_465 = arith.constant 0 : i32
          %ne3A_466 = arith.cmpi ne, %rem3A_464, %ne3A_465 : i32
          %and3A_467 = arith.andi %ne3A_463, %ne3A_466 : i1
          %sub3A_468 = arith.constant 1 : i32
          %sub3A_469 = arith.subi %div3A_448, %sub3A_468 : i32
          %select_n3A_470 = arith.select %and3A_467, %sub3A_469, %div3A_448 : i32
          %jit3A_471 = arith.constant 6 : i32
          %eq3A_472 = arith.constant 0 : i32
          %eq3A_473 = arith.cmpi eq, %jit3A_471, %eq3A_472 : i32
          %jit3A_474 = arith.constant 1 : i32
          %select_n3A_475 = arith.select %eq3A_473, %jit3A_474, %jit3A_471 : i32
          %rem3A_476 = arith.remsi %select_n3A_470, %select_n3A_475 : i32
          %ne3A_477 = arith.constant 0 : i32
          %ne3A_478 = arith.cmpi ne, %rem3A_476, %ne3A_477 : i32
          %lt3A_479 = arith.constant 0 : i32
          %lt3A_480 = arith.cmpi slt, %rem3A_476, %lt3A_479 : i32
          %lt3A_481 = arith.constant 0 : i32
          %lt3A_482 = arith.cmpi slt, %select_n3A_475, %lt3A_481 : i32
          %ne3A_483 = arith.xori %lt3A_480, %lt3A_482 : i1
          %and3A_484 = arith.andi %ne3A_483, %ne3A_478 : i1
          %add3A_485 = arith.addi %rem3A_476, %select_n3A_475 : i32
          %select_n3A_486 = arith.select %and3A_484, %add3A_485, %rem3A_476 : i32
          %jit3A_487 = arith.constant 2 : i32
          %eq3A_488 = arith.constant 0 : i32
          %eq3A_489 = arith.cmpi eq, %jit3A_487, %eq3A_488 : i32
          %jit3A_490 = arith.constant 1 : i32
          %select_n3A_491 = arith.select %eq3A_489, %jit3A_490, %jit3A_487 : i32
          %rem3A_492 = arith.remsi %sub3A_446, %select_n3A_491 : i32
          %ne3A_493 = arith.constant 0 : i32
          %ne3A_494 = arith.cmpi ne, %rem3A_492, %ne3A_493 : i32
          %lt3A_495 = arith.constant 0 : i32
          %lt3A_496 = arith.cmpi slt, %rem3A_492, %lt3A_495 : i32
          %lt3A_497 = arith.constant 0 : i32
          %lt3A_498 = arith.cmpi slt, %select_n3A_491, %lt3A_497 : i32
          %ne3A_499 = arith.xori %lt3A_496, %lt3A_498 : i1
          %and3A_500 = arith.andi %ne3A_499, %ne3A_494 : i1
          %add3A_501 = arith.addi %rem3A_492, %select_n3A_491 : i32
          %select_n3A_502 = arith.select %and3A_500, %add3A_501, %rem3A_492 : i32
          %jit3A_503 = arith.constant 6 : i32
          %eq3A_504 = arith.constant 0 : i32
          %eq3A_505 = arith.cmpi eq, %jit3A_503, %eq3A_504 : i32
          %jit3A_506 = arith.constant 1 : i32
          %select_n3A_507 = arith.select %eq3A_505, %jit3A_506, %jit3A_503 : i32
          %rem3A_508 = arith.remsi %sub3A_446, %select_n3A_507 : i32
          %ne3A_509 = arith.constant 0 : i32
          %ne3A_510 = arith.cmpi ne, %rem3A_508, %ne3A_509 : i32
          %lt3A_511 = arith.constant 0 : i32
          %lt3A_512 = arith.cmpi slt, %rem3A_508, %lt3A_511 : i32
          %lt3A_513 = arith.constant 0 : i32
          %lt3A_514 = arith.cmpi slt, %select_n3A_507, %lt3A_513 : i32
          %ne3A_515 = arith.xori %lt3A_512, %lt3A_514 : i1
          %and3A_516 = arith.andi %ne3A_515, %ne3A_510 : i1
          %add3A_517 = arith.addi %rem3A_508, %select_n3A_507 : i32
          %select_n3A_518 = arith.select %and3A_516, %add3A_517, %rem3A_508 : i32
          %dma_start3A_519 = arith.constant 0 : i32
          %dma_start3A_520 = arith.constant 0 : i32
          %dma_start3A_521 = arith.constant 0 : i32
          %dma_start3A_522 = tpu.memref_slice %arg15[%select_n3A_518, %dma_start3A_520, %dma_start3A_521] : memref<6x128x32xf32, #tpu.memory_space<vmem>> -> memref<1x128x32xf32, #tpu.memory_space<vmem>>
          %dma_start3A_523 = tpu.memref_squeeze %dma_start3A_522 : memref<1x128x32xf32, #tpu.memory_space<vmem>> -> memref<128x32xf32, #tpu.memory_space<vmem>>
          %dma_start3A_524 = arith.constant 0 : i32
          %dma_start3A_525 = tpu.memref_slice %arg16[%select_n3A_486, %dma_start3A_519, %select_n3A_502, %dma_start3A_524] : memref<6x2x2x128xi32, #tpu.memory_space<vmem>> -> memref<1x1x1x128xi32, #tpu.memory_space<vmem>>
          %dma_start3A_526 = tpu.memref_squeeze %dma_start3A_525 : memref<1x1x1x128xi32, #tpu.memory_space<vmem>> -> memref<128xi32, #tpu.memory_space<vmem>>
          %dma_start3A_527 = arith.constant 0 : i32
          %dma_start3A_528 = arith.constant 0 : i32
          %dma_start3A_529 = tpu.memref_slice %arg5[%dma_start3A_527, %dma_start3A_528] : memref<50000x32xf32, #tpu.memory_space<hbm>> -> memref<50000x32xf32, #tpu.memory_space<hbm>>
          tpu.enqueue_indirect_dma source(%dma_start3A_529 : memref<50000x32xf32, #tpu.memory_space<hbm>>) target(%dma_start3A_523 : memref<128x32xf32, #tpu.memory_space<vmem>>) offsets(%dma_start3A_526 : memref<128xi32, #tpu.memory_space<vmem>>) semaphore(%arg18 : memref<!tpu.dma_semaphore, #tpu.memory_space<semaphore_mem>>)
        } else {
        }
        %sub3A_410 = arith.constant 1 : i32
        %sub3A_411 = arith.subi %while3A_270, %sub3A_410 : i32
        %jit3A_412 = arith.constant 2 : i32
        %div3A_413 = arith.divsi %sub3A_411, %jit3A_412 : i32
        %sign3A_414 = arith.constant 0 : i32
        %sign3A_415 = arith.cmpi sgt, %sub3A_411, %sign3A_414 : i32
        %sign3A_416 = arith.extui %sign3A_415 : i1 to i32
        %sign3A_417 = arith.constant 0 : i32
        %sign3A_418 = arith.cmpi slt, %sub3A_411, %sign3A_417 : i32
        %sign3A_419 = arith.extui %sign3A_418 : i1 to i32
        %sign3A_420 = arith.subi %sign3A_416, %sign3A_419 : i32
        %sign3A_421 = arith.constant 0 : i32
        %sign3A_422 = arith.cmpi sgt, %jit3A_412, %sign3A_421 : i32
        %sign3A_423 = arith.extui %sign3A_422 : i1 to i32
        %sign3A_424 = arith.constant 0 : i32
        %sign3A_425 = arith.cmpi slt, %jit3A_412, %sign3A_424 : i32
        %sign3A_426 = arith.extui %sign3A_425 : i1 to i32
        %sign3A_427 = arith.subi %sign3A_423, %sign3A_426 : i32
        %ne3A_428 = arith.cmpi ne, %sign3A_420, %sign3A_427 : i32
        %rem3A_429 = arith.remsi %sub3A_411, %jit3A_412 : i32
        %ne3A_430 = arith.constant 0 : i32
        %ne3A_431 = arith.cmpi ne, %rem3A_429, %ne3A_430 : i32
        %and3A_432 = arith.andi %ne3A_428, %ne3A_431 : i1
        %sub3A_433 = arith.constant 1 : i32
        %sub3A_434 = arith.subi %div3A_413, %sub3A_433 : i32
        %select_n3A_435 = arith.select %and3A_432, %sub3A_434, %div3A_413 : i32
        %add3A_436 = arith.constant 5 : i32
        %add3A_437 = arith.addi %select_n3A_435, %add3A_436 : i32
        %lt3A_438 = arith.cmpi slt, %add3A_437, %select_n3A_25 : i32
        %and3A_439 = arith.andi %eq3A_392, %lt3A_438 : i1
        %convert_element_type3A_440 = arith.extui %and3A_439 : i1 to i32
        %cond3A_441 = arith.constant 0 : i32
        %cond3A_442 = arith.cmpi ne, %convert_element_type3A_440, %cond3A_441 : i32
        scf.if %cond3A_442 {
          %sub3A_443 = arith.constant 1 : i32
          %sub3A_444 = arith.subi %while3A_270, %sub3A_443 : i32
          %jit3A_445 = arith.constant 2 : i32
          %div3A_446 = arith.divsi %sub3A_444, %jit3A_445 : i32
          %sign3A_447 = arith.constant 0 : i32
          %sign3A_448 = arith.cmpi sgt, %sub3A_444, %sign3A_447 : i32
          %sign3A_449 = arith.extui %sign3A_448 : i1 to i32
          %sign3A_450 = arith.constant 0 : i32
          %sign3A_451 = arith.cmpi slt, %sub3A_444, %sign3A_450 : i32
          %sign3A_452 = arith.extui %sign3A_451 : i1 to i32
          %sign3A_453 = arith.subi %sign3A_449, %sign3A_452 : i32
          %sign3A_454 = arith.constant 0 : i32
          %sign3A_455 = arith.cmpi sgt, %jit3A_445, %sign3A_454 : i32
          %sign3A_456 = arith.extui %sign3A_455 : i1 to i32
          %sign3A_457 = arith.constant 0 : i32
          %sign3A_458 = arith.cmpi slt, %jit3A_445, %sign3A_457 : i32
          %sign3A_459 = arith.extui %sign3A_458 : i1 to i32
          %sign3A_460 = arith.subi %sign3A_456, %sign3A_459 : i32
          %ne3A_461 = arith.cmpi ne, %sign3A_453, %sign3A_460 : i32
          %rem3A_462 = arith.remsi %sub3A_444, %jit3A_445 : i32
          %ne3A_463 = arith.constant 0 : i32
          %ne3A_464 = arith.cmpi ne, %rem3A_462, %ne3A_463 : i32
          %and3A_465 = arith.andi %ne3A_461, %ne3A_464 : i1
          %sub3A_466 = arith.constant 1 : i32
          %sub3A_467 = arith.subi %div3A_446, %sub3A_466 : i32
          %select_n3A_468 = arith.select %and3A_465, %sub3A_467, %div3A_446 : i32
          %add3A_469 = arith.constant 5 : i32
          %add3A_470 = arith.addi %select_n3A_468, %add3A_469 : i32
          %jit3A_471 = arith.constant 6 : i32
          %eq3A_472 = arith.constant 0 : i32
          %eq3A_473 = arith.cmpi eq, %jit3A_471, %eq3A_472 : i32
          %jit3A_474 = arith.constant 1 : i32
          %select_n3A_475 = arith.select %eq3A_473, %jit3A_474, %jit3A_471 : i32
          %rem3A_476 = arith.remsi %add3A_470, %select_n3A_475 : i32
          %ne3A_477 = arith.constant 0 : i32
          %ne3A_478 = arith.cmpi ne, %rem3A_476, %ne3A_477 : i32
          %lt3A_479 = arith.constant 0 : i32
          %lt3A_480 = arith.cmpi slt, %rem3A_476, %lt3A_479 : i32
          %lt3A_481 = arith.constant 0 : i32
          %lt3A_482 = arith.cmpi slt, %select_n3A_475, %lt3A_481 : i32
          %ne3A_483 = arith.xori %lt3A_480, %lt3A_482 : i1
          %and3A_484 = arith.andi %ne3A_483, %ne3A_478 : i1
          %add3A_485 = arith.addi %rem3A_476, %select_n3A_475 : i32
          %select_n3A_486 = arith.select %and3A_484, %add3A_485, %rem3A_476 : i32
          %mul3A_487 = arith.constant 2 : i32
          %mul3A_488 = arith.muli %add3A_470, %mul3A_487 : i32
          %add3A_489 = arith.addi %add3A, %mul3A_488 : i32
          %dma_start3A_490 = arith.constant 0 : i32
          %dma_start3A_491 = arith.constant 0 : i32
          %dma_start3A_492 = arith.constant 0 : i32
          %dma_start3A_493 = tpu.memref_slice %arg16[%select_n3A_486, %dma_start3A_490, %dma_start3A_491, %dma_start3A_492] : memref<6x2x2x128xi32, #tpu.memory_space<vmem>> -> memref<1x2x2x128xi32, #tpu.memory_space<vmem>>
          %dma_start3A_494 = tpu.memref_squeeze %dma_start3A_493 : memref<1x2x2x128xi32, #tpu.memory_space<vmem>> -> memref<2x2x128xi32, #tpu.memory_space<vmem>>
          %dma_start3A_495 = arith.constant 0 : i32
          %dma_start3A_496 = arith.constant 0 : i32
          %dma_start3A_497 = tpu.memref_slice %arg4[%dma_start3A_495, %add3A_489, %dma_start3A_496] : memref<2x6250x128xi32, #tpu.memory_space<hbm>> -> memref<2x2x128xi32, #tpu.memory_space<hbm>>
          %dma_start3A_498 = arith.constant 0 : i32
          %dma_start3A_499 = arith.constant 0 : i32
          %dma_start3A_500 = arith.constant 0 : i32
          %dma_start3A_501 = tpu.memref_slice %arg16[%select_n3A_486, %dma_start3A_498, %dma_start3A_499, %dma_start3A_500] : memref<6x2x2x128xi32, #tpu.memory_space<vmem>> -> memref<1x2x2x128xi32, #tpu.memory_space<vmem>>
          %dma_start3A_502 = tpu.memref_squeeze %dma_start3A_501 : memref<1x2x2x128xi32, #tpu.memory_space<vmem>> -> memref<2x2x128xi32, #tpu.memory_space<vmem>>
          %dma_start3A_503 = arith.constant 0 : i32
          %dma_start3A_504 = arith.constant 0 : i32
          %dma_start3A_505 = tpu.memref_slice %arg4[%dma_start3A_503, %add3A_489, %dma_start3A_504] : memref<2x6250x128xi32, #tpu.memory_space<hbm>> -> memref<2x2x128xi32, #tpu.memory_space<hbm>>
          tpu.enqueue_dma source(%dma_start3A_505 : memref<2x2x128xi32, #tpu.memory_space<hbm>>) target(%dma_start3A_502 : memref<2x2x128xi32, #tpu.memory_space<vmem>>) target_semaphore(%arg20 : memref<!tpu.dma_semaphore, #tpu.memory_space<semaphore_mem>>)
        } else {
        }
      }
      %while3A_224 = arith.constant 1 : i32
      scf.for %while3A_270 = %while3A_222 to %while3A_218 step %while3A_224  : i32 {
        %jit3A_271 = arith.constant 2 : i32
        %div3A_272 = arith.divsi %while3A_270, %jit3A_271 : i32
        %sign3A_273 = arith.constant 0 : i32
        %sign3A_274 = arith.cmpi sgt, %while3A_270, %sign3A_273 : i32
        %sign3A_275 = arith.extui %sign3A_274 : i1 to i32
        %sign3A_276 = arith.constant 0 : i32
        %sign3A_277 = arith.cmpi slt, %while3A_270, %sign3A_276 : i32
        %sign3A_278 = arith.extui %sign3A_277 : i1 to i32
        %sign3A_279 = arith.subi %sign3A_275, %sign3A_278 : i32
        %sign3A_280 = arith.constant 0 : i32
        %sign3A_281 = arith.cmpi sgt, %jit3A_271, %sign3A_280 : i32
        %sign3A_282 = arith.extui %sign3A_281 : i1 to i32
        %sign3A_283 = arith.constant 0 : i32
        %sign3A_284 = arith.cmpi slt, %jit3A_271, %sign3A_283 : i32
        %sign3A_285 = arith.extui %sign3A_284 : i1 to i32
        %sign3A_286 = arith.subi %sign3A_282, %sign3A_285 : i32
        %ne3A_287 = arith.cmpi ne, %sign3A_279, %sign3A_286 : i32
        %rem3A_288 = arith.remsi %while3A_270, %jit3A_271 : i32
        %ne3A_289 = arith.constant 0 : i32
        %ne3A_290 = arith.cmpi ne, %rem3A_288, %ne3A_289 : i32
        %and3A_291 = arith.andi %ne3A_287, %ne3A_290 : i1
        %sub3A_292 = arith.constant 1 : i32
        %sub3A_293 = arith.subi %div3A_272, %sub3A_292 : i32
        %select_n3A_294 = arith.select %and3A_291, %sub3A_293, %div3A_272 : i32
        %jit3A_295 = arith.constant 6 : i32
        %eq3A_296 = arith.constant 0 : i32
        %eq3A_297 = arith.cmpi eq, %jit3A_295, %eq3A_296 : i32
        %jit3A_298 = arith.constant 1 : i32
        %select_n3A_299 = arith.select %eq3A_297, %jit3A_298, %jit3A_295 : i32
        %rem3A_300 = arith.remsi %select_n3A_294, %select_n3A_299 : i32
        %ne3A_301 = arith.constant 0 : i32
        %ne3A_302 = arith.cmpi ne, %rem3A_300, %ne3A_301 : i32
        %lt3A_303 = arith.constant 0 : i32
        %lt3A_304 = arith.cmpi slt, %rem3A_300, %lt3A_303 : i32
        %lt3A_305 = arith.constant 0 : i32
        %lt3A_306 = arith.cmpi slt, %select_n3A_299, %lt3A_305 : i32
        %ne3A_307 = arith.xori %lt3A_304, %lt3A_306 : i1
        %and3A_308 = arith.andi %ne3A_307, %ne3A_302 : i1
        %add3A_309 = arith.addi %rem3A_300, %select_n3A_299 : i32
        %select_n3A_310 = arith.select %and3A_308, %add3A_309, %rem3A_300 : i32
        %jit3A_311 = arith.constant 2 : i32
        %eq3A_312 = arith.constant 0 : i32
        %eq3A_313 = arith.cmpi eq, %jit3A_311, %eq3A_312 : i32
        %jit3A_314 = arith.constant 1 : i32
        %select_n3A_315 = arith.select %eq3A_313, %jit3A_314, %jit3A_311 : i32
        %rem3A_316 = arith.remsi %while3A_270, %select_n3A_315 : i32
        %ne3A_317 = arith.constant 0 : i32
        %ne3A_318 = arith.cmpi ne, %rem3A_316, %ne3A_317 : i32
        %lt3A_319 = arith.constant 0 : i32
        %lt3A_320 = arith.cmpi slt, %rem3A_316, %lt3A_319 : i32
        %lt3A_321 = arith.constant 0 : i32
        %lt3A_322 = arith.cmpi slt, %select_n3A_315, %lt3A_321 : i32
        %ne3A_323 = arith.xori %lt3A_320, %lt3A_322 : i1
        %and3A_324 = arith.andi %ne3A_323, %ne3A_318 : i1
        %add3A_325 = arith.addi %rem3A_316, %select_n3A_315 : i32
        %select_n3A_326 = arith.select %and3A_324, %add3A_325, %rem3A_316 : i32
        %jit3A_327 = arith.constant 6 : i32
        %eq3A_328 = arith.constant 0 : i32
        %eq3A_329 = arith.cmpi eq, %jit3A_327, %eq3A_328 : i32
        %jit3A_330 = arith.constant 1 : i32
        %select_n3A_331 = arith.select %eq3A_329, %jit3A_330, %jit3A_327 : i32
        %rem3A_332 = arith.remsi %while3A_270, %select_n3A_331 : i32
        %ne3A_333 = arith.constant 0 : i32
        %ne3A_334 = arith.cmpi ne, %rem3A_332, %ne3A_333 : i32
        %lt3A_335 = arith.constant 0 : i32
        %lt3A_336 = arith.cmpi slt, %rem3A_332, %lt3A_335 : i32
        %lt3A_337 = arith.constant 0 : i32
        %lt3A_338 = arith.cmpi slt, %select_n3A_331, %lt3A_337 : i32
        %ne3A_339 = arith.xori %lt3A_336, %lt3A_338 : i1
        %and3A_340 = arith.andi %ne3A_339, %ne3A_334 : i1
        %add3A_341 = arith.addi %rem3A_332, %select_n3A_331 : i32
        %select_n3A_342 = arith.select %and3A_340, %add3A_341, %rem3A_332 : i32
        %dma_wait3A_343 = arith.constant 0 : i32
        %dma_wait3A_344 = arith.constant 0 : i32
        %dma_wait3A_345 = arith.constant 0 : i32
        %dma_wait3A_346 = tpu.memref_slice %arg15[%select_n3A_342, %dma_wait3A_344, %dma_wait3A_345] : memref<6x128x32xf32, #tpu.memory_space<vmem>> -> memref<1x128x32xf32, #tpu.memory_space<vmem>>
        %dma_wait3A_347 = tpu.memref_squeeze %dma_wait3A_346 : memref<1x128x32xf32, #tpu.memory_space<vmem>> -> memref<128x32xf32, #tpu.memory_space<vmem>>
        %dma_wait3A_348 = arith.constant 0 : i32
        %dma_wait3A_349 = tpu.memref_slice %arg16[%select_n3A_310, %dma_wait3A_343, %select_n3A_326, %dma_wait3A_348] : memref<6x2x2x128xi32, #tpu.memory_space<vmem>> -> memref<1x1x1x128xi32, #tpu.memory_space<vmem>>
        %dma_wait3A_350 = tpu.memref_squeeze %dma_wait3A_349 : memref<1x1x1x128xi32, #tpu.memory_space<vmem>> -> memref<128xi32, #tpu.memory_space<vmem>>
        %dma_wait3A_351 = arith.constant 0 : i32
        %dma_wait3A_352 = arith.constant 0 : i32
        %dma_wait3A_353 = tpu.memref_slice %arg5[%dma_wait3A_351, %dma_wait3A_352] : memref<50000x32xf32, #tpu.memory_space<hbm>> -> memref<50000x32xf32, #tpu.memory_space<hbm>>
        tpu.wait_indirect_dma semaphore(%arg18 : memref<!tpu.dma_semaphore, #tpu.memory_space<semaphore_mem>>) src(%dma_wait3A_353 : memref<50000x32xf32, #tpu.memory_space<hbm>>) dst(%dma_wait3A_347 : memref<128x32xf32, #tpu.memory_space<vmem>>)
        %dma_start3A_354 = arith.constant 1 : i32
        %dma_start3A_355 = arith.constant 0 : i32
        %dma_start3A_356 = arith.constant 0 : i32
        %dma_start3A_357 = tpu.memref_slice %arg15[%select_n3A_342, %dma_start3A_355, %dma_start3A_356] : memref<6x128x32xf32, #tpu.memory_space<vmem>> -> memref<1x128x32xf32, #tpu.memory_space<vmem>>
        %dma_start3A_358 = tpu.memref_squeeze %dma_start3A_357 : memref<1x128x32xf32, #tpu.memory_space<vmem>> -> memref<128x32xf32, #tpu.memory_space<vmem>>
        %dma_start3A_359 = arith.constant 0 : i32
        %dma_start3A_360 = tpu.memref_slice %arg16[%select_n3A_310, %dma_start3A_354, %select_n3A_326, %dma_start3A_359] : memref<6x2x2x128xi32, #tpu.memory_space<vmem>> -> memref<1x1x1x128xi32, #tpu.memory_space<vmem>>
        %dma_start3A_361 = tpu.memref_squeeze %dma_start3A_360 : memref<1x1x1x128xi32, #tpu.memory_space<vmem>> -> memref<128xi32, #tpu.memory_space<vmem>>
        %dma_start3A_362 = arith.constant 0 : i32
        %dma_start3A_363 = arith.constant 0 : i32
        %dma_start3A_364 = tpu.memref_slice %arg13[%dma_start3A_362, %dma_start3A_363] : memref<50048x32xf32, #tpu.memory_space<vmem_shared>> -> memref<50048x32xf32, #tpu.memory_space<vmem_shared>>
        tpu.enqueue_indirect_dma source(%dma_start3A_358 : memref<128x32xf32, #tpu.memory_space<vmem>>) target(%dma_start3A_364 : memref<50048x32xf32, #tpu.memory_space<vmem_shared>>) offsets(%dma_start3A_361 : memref<128xi32, #tpu.memory_space<vmem>>) semaphore(%arg19 : memref<!tpu.dma_semaphore, #tpu.memory_space<semaphore_mem>>) {add = true}
        %dma_start3A_365 = arith.constant 1 : i32
        %dma_start3A_366 = arith.constant 0 : i32
        %dma_start3A_367 = tpu.memref_slice %arg16[%select_n3A_310, %dma_start3A_365, %select_n3A_326, %dma_start3A_366] : memref<6x2x2x128xi32, #tpu.memory_space<vmem>> -> memref<1x1x1x128xi32, #tpu.memory_space<vmem>>
        %dma_start3A_368 = tpu.memref_squeeze %dma_start3A_367 : memref<1x1x1x128xi32, #tpu.memory_space<vmem>> -> memref<128xi32, #tpu.memory_space<vmem>>
        %dma_start3A_369 = arith.constant 0 : i32
        %dma_start3A_370 = tpu.memref_slice %arg14[%dma_start3A_369] : memref<50048xf32, #tpu.memory_space<vmem_shared>> -> memref<50048xf32, #tpu.memory_space<vmem_shared>>
        tpu.enqueue_indirect_dma source(%arg17 : memref<128xf32, #tpu.memory_space<vmem>>) target(%dma_start3A_370 : memref<50048xf32, #tpu.memory_space<vmem_shared>>) offsets(%dma_start3A_368 : memref<128xi32, #tpu.memory_space<vmem>>) semaphore(%arg19 : memref<!tpu.dma_semaphore, #tpu.memory_space<semaphore_mem>>) {add = true}
        %ge3A = arith.constant 2 : i32
        %ge3A_371 = arith.cmpi sge, %while3A_270, %ge3A : i32
        %convert_element_type3A_372 = arith.extui %ge3A_371 : i1 to i32
        %cond3A_373 = arith.constant 0 : i32
        %cond3A_374 = arith.cmpi ne, %convert_element_type3A_372, %cond3A_373 : i32
        scf.if %cond3A_374 {
          %dma_wait3A_443 = arith.constant 0 : i32
          %dma_wait3A_444 = arith.constant 0 : i32
          %dma_wait3A_445 = arith.constant 1 : i32
          %dma_wait3A_446 = arith.constant 0 : i32
          %dma_wait3A_447 = arith.constant 0 : i32
          %dma_wait3A_448 = arith.constant 0 : i32
          %dma_wait3A_449 = tpu.memref_slice %arg15[%dma_wait3A_443, %dma_wait3A_447, %dma_wait3A_448] : memref<6x128x32xf32, #tpu.memory_space<vmem>> -> memref<1x128x32xf32, #tpu.memory_space<vmem>>
          %dma_wait3A_450 = tpu.memref_squeeze %dma_wait3A_449 : memref<1x128x32xf32, #tpu.memory_space<vmem>> -> memref<128x32xf32, #tpu.memory_space<vmem>>
          %dma_wait3A_451 = arith.constant 0 : i32
          %dma_wait3A_452 = tpu.memref_slice %arg16[%dma_wait3A_444, %dma_wait3A_445, %dma_wait3A_446, %dma_wait3A_451] : memref<6x2x2x128xi32, #tpu.memory_space<vmem>> -> memref<1x1x1x128xi32, #tpu.memory_space<vmem>>
          %dma_wait3A_453 = tpu.memref_squeeze %dma_wait3A_452 : memref<1x1x1x128xi32, #tpu.memory_space<vmem>> -> memref<128xi32, #tpu.memory_space<vmem>>
          %dma_wait3A_454 = arith.constant 0 : i32
          %dma_wait3A_455 = arith.constant 0 : i32
          %dma_wait3A_456 = tpu.memref_slice %arg13[%dma_wait3A_454, %dma_wait3A_455] : memref<50048x32xf32, #tpu.memory_space<vmem_shared>> -> memref<50048x32xf32, #tpu.memory_space<vmem_shared>>
          tpu.wait_indirect_dma semaphore(%arg19 : memref<!tpu.dma_semaphore, #tpu.memory_space<semaphore_mem>>) src(%dma_wait3A_450 : memref<128x32xf32, #tpu.memory_space<vmem>>) dst(%dma_wait3A_456 : memref<50048x32xf32, #tpu.memory_space<vmem_shared>>)
          %dma_wait3A_457 = arith.constant 0 : i32
          %dma_wait3A_458 = arith.constant 1 : i32
          %dma_wait3A_459 = arith.constant 0 : i32
          %dma_wait3A_460 = arith.constant 0 : i32
          %dma_wait3A_461 = tpu.memref_slice %arg16[%dma_wait3A_457, %dma_wait3A_458, %dma_wait3A_459, %dma_wait3A_460] : memref<6x2x2x128xi32, #tpu.memory_space<vmem>> -> memref<1x1x1x128xi32, #tpu.memory_space<vmem>>
          %dma_wait3A_462 = tpu.memref_squeeze %dma_wait3A_461 : memref<1x1x1x128xi32, #tpu.memory_space<vmem>> -> memref<128xi32, #tpu.memory_space<vmem>>
          %dma_wait3A_463 = arith.constant 0 : i32
          %dma_wait3A_464 = tpu.memref_slice %arg14[%dma_wait3A_463] : memref<50048xf32, #tpu.memory_space<vmem_shared>> -> memref<50048xf32, #tpu.memory_space<vmem_shared>>
          tpu.wait_indirect_dma semaphore(%arg19 : memref<!tpu.dma_semaphore, #tpu.memory_space<semaphore_mem>>) src(%arg17 : memref<128xf32, #tpu.memory_space<vmem>>) dst(%dma_wait3A_464 : memref<50048xf32, #tpu.memory_space<vmem_shared>>)
        } else {
        }
        %jit3A_375 = arith.constant 2 : i32
        %eq3A_376 = arith.constant 0 : i32
        %eq3A_377 = arith.cmpi eq, %jit3A_375, %eq3A_376 : i32
        %jit3A_378 = arith.constant 1 : i32
        %select_n3A_379 = arith.select %eq3A_377, %jit3A_378, %jit3A_375 : i32
        %rem3A_380 = arith.remsi %while3A_270, %select_n3A_379 : i32
        %ne3A_381 = arith.constant 0 : i32
        %ne3A_382 = arith.cmpi ne, %rem3A_380, %ne3A_381 : i32
        %lt3A_383 = arith.constant 0 : i32
        %lt3A_384 = arith.cmpi slt, %rem3A_380, %lt3A_383 : i32
        %lt3A_385 = arith.constant 0 : i32
        %lt3A_386 = arith.cmpi slt, %select_n3A_379, %lt3A_385 : i32
        %ne3A_387 = arith.xori %lt3A_384, %lt3A_386 : i1
        %and3A_388 = arith.andi %ne3A_387, %ne3A_382 : i1
        %add3A_389 = arith.addi %rem3A_380, %select_n3A_379 : i32
        %select_n3A_390 = arith.select %and3A_388, %add3A_389, %rem3A_380 : i32
        %eq3A_391 = arith.constant 1 : i32
        %eq3A_392 = arith.cmpi eq, %select_n3A_390, %eq3A_391 : i32
        %add3A_393 = arith.constant 6 : i32
        %add3A_394 = arith.addi %while3A_270, %add3A_393 : i32
        %sub3A_395 = arith.constant 2 : i32
        %sub3A_396 = arith.subi %add3A_394, %sub3A_395 : i32
        %lt3A_397 = arith.cmpi slt, %sub3A_396, %select_n3A : i32
        %and3A_398 = arith.andi %eq3A_392, %lt3A_397 : i1
        %convert_element_type3A_399 = arith.extui %and3A_398 : i1 to i32
        %cond3A_400 = arith.constant 0 : i32
        %cond3A_401 = arith.cmpi ne, %convert_element_type3A_399, %cond3A_400 : i32
        scf.if %cond3A_401 {
          %dma_wait3A_443 = arith.constant 0 : i32
          %dma_wait3A_444 = arith.constant 0 : i32
          %dma_wait3A_445 = arith.constant 0 : i32
          %dma_wait3A_446 = arith.constant 0 : i32
          %dma_wait3A_447 = tpu.memref_slice %arg16[%dma_wait3A_443, %dma_wait3A_444, %dma_wait3A_445, %dma_wait3A_446] : memref<6x2x2x128xi32, #tpu.memory_space<vmem>> -> memref<1x2x2x128xi32, #tpu.memory_space<vmem>>
          %dma_wait3A_448 = tpu.memref_squeeze %dma_wait3A_447 : memref<1x2x2x128xi32, #tpu.memory_space<vmem>> -> memref<2x2x128xi32, #tpu.memory_space<vmem>>
          %dma_wait3A_449 = arith.constant 0 : i32
          %dma_wait3A_450 = arith.constant 0 : i32
          %dma_wait3A_451 = tpu.memref_slice %arg4[%dma_wait3A_449, %add3A, %dma_wait3A_450] : memref<2x6250x128xi32, #tpu.memory_space<hbm>> -> memref<2x2x128xi32, #tpu.memory_space<hbm>>
          %dma_wait3A_452 = arith.constant 0 : i32
          %dma_wait3A_453 = arith.constant 0 : i32
          %dma_wait3A_454 = arith.constant 0 : i32
          %dma_wait3A_455 = tpu.memref_slice %arg16[%dma_wait3A_443, %dma_wait3A_452, %dma_wait3A_453, %dma_wait3A_454] : memref<6x2x2x128xi32, #tpu.memory_space<vmem>> -> memref<1x2x2x128xi32, #tpu.memory_space<vmem>>
          %dma_wait3A_456 = tpu.memref_squeeze %dma_wait3A_455 : memref<1x2x2x128xi32, #tpu.memory_space<vmem>> -> memref<2x2x128xi32, #tpu.memory_space<vmem>>
          %dma_wait3A_457 = arith.constant 0 : i32
          %dma_wait3A_458 = arith.constant 0 : i32
          %dma_wait3A_459 = tpu.memref_slice %arg4[%dma_wait3A_457, %add3A, %dma_wait3A_458] : memref<2x6250x128xi32, #tpu.memory_space<hbm>> -> memref<2x2x128xi32, #tpu.memory_space<hbm>>
          tpu.wait_dma2 semaphore(%arg20 : memref<!tpu.dma_semaphore, #tpu.memory_space<semaphore_mem>>) src(%dma_wait3A_459 : memref<2x2x128xi32, #tpu.memory_space<hbm>>) dst(%dma_wait3A_456 : memref<2x2x128xi32, #tpu.memory_space<vmem>>)
        } else {
        }
        %add3A_402 = arith.constant 6 : i32
        %add3A_403 = arith.addi %while3A_270, %add3A_402 : i32
        %sub3A_404 = arith.constant 2 : i32
        %sub3A_405 = arith.subi %add3A_403, %sub3A_404 : i32
        %lt3A_406 = arith.cmpi slt, %sub3A_405, %select_n3A : i32
        %convert_element_type3A_407 = arith.extui %lt3A_406 : i1 to i32
        %cond3A_408 = arith.constant 0 : i32
        %cond3A_409 = arith.cmpi ne, %convert_element_type3A_407, %cond3A_408 : i32
        scf.if %cond3A_409 {
          %add3A_443 = arith.constant 6 : i32
          %add3A_444 = arith.addi %while3A_270, %add3A_443 : i32
          %sub3A_445 = arith.constant 2 : i32
          %sub3A_446 = arith.subi %add3A_444, %sub3A_445 : i32
          %jit3A_447 = arith.constant 2 : i32
          %div3A_448 = arith.divsi %sub3A_446, %jit3A_447 : i32
          %sign3A_449 = arith.constant 0 : i32
          %sign3A_450 = arith.cmpi sgt, %sub3A_446, %sign3A_449 : i32
          %sign3A_451 = arith.extui %sign3A_450 : i1 to i32
          %sign3A_452 = arith.constant 0 : i32
          %sign3A_453 = arith.cmpi slt, %sub3A_446, %sign3A_452 : i32
          %sign3A_454 = arith.extui %sign3A_453 : i1 to i32
          %sign3A_455 = arith.subi %sign3A_451, %sign3A_454 : i32
          %sign3A_456 = arith.constant 0 : i32
          %sign3A_457 = arith.cmpi sgt, %jit3A_447, %sign3A_456 : i32
          %sign3A_458 = arith.extui %sign3A_457 : i1 to i32
          %sign3A_459 = arith.constant 0 : i32
          %sign3A_460 = arith.cmpi slt, %jit3A_447, %sign3A_459 : i32
          %sign3A_461 = arith.extui %sign3A_460 : i1 to i32
          %sign3A_462 = arith.subi %sign3A_458, %sign3A_461 : i32
          %ne3A_463 = arith.cmpi ne, %sign3A_455, %sign3A_462 : i32
          %rem3A_464 = arith.remsi %sub3A_446, %jit3A_447 : i32
          %ne3A_465 = arith.constant 0 : i32
          %ne3A_466 = arith.cmpi ne, %rem3A_464, %ne3A_465 : i32
          %and3A_467 = arith.andi %ne3A_463, %ne3A_466 : i1
          %sub3A_468 = arith.constant 1 : i32
          %sub3A_469 = arith.subi %div3A_448, %sub3A_468 : i32
          %select_n3A_470 = arith.select %and3A_467, %sub3A_469, %div3A_448 : i32
          %jit3A_471 = arith.constant 6 : i32
          %eq3A_472 = arith.constant 0 : i32
          %eq3A_473 = arith.cmpi eq, %jit3A_471, %eq3A_472 : i32
          %jit3A_474 = arith.constant 1 : i32
          %select_n3A_475 = arith.select %eq3A_473, %jit3A_474, %jit3A_471 : i32
          %rem3A_476 = arith.remsi %select_n3A_470, %select_n3A_475 : i32
          %ne3A_477 = arith.constant 0 : i32
          %ne3A_478 = arith.cmpi ne, %rem3A_476, %ne3A_477 : i32
          %lt3A_479 = arith.constant 0 : i32
          %lt3A_480 = arith.cmpi slt, %rem3A_476, %lt3A_479 : i32
          %lt3A_481 = arith.constant 0 : i32
          %lt3A_482 = arith.cmpi slt, %select_n3A_475, %lt3A_481 : i32
          %ne3A_483 = arith.xori %lt3A_480, %lt3A_482 : i1
          %and3A_484 = arith.andi %ne3A_483, %ne3A_478 : i1
          %add3A_485 = arith.addi %rem3A_476, %select_n3A_475 : i32
          %select_n3A_486 = arith.select %and3A_484, %add3A_485, %rem3A_476 : i32
          %jit3A_487 = arith.constant 2 : i32
          %eq3A_488 = arith.constant 0 : i32
          %eq3A_489 = arith.cmpi eq, %jit3A_487, %eq3A_488 : i32
          %jit3A_490 = arith.constant 1 : i32
          %select_n3A_491 = arith.select %eq3A_489, %jit3A_490, %jit3A_487 : i32
          %rem3A_492 = arith.remsi %sub3A_446, %select_n3A_491 : i32
          %ne3A_493 = arith.constant 0 : i32
          %ne3A_494 = arith.cmpi ne, %rem3A_492, %ne3A_493 : i32
          %lt3A_495 = arith.constant 0 : i32
          %lt3A_496 = arith.cmpi slt, %rem3A_492, %lt3A_495 : i32
          %lt3A_497 = arith.constant 0 : i32
          %lt3A_498 = arith.cmpi slt, %select_n3A_491, %lt3A_497 : i32
          %ne3A_499 = arith.xori %lt3A_496, %lt3A_498 : i1
          %and3A_500 = arith.andi %ne3A_499, %ne3A_494 : i1
          %add3A_501 = arith.addi %rem3A_492, %select_n3A_491 : i32
          %select_n3A_502 = arith.select %and3A_500, %add3A_501, %rem3A_492 : i32
          %jit3A_503 = arith.constant 6 : i32
          %eq3A_504 = arith.constant 0 : i32
          %eq3A_505 = arith.cmpi eq, %jit3A_503, %eq3A_504 : i32
          %jit3A_506 = arith.constant 1 : i32
          %select_n3A_507 = arith.select %eq3A_505, %jit3A_506, %jit3A_503 : i32
          %rem3A_508 = arith.remsi %sub3A_446, %select_n3A_507 : i32
          %ne3A_509 = arith.constant 0 : i32
          %ne3A_510 = arith.cmpi ne, %rem3A_508, %ne3A_509 : i32
          %lt3A_511 = arith.constant 0 : i32
          %lt3A_512 = arith.cmpi slt, %rem3A_508, %lt3A_511 : i32
          %lt3A_513 = arith.constant 0 : i32
          %lt3A_514 = arith.cmpi slt, %select_n3A_507, %lt3A_513 : i32
          %ne3A_515 = arith.xori %lt3A_512, %lt3A_514 : i1
          %and3A_516 = arith.andi %ne3A_515, %ne3A_510 : i1
          %add3A_517 = arith.addi %rem3A_508, %select_n3A_507 : i32
          %select_n3A_518 = arith.select %and3A_516, %add3A_517, %rem3A_508 : i32
          %dma_start3A_519 = arith.constant 0 : i32
          %dma_start3A_520 = arith.constant 0 : i32
          %dma_start3A_521 = arith.constant 0 : i32
          %dma_start3A_522 = tpu.memref_slice %arg15[%select_n3A_518, %dma_start3A_520, %dma_start3A_521] : memref<6x128x32xf32, #tpu.memory_space<vmem>> -> memref<1x128x32xf32, #tpu.memory_space<vmem>>
          %dma_start3A_523 = tpu.memref_squeeze %dma_start3A_522 : memref<1x128x32xf32, #tpu.memory_space<vmem>> -> memref<128x32xf32, #tpu.memory_space<vmem>>
          %dma_start3A_524 = arith.constant 0 : i32
          %dma_start3A_525 = tpu.memref_slice %arg16[%select_n3A_486, %dma_start3A_519, %select_n3A_502, %dma_start3A_524] : memref<6x2x2x128xi32, #tpu.memory_space<vmem>> -> memref<1x1x1x128xi32, #tpu.memory_space<vmem>>
          %dma_start3A_526 = tpu.memref_squeeze %dma_start3A_525 : memref<1x1x1x128xi32, #tpu.memory_space<vmem>> -> memref<128xi32, #tpu.memory_space<vmem>>
          %dma_start3A_527 = arith.constant 0 : i32
          %dma_start3A_528 = arith.constant 0 : i32
          %dma_start3A_529 = tpu.memref_slice %arg5[%dma_start3A_527, %dma_start3A_528] : memref<50000x32xf32, #tpu.memory_space<hbm>> -> memref<50000x32xf32, #tpu.memory_space<hbm>>
          tpu.enqueue_indirect_dma source(%dma_start3A_529 : memref<50000x32xf32, #tpu.memory_space<hbm>>) target(%dma_start3A_523 : memref<128x32xf32, #tpu.memory_space<vmem>>) offsets(%dma_start3A_526 : memref<128xi32, #tpu.memory_space<vmem>>) semaphore(%arg18 : memref<!tpu.dma_semaphore, #tpu.memory_space<semaphore_mem>>)
        } else {
        }
        %sub3A_410 = arith.constant 1 : i32
        %sub3A_411 = arith.subi %while3A_270, %sub3A_410 : i32
        %jit3A_412 = arith.constant 2 : i32
        %div3A_413 = arith.divsi %sub3A_411, %jit3A_412 : i32
        %sign3A_414 = arith.constant 0 : i32
        %sign3A_415 = arith.cmpi sgt, %sub3A_411, %sign3A_414 : i32
        %sign3A_416 = arith.extui %sign3A_415 : i1 to i32
        %sign3A_417 = arith.constant 0 : i32
        %sign3A_418 = arith.cmpi slt, %sub3A_411, %sign3A_417 : i32
        %sign3A_419 = arith.extui %sign3A_418 : i1 to i32
        %sign3A_420 = arith.subi %sign3A_416, %sign3A_419 : i32
        %sign3A_421 = arith.constant 0 : i32
        %sign3A_422 = arith.cmpi sgt, %jit3A_412, %sign3A_421 : i32
        %sign3A_423 = arith.extui %sign3A_422 : i1 to i32
        %sign3A_424 = arith.constant 0 : i32
        %sign3A_425 = arith.cmpi slt, %jit3A_412, %sign3A_424 : i32
        %sign3A_426 = arith.extui %sign3A_425 : i1 to i32
        %sign3A_427 = arith.subi %sign3A_423, %sign3A_426 : i32
        %ne3A_428 = arith.cmpi ne, %sign3A_420, %sign3A_427 : i32
        %rem3A_429 = arith.remsi %sub3A_411, %jit3A_412 : i32
        %ne3A_430 = arith.constant 0 : i32
        %ne3A_431 = arith.cmpi ne, %rem3A_429, %ne3A_430 : i32
        %and3A_432 = arith.andi %ne3A_428, %ne3A_431 : i1
        %sub3A_433 = arith.constant 1 : i32
        %sub3A_434 = arith.subi %div3A_413, %sub3A_433 : i32
        %select_n3A_435 = arith.select %and3A_432, %sub3A_434, %div3A_413 : i32
        %add3A_436 = arith.constant 5 : i32
        %add3A_437 = arith.addi %select_n3A_435, %add3A_436 : i32
        %lt3A_438 = arith.cmpi slt, %add3A_437, %select_n3A_25 : i32
        %and3A_439 = arith.andi %eq3A_392, %lt3A_438 : i1
        %convert_element_type3A_440 = arith.extui %and3A_439 : i1 to i32
        %cond3A_441 = arith.constant 0 : i32
        %cond3A_442 = arith.cmpi ne, %convert_element_type3A_440, %cond3A_441 : i32
        scf.if %cond3A_442 {
          %sub3A_443 = arith.constant 1 : i32
          %sub3A_444 = arith.subi %while3A_270, %sub3A_443 : i32
          %jit3A_445 = arith.constant 2 : i32
          %div3A_446 = arith.divsi %sub3A_444, %jit3A_445 : i32
          %sign3A_447 = arith.constant 0 : i32
          %sign3A_448 = arith.cmpi sgt, %sub3A_444, %sign3A_447 : i32
          %sign3A_449 = arith.extui %sign3A_448 : i1 to i32
          %sign3A_450 = arith.constant 0 : i32
          %sign3A_451 = arith.cmpi slt, %sub3A_444, %sign3A_450 : i32
          %sign3A_452 = arith.extui %sign3A_451 : i1 to i32
          %sign3A_453 = arith.subi %sign3A_449, %sign3A_452 : i32
          %sign3A_454 = arith.constant 0 : i32
          %sign3A_455 = arith.cmpi sgt, %jit3A_445, %sign3A_454 : i32
          %sign3A_456 = arith.extui %sign3A_455 : i1 to i32
          %sign3A_457 = arith.constant 0 : i32
          %sign3A_458 = arith.cmpi slt, %jit3A_445, %sign3A_457 : i32
          %sign3A_459 = arith.extui %sign3A_458 : i1 to i32
          %sign3A_460 = arith.subi %sign3A_456, %sign3A_459 : i32
          %ne3A_461 = arith.cmpi ne, %sign3A_453, %sign3A_460 : i32
          %rem3A_462 = arith.remsi %sub3A_444, %jit3A_445 : i32
          %ne3A_463 = arith.constant 0 : i32
          %ne3A_464 = arith.cmpi ne, %rem3A_462, %ne3A_463 : i32
          %and3A_465 = arith.andi %ne3A_461, %ne3A_464 : i1
          %sub3A_466 = arith.constant 1 : i32
          %sub3A_467 = arith.subi %div3A_446, %sub3A_466 : i32
          %select_n3A_468 = arith.select %and3A_465, %sub3A_467, %div3A_446 : i32
          %add3A_469 = arith.constant 5 : i32
          %add3A_470 = arith.addi %select_n3A_468, %add3A_469 : i32
          %jit3A_471 = arith.constant 6 : i32
          %eq3A_472 = arith.constant 0 : i32
          %eq3A_473 = arith.cmpi eq, %jit3A_471, %eq3A_472 : i32
          %jit3A_474 = arith.constant 1 : i32
          %select_n3A_475 = arith.select %eq3A_473, %jit3A_474, %jit3A_471 : i32
          %rem3A_476 = arith.remsi %add3A_470, %select_n3A_475 : i32
          %ne3A_477 = arith.constant 0 : i32
          %ne3A_478 = arith.cmpi ne, %rem3A_476, %ne3A_477 : i32
          %lt3A_479 = arith.constant 0 : i32
          %lt3A_480 = arith.cmpi slt, %rem3A_476, %lt3A_479 : i32
          %lt3A_481 = arith.constant 0 : i32
          %lt3A_482 = arith.cmpi slt, %select_n3A_475, %lt3A_481 : i32
          %ne3A_483 = arith.xori %lt3A_480, %lt3A_482 : i1
          %and3A_484 = arith.andi %ne3A_483, %ne3A_478 : i1
          %add3A_485 = arith.addi %rem3A_476, %select_n3A_475 : i32
          %select_n3A_486 = arith.select %and3A_484, %add3A_485, %rem3A_476 : i32
          %mul3A_487 = arith.constant 2 : i32
          %mul3A_488 = arith.muli %add3A_470, %mul3A_487 : i32
          %add3A_489 = arith.addi %add3A, %mul3A_488 : i32
          %dma_start3A_490 = arith.constant 0 : i32
          %dma_start3A_491 = arith.constant 0 : i32
          %dma_start3A_492 = arith.constant 0 : i32
          %dma_start3A_493 = tpu.memref_slice %arg16[%select_n3A_486, %dma_start3A_490, %dma_start3A_491, %dma_start3A_492] : memref<6x2x2x128xi32, #tpu.memory_space<vmem>> -> memref<1x2x2x128xi32, #tpu.memory_space<vmem>>
          %dma_start3A_494 = tpu.memref_squeeze %dma_start3A_493 : memref<1x2x2x128xi32, #tpu.memory_space<vmem>> -> memref<2x2x128xi32, #tpu.memory_space<vmem>>
          %dma_start3A_495 = arith.constant 0 : i32
          %dma_start3A_496 = arith.constant 0 : i32
          %dma_start3A_497 = tpu.memref_slice %arg4[%dma_start3A_495, %add3A_489, %dma_start3A_496] : memref<2x6250x128xi32, #tpu.memory_space<hbm>> -> memref<2x2x128xi32, #tpu.memory_space<hbm>>
          %dma_start3A_498 = arith.constant 0 : i32
          %dma_start3A_499 = arith.constant 0 : i32
          %dma_start3A_500 = arith.constant 0 : i32
          %dma_start3A_501 = tpu.memref_slice %arg16[%select_n3A_486, %dma_start3A_498, %dma_start3A_499, %dma_start3A_500] : memref<6x2x2x128xi32, #tpu.memory_space<vmem>> -> memref<1x2x2x128xi32, #tpu.memory_space<vmem>>
          %dma_start3A_502 = tpu.memref_squeeze %dma_start3A_501 : memref<1x2x2x128xi32, #tpu.memory_space<vmem>> -> memref<2x2x128xi32, #tpu.memory_space<vmem>>
          %dma_start3A_503 = arith.constant 0 : i32
          %dma_start3A_504 = arith.constant 0 : i32
          %dma_start3A_505 = tpu.memref_slice %arg4[%dma_start3A_503, %add3A_489, %dma_start3A_504] : memref<2x6250x128xi32, #tpu.memory_space<hbm>> -> memref<2x2x128xi32, #tpu.memory_space<hbm>>
          tpu.enqueue_dma source(%dma_start3A_505 : memref<2x2x128xi32, #tpu.memory_space<hbm>>) target(%dma_start3A_502 : memref<2x2x128xi32, #tpu.memory_space<vmem>>) target_semaphore(%arg20 : memref<!tpu.dma_semaphore, #tpu.memory_space<semaphore_mem>>)
        } else {
        }
      }
      %dma_wait3A_225 = arith.constant 0 : i32
      %dma_wait3A_226 = arith.constant 0 : i32
      %dma_wait3A_227 = arith.constant 1 : i32
      %dma_wait3A_228 = arith.constant 0 : i32
      %dma_wait3A_229 = arith.constant 0 : i32
      %dma_wait3A_230 = arith.constant 0 : i32
      %dma_wait3A_231 = tpu.memref_slice %arg15[%dma_wait3A_225, %dma_wait3A_229, %dma_wait3A_230] : memref<6x128x32xf32, #tpu.memory_space<vmem>> -> memref<1x128x32xf32, #tpu.memory_space<vmem>>
      %dma_wait3A_232 = tpu.memref_squeeze %dma_wait3A_231 : memref<1x128x32xf32, #tpu.memory_space<vmem>> -> memref<128x32xf32, #tpu.memory_space<vmem>>
      %dma_wait3A_233 = arith.constant 0 : i32
      %dma_wait3A_234 = tpu.memref_slice %arg16[%dma_wait3A_226, %dma_wait3A_227, %dma_wait3A_228, %dma_wait3A_233] : memref<6x2x2x128xi32, #tpu.memory_space<vmem>> -> memref<1x1x1x128xi32, #tpu.memory_space<vmem>>
      %dma_wait3A_235 = tpu.memref_squeeze %dma_wait3A_234 : memref<1x1x1x128xi32, #tpu.memory_space<vmem>> -> memref<128xi32, #tpu.memory_space<vmem>>
      %dma_wait3A_236 = arith.constant 0 : i32
      %dma_wait3A_237 = arith.constant 0 : i32
      %dma_wait3A_238 = tpu.memref_slice %arg13[%dma_wait3A_236, %dma_wait3A_237] : memref<50048x32xf32, #tpu.memory_space<vmem_shared>> -> memref<50048x32xf32, #tpu.memory_space<vmem_shared>>
      tpu.wait_indirect_dma semaphore(%arg19 : memref<!tpu.dma_semaphore, #tpu.memory_space<semaphore_mem>>) src(%dma_wait3A_232 : memref<128x32xf32, #tpu.memory_space<vmem>>) dst(%dma_wait3A_238 : memref<50048x32xf32, #tpu.memory_space<vmem_shared>>)
      %dma_wait3A_239 = arith.constant 0 : i32
      %dma_wait3A_240 = arith.constant 1 : i32
      %dma_wait3A_241 = arith.constant 0 : i32
      %dma_wait3A_242 = arith.constant 0 : i32
      %dma_wait3A_243 = tpu.memref_slice %arg16[%dma_wait3A_239, %dma_wait3A_240, %dma_wait3A_241, %dma_wait3A_242] : memref<6x2x2x128xi32, #tpu.memory_space<vmem>> -> memref<1x1x1x128xi32, #tpu.memory_space<vmem>>
      %dma_wait3A_244 = tpu.memref_squeeze %dma_wait3A_243 : memref<1x1x1x128xi32, #tpu.memory_space<vmem>> -> memref<128xi32, #tpu.memory_space<vmem>>
      %dma_wait3A_245 = arith.constant 0 : i32
      %dma_wait3A_246 = tpu.memref_slice %arg14[%dma_wait3A_245] : memref<50048xf32, #tpu.memory_space<vmem_shared>> -> memref<50048xf32, #tpu.memory_space<vmem_shared>>
      tpu.wait_indirect_dma semaphore(%arg19 : memref<!tpu.dma_semaphore, #tpu.memory_space<semaphore_mem>>) src(%arg17 : memref<128xf32, #tpu.memory_space<vmem>>) dst(%dma_wait3A_246 : memref<50048xf32, #tpu.memory_space<vmem_shared>>)
      %dma_wait3A_247 = arith.constant 0 : i32
      %dma_wait3A_248 = arith.constant 0 : i32
      %dma_wait3A_249 = arith.constant 1 : i32
      %dma_wait3A_250 = arith.constant 0 : i32
      %dma_wait3A_251 = arith.constant 0 : i32
      %dma_wait3A_252 = arith.constant 0 : i32
      %dma_wait3A_253 = tpu.memref_slice %arg15[%dma_wait3A_247, %dma_wait3A_251, %dma_wait3A_252] : memref<6x128x32xf32, #tpu.memory_space<vmem>> -> memref<1x128x32xf32, #tpu.memory_space<vmem>>
      %dma_wait3A_254 = tpu.memref_squeeze %dma_wait3A_253 : memref<1x128x32xf32, #tpu.memory_space<vmem>> -> memref<128x32xf32, #tpu.memory_space<vmem>>
      %dma_wait3A_255 = arith.constant 0 : i32
      %dma_wait3A_256 = tpu.memref_slice %arg16[%dma_wait3A_248, %dma_wait3A_249, %dma_wait3A_250, %dma_wait3A_255] : memref<6x2x2x128xi32, #tpu.memory_space<vmem>> -> memref<1x1x1x128xi32, #tpu.memory_space<vmem>>
      %dma_wait3A_257 = tpu.memref_squeeze %dma_wait3A_256 : memref<1x1x1x128xi32, #tpu.memory_space<vmem>> -> memref<128xi32, #tpu.memory_space<vmem>>
      %dma_wait3A_258 = arith.constant 0 : i32
      %dma_wait3A_259 = arith.constant 0 : i32
      %dma_wait3A_260 = tpu.memref_slice %arg13[%dma_wait3A_258, %dma_wait3A_259] : memref<50048x32xf32, #tpu.memory_space<vmem_shared>> -> memref<50048x32xf32, #tpu.memory_space<vmem_shared>>
      tpu.wait_indirect_dma semaphore(%arg19 : memref<!tpu.dma_semaphore, #tpu.memory_space<semaphore_mem>>) src(%dma_wait3A_254 : memref<128x32xf32, #tpu.memory_space<vmem>>) dst(%dma_wait3A_260 : memref<50048x32xf32, #tpu.memory_space<vmem_shared>>)
      %dma_wait3A_261 = arith.constant 0 : i32
      %dma_wait3A_262 = arith.constant 1 : i32
      %dma_wait3A_263 = arith.constant 0 : i32
      %dma_wait3A_264 = arith.constant 0 : i32
      %dma_wait3A_265 = tpu.memref_slice %arg16[%dma_wait3A_261, %dma_wait3A_262, %dma_wait3A_263, %dma_wait3A_264] : memref<6x2x2x128xi32, #tpu.memory_space<vmem>> -> memref<1x1x1x128xi32, #tpu.memory_space<vmem>>
      %dma_wait3A_266 = tpu.memref_squeeze %dma_wait3A_265 : memref<1x1x1x128xi32, #tpu.memory_space<vmem>> -> memref<128xi32, #tpu.memory_space<vmem>>
      %dma_wait3A_267 = arith.constant 0 : i32
      %dma_wait3A_268 = tpu.memref_slice %arg14[%dma_wait3A_267] : memref<50048xf32, #tpu.memory_space<vmem_shared>> -> memref<50048xf32, #tpu.memory_space<vmem_shared>>
      tpu.wait_indirect_dma semaphore(%arg19 : memref<!tpu.dma_semaphore, #tpu.memory_space<semaphore_mem>>) src(%arg17 : memref<128xf32, #tpu.memory_space<vmem>>) dst(%dma_wait3A_268 : memref<50048xf32, #tpu.memory_space<vmem_shared>>)
      %barrier3A_269 = arith.constant 0 : index
      tpu.barrier barrier_id(%barrier3A_269)
      "tpu.region"() ({
        %run_scoped3A = tpu.sem_alloc : memref<!tpu.dma_semaphore, #tpu.memory_space<semaphore_mem>>
        %dma_start3A_270 = arith.constant 0 : i32
        %dma_start3A_271 = tpu.memref_slice %arg11[%mul3A_0, %dma_start3A_270] : memref<50048x32xf32, #tpu.memory_space<hbm>> -> memref<3128x32xf32, #tpu.memory_space<hbm>>
        %dma_start3A_272 = arith.constant 0 : i32
        %dma_start3A_273 = tpu.memref_slice %arg13[%mul3A_0, %dma_start3A_272] : memref<50048x32xf32, #tpu.memory_space<vmem_shared>> -> memref<3128x32xf32, #tpu.memory_space<vmem_shared>>
        tpu.enqueue_dma source(%dma_start3A_273 : memref<3128x32xf32, #tpu.memory_space<vmem_shared>>) target(%dma_start3A_271 : memref<3128x32xf32, #tpu.memory_space<hbm>>) target_semaphore(%run_scoped3A : memref<!tpu.dma_semaphore, #tpu.memory_space<semaphore_mem>>)
        %dma_wait3A_274 = arith.constant 0 : i32
        %dma_wait3A_275 = tpu.memref_slice %arg11[%mul3A_0, %dma_wait3A_274] : memref<50048x32xf32, #tpu.memory_space<hbm>> -> memref<3128x32xf32, #tpu.memory_space<hbm>>
        %dma_wait3A_276 = arith.constant 0 : i32
        %dma_wait3A_277 = tpu.memref_slice %arg13[%mul3A_0, %dma_wait3A_276] : memref<50048x32xf32, #tpu.memory_space<vmem_shared>> -> memref<3128x32xf32, #tpu.memory_space<vmem_shared>>
        tpu.wait_dma2 semaphore(%run_scoped3A : memref<!tpu.dma_semaphore, #tpu.memory_space<semaphore_mem>>) src(%dma_wait3A_277 : memref<3128x32xf32, #tpu.memory_space<vmem_shared>>) dst(%dma_wait3A_275 : memref<3128x32xf32, #tpu.memory_space<hbm>>)
        tpu.yield
      }) : () -> ()
      "tpu.region"() ({
        %run_scoped3A = tpu.sem_alloc : memref<!tpu.dma_semaphore, #tpu.memory_space<semaphore_mem>>
        %dma_start3A_270 = tpu.memref_slice %arg12[%mul3A_0] : memref<50048xf32, #tpu.memory_space<hbm>> -> memref<3128xf32, #tpu.memory_space<hbm>>
        %dma_start3A_271 = tpu.memref_slice %arg14[%mul3A_0] : memref<50048xf32, #tpu.memory_space<vmem_shared>> -> memref<3128xf32, #tpu.memory_space<vmem_shared>>
        tpu.enqueue_dma source(%dma_start3A_271 : memref<3128xf32, #tpu.memory_space<vmem_shared>>) target(%dma_start3A_270 : memref<3128xf32, #tpu.memory_space<hbm>>) target_semaphore(%run_scoped3A : memref<!tpu.dma_semaphore, #tpu.memory_space<semaphore_mem>>)
        %dma_wait3A_272 = tpu.memref_slice %arg12[%mul3A_0] : memref<50048xf32, #tpu.memory_space<hbm>> -> memref<3128xf32, #tpu.memory_space<hbm>>
        %dma_wait3A_273 = tpu.memref_slice %arg14[%mul3A_0] : memref<50048xf32, #tpu.memory_space<vmem_shared>> -> memref<3128xf32, #tpu.memory_space<vmem_shared>>
        tpu.wait_dma2 semaphore(%run_scoped3A : memref<!tpu.dma_semaphore, #tpu.memory_space<semaphore_mem>>) src(%dma_wait3A_273 : memref<3128xf32, #tpu.memory_space<vmem_shared>>) dst(%dma_wait3A_272 : memref<3128xf32, #tpu.memory_space<hbm>>)
        tpu.yield
      }) : () -> ()
    } else {
    }
    return
  }
}

</mosaic_0001>

<sc_bundles>
// kernel: _segment_sums.3.cloned.1.call-start
scs
__scs_entry_jumppad:
0x0: {  	(pc) =	sbr.rel $0x88, $3  }
0x1: {  	(tag) =	ssettag $0x0;
	lr =	simm.s32 $0x1  }
0x2: {  	[smem:$0x3F9D] =	sst lr;
	_ =	strace $0xD0000000  }
0x3: {  	_ = 	snop  }
0x4: {  	_ = 	snop  }
0x5: {  	_ = 	snop  }
0x6: {  	_ = 	snop  }
0x7: {  	_ = 	snop  }
__scs_overlays_trampoline_lowered:
0x8: {  	[smem:$0x3FAC] =	sst s0  }
0x9: {  	[smem:$0x3FAD] =	sst s1  }
0xa: {  	[smem:$0x3FAE] =	sst s2  }
0xb: {  	[smem:$0x3FAF] =	sst s3  }
0xc: {  	[smem:$0x3FB0] =	sst s4  }
0xd: {  	[smem:$0x3FB1] =	sst s5  }
0xe: {  	[smem:$0x3FB2] =	sst s6  }
0xf: {  	[smem:$0x3FB3] =	sst s7  }
0x10: {  	[smem:$0x3FB4] =	sst s8  }
0x11: {  	[smem:$0x3FB5] =	sst s9;
	s0 =	simm.s32 @!p0 $0x0  }
0x12: {  	s1 =	sld [smem:$0x3F9B];
	s0 =	simm.s32 @p0 $0x1  }
0x13: {  	[smem:$0x3FB6] =	sst s0;
	s0 =	simm.s32 @!p1 $0x0  }
0x14: {  	s2 =	sld [smem:$0x3F9A];
	s0 =	simm.s32 @p1 $0x1  }
0x15: {  	[smem:$0x3FB7] =	sst s0;
	s0 =	simm.s32 @!p2 $0x0  }
0x16: {  	s3 =	sld [smem:$0x3FDB];
	s0 =	simm.s32 @p2 $0x1  }
0x17: {  	s4 =	simm.s32 $0x1BF5;
	[smem:$0x3FB9] =	sst s0  }
0x18: {  	s0 =	sld [smem:$0x3F9C];
	_ =	swait.ge [sflag:s4], $0x0  }
0x19: {  	s7 =	sld [smem:$0x3F9D]  }
0x1a: {  	s8 =	sadd.s32 $0xFFFFE003, lr  }
0x1b: {  	s9 =	sadd.s32 $0xFFFFFEF7, lr;
	s5 =	simm.s32 $0xFFFFFFFF;
	p2 =	slt.u32 s8, $0xFFFFF086  }
0x1c: {  	p1 =	slt.u32 s9, $0xF7A;
	s5 =	simm.s32 @!p2 $0x0  }
0x1d: {  	s5 =	simm.s32 @p1 $0x1;
	p0 =	seq.s32 s7, s2  }
0x1e: {  	s7 =	smul.u32 @!p0 $0xF7A, s2;
	p2 =	seq.s32 @!p0 s5, $0x0  }
0x1f: {  	s9 =	smul.u32 $0xF7A, s1;
	s8 =	simm.s32 @!p0 $0x1BF5;
	p2 =	por !p2, p0  }
0x20: {  	[sflag:s8] =	ssyncset.s32 @!p0 $0xFFFFF086;
	s6 =	sadd.s32 @!p0 s3, s7;
	s7 =	simm.s32 @!p0 $0x108  }
0x21: {  	s3 =	sadd.s32 s3, s9;
	s6 =	sadd.s32 @!p0 $0x88, s6;
	s7 =	simm.s32 @p2 $0x1082  }
0x22: {  	[simem:s7], [sflag:s8] =	dma.local @!p0 [hbm:s6], $0xF7A  }
0x23: {  	s9 =	sor.u32 $0xD0000000, s2;
	s6 =	simm.s32 $0x108;
	_ =	swait.ge @!p0 [sflag:s8], $0x0  }
0x24: {  	s3 =	sadd.s32 $0x88, s3;
	s6 =	simm.s32 @!p1 $0x1082;
	[sflag:s4] =	ssyncset.s32 $0xFFFFF086  }
0x25: {  	[simem:s6], [sflag:s4] =	dma.local [hbm:s3], $0xF7A  }
0x26: {  	[smem:$0x3F9D] =	sst s1;
	(tag) =	ssettag s2;
	_ =	strace s9  }
0x27: {  	s1 =	sld [smem:$0x3FAD]  }
0x28: {  	s2 =	sld [smem:$0x3FAE]  }
0x29: {  	s4 =	sld [smem:$0x3FB0]  }
0x2a: {  	p0 =	seq.s32 s5, $0x0;
	s5 =	sld [smem:$0x3FB1]  }
0x2b: {  	s6 =	sld [smem:$0x3FB2]  }
0x2c: {  	s7 =	sld [smem:$0x3FB3]  }
0x2d: {  	s3 =	simm.s32 $0x108;
	s8 =	sld [smem:$0x3FB4]  }
0x2e: {  	s3 =	simm.s32 @!p0 $0x1082;
	s9 =	sld [smem:$0x3FB5]  }
0x2f: {  	lr =	sadd.s32 s0, s3;
	s0 =	sld [smem:$0x3FAC]  }
0x30: {  	s3 =	sld [smem:$0x3FAF]  }
0x31: {  	[smem:$0x3FB8] =	sst s10  }
0x32: {  	s10 =	sld [smem:$0x3FB6];
	_ =	sdelay $0x3  }
0x33: {  	p0 =	seq.s32 s10, $0x1;
	s10 =	sld [smem:$0x3FB8];
	_ =	sdelay $0x3  }
0x34: {  	[smem:$0x3FB8] =	sst s10  }
0x35: {  	s10 =	sld [smem:$0x3FB7];
	_ =	sdelay $0x3  }
0x36: {  	p1 =	seq.s32 s10, $0x1;
	s10 =	sld [smem:$0x3FB8];
	_ =	sdelay $0x3  }
0x37: {  	[smem:$0x3FB8] =	sst s10  }
0x38: {  	s10 =	sld [smem:$0x3FB9]  }
0x39: {  	_ = 	snop;
	(pc) =	sbr.ind lr, $3  }
0x3a: {  	_ = 	snop  }
0x3b: {  	_ = 	snop  }
0x3c: {  	p2 =	seq.s32 s10, $0x1;
	s10 =	sld [smem:$0x3FB8]  }
0x3d: {  	_ =	shalt  }
0x3e: {  	_ =	shalt  }
0x3f: {  	_ =	shalt  }
0x40: {  	_ =	shalt  }
0x41: {  	_ =	shalt  }
0x42: {  	_ =	shalt  }
0x43: {  	_ =	shalt  }
0x44: {  	_ =	shalt  }
0x45: {  	_ =	shalt  }
0x46: {  	_ =	shalt  }
0x47: {  	_ =	shalt  }
0x48: {  	_ =	shalt  }
0x49: {  	_ =	shalt  }
0x4a: {  	_ =	shalt  }
0x4b: {  	_ =	shalt  }
0x4c: {  	_ =	shalt  }
0x4d: {  	_ =	shalt  }
0x4e: {  	_ =	shalt  }
0x4f: {  	_ =	shalt  }
0x50: {  	_ =	shalt  }
0x51: {  	_ =	shalt  }
0x52: {  	_ =	shalt  }
0x53: {  	_ =	shalt  }
0x54: {  	_ =	shalt  }
0x55: {  	_ =	shalt  }
0x56: {  	_ =	shalt  }
0x57: {  	_ =	shalt  }
0x58: {  	_ =	shalt  }
0x59: {  	_ =	shalt  }
0x5a: {  	_ =	shalt  }
0x5b: {  	_ =	shalt  }
0x5c: {  	_ =	shalt  }
0x5d: {  	_ =	shalt  }
0x5e: {  	_ =	shalt  }
0x5f: {  	_ =	shalt  }
0x60: {  	_ =	shalt  }
0x61: {  	_ =	shalt  }
0x62: {  	_ =	shalt  }
0x63: {  	_ =	shalt  }
0x64: {  	_ =	shalt  }
0x65: {  	_ =	shalt  }
0x66: {  	_ =	shalt  }
0x67: {  	_ =	shalt  }
0x68: {  	_ =	shalt  }
0x69: {  	_ =	shalt  }
0x6a: {  	_ =	shalt  }
0x6b: {  	_ =	shalt  }
0x6c: {  	_ =	shalt  }
0x6d: {  	_ =	shalt  }
0x6e: {  	_ =	shalt  }
0x6f: {  	_ =	shalt  }
0x70: {  	_ =	shalt  }
0x71: {  	_ =	shalt  }
0x72: {  	_ =	shalt  }
0x73: {  	_ =	shalt  }
0x74: {  	_ =	shalt  }
0x75: {  	_ =	shalt  }
0x76: {  	_ =	shalt  }
0x77: {  	_ =	shalt  }
0x78: {  	_ =	shalt  }
0x79: {  	_ =	shalt  }
0x7a: {  	_ =	shalt  }
0x7b: {  	_ =	shalt  }
0x7c: {  	_ =	shalt  }
0x7d: {  	_ =	shalt  }
0x7e: {  	_ =	shalt  }
0x7f: {  	_ =	shalt  }
0x80: {  	_ =	shalt  }
0x81: {  	_ =	shalt  }
0x82: {  	_ =	shalt  }
0x83: {  	_ =	shalt  }
0x84: {  	_ =	shalt  }
0x85: {  	_ =	shalt  }
0x86: {  	_ =	shalt  }
0x87: {  	_ =	shalt  }
.Lfunc_end0:
.L_simem_size_0:
called_computation_lowered:
.L_overlay_start_0:
0x88: {  	s2 =	sld [smem:$0x3FD9]  }
0x89: {  	s3 =	sld [smem:$0x3FFE];
	_ =	sdelay $0x1  }
0x8a: {  	s1 =	srdreg.scid  }
0x8b: {  	s0 =	sand.u32 $0x1, s1  }
0x8c: {  	s14 =	sshll.u32 s0, $0xA;
	s2 =	sadd.s32 s3, s2  }
0x8d: {  	s2 =	sadd.s32 s2, s14  }
0x8e: {  	[smem:$0x3FC4] =	sst s2  }
0x8f: {  	_ = 	snop  }
0x90: {  	s2 =	sld [smem:$0x3FD0];
	_ =	sdelay $0x2  }
0x91: {  	s15 =	simm.s32 $0xA;
	s4 =	simm.s32 $0x10  }
0x92: {  	[smem:s4], [sflag:s15] =	dma.local [hbm:s2], $0x1  }
0x93: {  	_ =	swait.eq [sflag:s15], $0x1  }
0x94: {  	s16 =	sld [smem:$0x10]  }
0x95: {  	s17 =	sld [smem:$0x11];
	[sflag:s15] =	ssyncset.done $0x0  }
0x96: {  	s5 =	sld [smem:$0x12];
	[sflag:s15] =	ssyncadd.s32 $0xFFFFFFFF  }
0x97: {  	s18 =	sld [smem:$0x13];
	(tm) =	ssettm $0x1  }
0x98: {  	s6 =	sld [smem:$0x3FFB];
	_ =	sdelay $0x3  }
0x99: {  	_ =	strace s6  }
0x9a: {  	s6 =	sld [smem:$0x3FFC];
	_ =	sdelay $0x3  }
0x9b: {  	_ =	strace s6  }
0x9c: {  	s6 =	sld [smem:$0x3FFD];
	_ =	sdelay $0x3  }
0x9d: {  	_ =	strace s6  }
0x9e: {  	_ =	strace $0x8FFFFFFF  }
0x9f: {  	s19 =	sld [smem:$0x3FDB];
	_ =	sdelay $0x1  }
0xa0: {  	s7 =	simm.s32 $_scs_section_size  }
0xa1: {  	s8 =	simm.s32 $_size__tile_overlayer_lowered;
	s9 =	simm.s32 $_tile_overlayer_lowered  }
0xa2: {  	s22 =	simm.s32 $0x1BFF;
	s21 =	sshll.u32 s9, $0x1;
	s6 =	sadd.s32 s7, s19  }
0xa3: {  	s10 =	simm.s32 $0x0;
	s20 =	sshll.u32 s8, $0x1;
	s8 =	sadd.s32 s21, s6  }
0xa4: {  	[timem:s10], [sflag:s22] =	dma.local [hbm:s8], s20  }
0xa5: {  	_ =	swait.ge [sflag:s22], s20  }
0xa6: {  	s7 =	ssub.s32 $0x0, s20;
	[sflag:s22] =	ssyncset.done $0x0  }
0xa7: {  	[sflag:s22] =	ssyncadd.s32 s7;
	_ =	sdelay $0x1  }
0xa8: {  	s23 =	simm.s32 $0x1B8B  }
0xa9: {  	_ =	swait.ge [sflag:s23], $0x1  }
0xaa: {  	[sflag:s23] =	ssyncset.done $0x0  }
0xab: {  	s25 =	simm.s32 $0x1B8E;
	s24 =	sld [smem:$0x3FFE];
	[sflag:s23] =	ssyncadd.s32 $0xFFFFFFFF  }
0xac: {  	s26 =	simm.s32 $execute0_lowered;
	[smem:$0x3FD2] =	sst s25  }
0xad: {  	s8 =	sshll.u32 s26, $0x1;
	_ =	strace $0x80000046;
	[dreg:$0x1] =	wrdreg $0xFFFFFFFF  }
0xae: {  	s28 =	simm.s32 $_size_execute0_lowered;
	s6 =	sadd.s32 s6, s8;
	[dreg:$0x0] =	wrdreg $0x0  }
0xaf: {  	s8 =	sshll.u32 s28, $0x1;
	[dreg:$0x2] =	wrdreg s6  }
0xb0: {  	[dreg:$0x3] =	wrdreg s8  }
0xb1: {  	[dreg:$0x4] =	wrdreg $0xC0  }
0xb2: {  	_ =	task [dreg:s10], $0x5FFFF  }
0xb3: {  	[dreg:$0x1] =	wrdreg $0xFFFFFFFF  }
0xb4: {  	[dreg:$0x0] =	wrdreg $0x60  }
0xb5: {  	[dreg:$0x2] =	wrdreg s16  }
0xb6: {  	[dreg:$0x3] =	wrdreg s24  }
0xb7: {  	[dreg:$0x4] =	wrdreg s5  }
0xb8: {  	[dreg:$0x5] =	wrdreg s17  }
0xb9: {  	[dreg:$0x6] =	wrdreg s18  }
0xba: {  	[dreg:$0x7] =	wrdreg $0x0  }
0xbb: {  	[dreg:$0x8] =	wrdreg $0x187000  }
0xbc: {  	[dreg:$0x9] =	wrdreg $0x9  }
0xbd: {  	_ =	task.clear_ibuf [dreg:s10], $0xAFFFF;
	_ =	strace $0x90000046  }
0xbe: {  	s29 =	simm.s32 $0x9;
	_ =	strace $0x80000048  }
0xbf: {  	_ =	swait.ge [sflag:s29], $0x1  }
0xc0: {  	[sflag:s29] =	ssyncadd.s32 $0xFFFFFFFF  }
0xc1: {  	_ =	strace $0x90000048  }
0xc2: {  	_ =	sfence  }
0xc3: {  	s30 =	sld [smem:$0x0];
	_ =	sdelay $0x2  }
0xc4: {  	s31 =	sshll.u32 s1, $0xD;
	s1 =	sshrl.u32 s1, $0x2  }
0xc5: {  	s3 =	sand.u32 $0x4000, s31;
	s1 =	sadd.s32 s1, s30  }
0xc6: {  	s0 =	sor.u32 s3, s0;
	s1 =	sshll.u32 s1, $0x11  }
0xc7: {  	s0 =	sor.u32 s1, s0  }
0xc8: {  	s0 =	sadd.s32 $0x8F2B, s0  }
0xc9: {  	[sflag:s0] =	ssyncadd.remote.s32 $0x1  }
0xca: {  	_ =	sfence.sel $0xFFFF  }
0xcb: {  	[dreg:$0x0] =	wrdreg $0xFFFFFFFF;
	(pc) =	sbr.abs _section_cstart, $3  }
0xcc: {  	[dreg:$0x1] =	wrdreg $0xFFFFFFFF  }
0xcd: {  	_ =	task.clear_ibuf [dreg:s10], $0x2FFFF;
	_ =	strace $0x9FFFFFFF  }
0xce: {  	(tm) =	ssettm $0x7FFFFFFF  }
0xcf: {  	_ =	shalt  }
tec
execute0_lowered:
.L_overlay_start_1:
0x0: {  	(tag) =	ssettag $0x1  }
0x1: {  	s0 =	rddreg [dreg:$0x0]  }
0x2: {  	s1 =	rddreg [dreg:$0x1]  }
0x3: {  	s5 =	rddreg [dreg:$0x5]  }
0x4: {  	s6 =	rddreg [dreg:$0x6]  }
0x5: {  	s2 =	simm.s32 $0x0;
	s22 =	srdreg.scid;
	s11 =	stileid.u32  }
0x6: {  	s16 =	simm.s32 $0x188;
	[smem:$0x7FF] =	sst s2;
	s8 =	sadd.s32 $0x63200, s1  }
0x7: {  	s9 =	sadd.s32 $0x32400, s1;
	s10 =	sadd.s32 $0x1600, s1;
	s3 =	sadd.s32 $0x6D000, s1  }
0x8: {  	s23 =	sadd.s32 $0x70200, s1;
	s2 =	sand.u32 $0x1, s22;
	s4 =	smul.u32 $0xC38, s11  }
0x9: {  	s24 =	sadd.s32 $0x70400, s1;
	s1 =	sadd.s32 $0x70600, s1;
	s30 =	smul.u32 $0x186, s11  }
0xa: {  	s7 =	smin.u32 s11, $0x5;
	_ =	strace $0x80000047;
	[dreg:$0x8] =	wrdreg s3  }
0xb: {  	p0 =	slt.u32 s11, $0x5;
	s31 =	sshll.u32 s11, $0x6;
	[dreg:$0x9] =	wrdreg s23  }
0xc: {  	s11 =	smul.u32 $0x18700, s11;
	[dreg:$0xa] =	wrdreg s24;
	s25 =	ssub.s32 $0x2, s2  }
0xd: {  	[dreg:$0xb] =	wrdreg s1;
	s7 =	sshll.u32 s7, $0x1;
	s16 =	simm.s32 @!p0 $0x186  }
0xe: {  	s14 =	sor.u32 $0x1C04, s31;
	p0 =	seq.s32 s2, $0x1;
	s26 =	sshrl.u32 s25, $0x1  }
0xf: {  	s3 =	sadd.s32 s30, s7;
	s19 =	sadd.s32 s4, s6;
	[dreg:$0xc] =	wrdreg s14  }
0x10: {  	s4 =	sshrl.u32 s4, $0x3;
	s1 =	ssub.s32 s25, s26;
	[dreg:$0xf] =	wrdreg s19  }
0x11: {  	s18 =	sshll.u32 s3, $0x7;
	s7 =	sshll.u32 s3, $0x4;
	[dreg:$0x10] =	wrdreg s4  }
0x12: {  	s15 =	sshrl.u32 s18, $0x3;
	s20 =	sadd.s32 s0, s7;
	s2 =	sadd.s32 s9, s7  }
0x13: {  	s1 =	smax.u32 s1, $0x1;
	s17 =	sadd.s32 $0x20, s15;
	[dreg:$0x11] =	wrdreg s20  }
0x14: {  	s12 =	sadd.s32 $0x40, s15;
	s13 =	sadd.s32 $0x60, s15;
	[dreg:$0x12] =	wrdreg s2  }
0x15: {  	s3 =	sadd.s32 $0x80, s15;
	s15 =	sadd.s32 s11, s5;
	[dreg:$0x1b] =	wrdreg s1  }
0x16: {  	s11 =	sshrl.u32 s11, $0x3;
	[dreg:$0xd] =	wrdreg s15  }
0x17: {  	[dreg:$0xe] =	wrdreg s11;
	s21 =	sadd.s32 s0, s17  }
0x18: {  	s22 =	sadd.s32 s9, s17;
	[dreg:$0x13] =	wrdreg s21  }
0x19: {  	s28 =	simm.s32 $0x80;
	s23 =	sadd.s32 s0, s12;
	[dreg:$0x14] =	wrdreg s22  }
0x1a: {  	s29 =	simm.s32 $0x2;
	s24 =	sadd.s32 s9, s12;
	[dreg:$0x15] =	wrdreg s23  }
.Ltmp0:
0x1b: {  	s25 =	sadd.s32 s0, s13;
	[dreg:$0x16] =	wrdreg s24;
	(pc) =	sbr.rel .LBB2_1-.Ltmp0, $4  }
0x1c: {  	s4 =	simm.s32 $0x4;
	s26 =	sadd.s32 s9, s13;
	[dreg:$0x17] =	wrdreg s25  }
0x1d: {  	s7 =	simm.s32 $0x1FF38;
	s30 =	sadd.s32 s0, s3;
	[dreg:$0x18] =	wrdreg s26  }
0x1e: {  	s1 =	simm.s32 $0x1;
	s31 =	sadd.s32 s9, s3;
	[dreg:$0x19] =	wrdreg s30  }
0x1f: {  	s3 =	sshrl.u32 s16, $0x1;
	s11 =	simm.s32 $0x0;
	[dreg:$0x1a] =	wrdreg s31  }
.LBB2_4:
0x20: {  	[tilespmem:s26], [sflag:$0x1] =	stream.indirect.gather @!p1 [hbm4b:s8+s24], $0x20, s25, s24, $0xb8;
	v63 =	vld [tilespmem:$0x0]  }
0x21: {  	s2 =	ssub.s32 @!p2 s2, s23;
	s12 =	sadd.s32 @!p2 s0, s15  }
0x22: {  	s13 =	simm.s32 @!p2 $0x100;
	s15 =	rddreg [dreg:$0x1c];
	s2 =	sshll.u32 @!p2 s2, $0x9  }
0x23: {  	s14 =	simm.s32 @!p2 $0xC3500;
	s17 =	rddreg [dreg:$0x1d];
	s2 =	sadd.s32 @!p2 $0x1F338, s2  }
0x24: {  	[tilespmem:s2], [sflag:$0x3] =	stream.strided.gather @!p2 [hbm4b:s12+s13], $0x200, s14, s13, $0x38;
	v63 =	vld [tilespmem:$0x0]  }
0x25: {  	s12 =	rddreg [dreg:$0x2]  }
0x26: {  	s2 =	rddreg [dreg:$0x3]  }
0x27: {  	s14 =	rddreg [dreg:$0xc]  }
.LBB2_8:
0x28: {  	_ =	swait.ge [sflag:s29], $0x1000  }
0x29: {  	[sflag:s29] =	ssyncset.done $0x0  }
0x2a: {  	[sflag:s29] =	ssyncadd.s32 $0xFFFFF000  }
0x2b: {  	_ =	swait.ge [sflag:s29], $0x80  }
0x2c: {  	[sflag:s29] =	ssyncset.done $0x0  }
0x2d: {  	[sflag:s29] =	ssyncadd.s32 $0xFFFFFF80  }
0x2e: {  	_ =	swait.ge [sflag:s29], $0x1000  }
0x2f: {  	[sflag:s29] =	ssyncset.done $0x0  }
0x30: {  	[sflag:s29] =	ssyncadd.s32 $0xFFFFF000  }
0x31: {  	_ =	swait.ge [sflag:s29], $0x80  }
0x32: {  	[sflag:s29] =	ssyncset.done $0x0  }
0x33: {  	s13 =	rddreg [dreg:$0xe];
	[sflag:s29] =	ssyncadd.s32 $0xFFFFFF80  }
0x34: {  	s12 =	sadd.s32 s12, s13;
	[bflag:$0x0] =	sbarrier.arrive $0xFFFF  }
0x35: {  	[hbm:s12], [sflag:s14] =	dma.local [spmem:s15], $0x30E0  }
0x36: {  	_ =	swait.ge [sflag:s4], $0x30E0  }
0x37: {  	[sflag:s4] =	ssyncset.done $0x0;
	s30 =	rddreg [dreg:$0x10]  }
0x38: {  	s2 =	sadd.s32 s2, s30;
	[sflag:s4] =	ssyncadd.s32 $0xFFFFCF20  }
0x39: {  	[hbm:s2], [sflag:s14] =	dma.local [spmem:s17], $0x187  }
0x3a: {  	_ =	swait.ge [sflag:s4], $0x187  }
0x3b: {  	s11 =	sadd.s32 $0x1, s11;
	s31 =	rddreg [dreg:$0x1b]  }
0x3c: {  	p1 =	sne.s32 s11, s31  }
.Ltmp1:
0x3d: {  	_ = 	snop;
	(pc) =	sbr.rel @!p1 .LBB2_9-.Ltmp1, $3  }
0x3e: {  	_ =	sdelay $0x1  }
0x3f: {  	[sflag:s4] =	ssyncset.done $0x0  }
0x40: {  	[sflag:s4] =	ssyncadd.s32 $0xFFFFFE79  }
.LBB2_1:
0x41: {  	s2 =	rddreg [dreg:$0xd]  }
0x42: {  	s23 =	rddreg [dreg:$0x8];
	s12 =	sshrl.u32 s2, $0x3  }
0x43: {  	[dreg:$0x1c] =	wrdreg s12  }
0x44: {  	[spmem:s12], [sflag:s14] =	dma.local [hbm:s23], $0x30E0  }
0x45: {  	_ =	swait.ge [sflag:s4], $0x30E0  }
0x46: {  	s24 =	rddreg [dreg:$0xf]  }
0x47: {  	[sflag:s4] =	ssyncset.done $0x0;
	s26 =	rddreg [dreg:$0x9];
	s25 =	sshrl.u32 s24, $0x3  }
0x48: {  	[sflag:s4] =	ssyncadd.s32 $0xFFFFCF20;
	[dreg:$0x1d] =	wrdreg s25  }
0x49: {  	[spmem:s25], [sflag:s14] =	dma.local [hbm:s26], $0x187  }
0x4a: {  	_ =	swait.ge [sflag:s4], $0x187  }
0x4b: {  	[sflag:s4] =	ssyncset.done $0x0  }
0x4c: {  	s30 =	simm.s32 $0x0;
	s31 =	rddreg [dreg:$0xa];
	[sflag:s4] =	ssyncadd.s32 $0xFFFFFE79  }
0x4d: {  	[tilespmem:s7], [sflag:$0x4] =	stream.linear.gather [hbm4b:s31+s30], $0x80, $0x38;
	v63 =	vld [tilespmem:$0x0]  }
.Ltmp2:
0x4e: {  	_ =	swait.ge [sflag:s4], $0x80;
	(pc) =	sbr.rel @!p0 .LBB2_2-.Ltmp2, $3  }
0x4f: {  	[sflag:s4] =	ssyncset.done $0x0  }
0x50: {  	[sflag:s4] =	ssyncadd.s32 $0xFFFFFF80  }
0x51: {  	[bflag:$0x0] =	sbarrier.arrive $0xFFFF;
	_ =	sdelay $0x1  }
0x52: {  	s2 =	rddreg [dreg:$0x12]  }
0x53: {  	s12 =	simm.s32 $0x100;
	s13 =	simm.s32 $0xC3500;
	s14 =	simm.s32 $0x1F338  }
0x54: {  	[tilespmem:s14], [sflag:$0x3] =	stream.strided.gather [hbm4b:s2+s12], $0x200, s13, s12, $0x38;
	v63 =	vld [tilespmem:$0x0]  }
0x55: {  	s23 =	rddreg [dreg:$0x14];
	s15 =	simm.s32 $0x1F538  }
0x56: {  	[tilespmem:s15], [sflag:$0x3] =	stream.strided.gather [hbm4b:s23+s12], $0x200, s13, s12, $0x38;
	v63 =	vld [tilespmem:$0x0]  }
0x57: {  	s24 =	rddreg [dreg:$0x16];
	s17 =	simm.s32 $0x1F738  }
0x58: {  	[tilespmem:s17], [sflag:$0x3] =	stream.strided.gather [hbm4b:s24+s12], $0x200, s13, s12, $0x38;
	v63 =	vld [tilespmem:$0x0]  }
0x59: {  	s25 =	rddreg [dreg:$0x18];
	s26 =	simm.s32 $0x1F938;
	s23 =	simm.s32 $0x4  }
0x5a: {  	[tilespmem:s26], [sflag:$0x3] =	stream.strided.gather [hbm4b:s25+s12], $0x200, s13, s12, $0x38;
	v63 =	vld [tilespmem:$0x0]  }
0x5b: {  	s30 =	rddreg [dreg:$0x1a];
	s31 =	simm.s32 $0x1FB38;
	s2 =	smulhi.u32 $0xAAAAAAAB, s23  }
0x5c: {  	[tilespmem:s31], [sflag:$0x3] =	stream.strided.gather [hbm4b:s30+s12], $0x200, s13, s12, $0x38;
	v63 =	vld [tilespmem:$0x0]  }
0x5d: {  	s19 =	simm.s32 $0x1A338;
	s2 =	sshrl.u32 s2, $0x2;
	s12 =	simm.s32 $0x3  }
0x5e: {  	s23 =	smul.u32 $0xFFFE8000, s2;
	s25 =	simm.s32 $0x0;
	_ =	swait.ge [sflag:s12], $0x200  }
0x5f: {  	s20 =	simm.s32 $0x1B338;
	s2 =	smulhi.u32 $0x2AAAAAAB, s25;
	[sflag:s12] =	ssyncset.done $0x0  }
0x60: {  	s21 =	simm.s32 $0x1F5B8;
	s22 =	simm.s32 $0x1C338;
	[sflag:s12] =	ssyncadd.s32 $0xFFFFFE00  }
0x61: {  	p2 =	por $0x1, $0x1;
	s2 =	smul.u32 $0x6, s2;
	_ =	swait.ge [sflag:s12], $0x200  }
0x62: {  	p1 =	sle.u32 s16, $0x4;
	s17 =	simm.s32 $0x1F3B8;
	[sflag:s12] =	ssyncset.done $0x0  }
0x63: {  	s13 =	simm.s32 $0x19338;
	s2 =	ssub.s32 $0x0, s2;
	[sflag:s12] =	ssyncadd.s32 $0xFFFFFE00  }
0x64: {  	[tilespmem:s13], [sflag:$0x1] =	stream.indirect.gather [hbm4b:s10+s28], $0x20, s14, s28, $0xb8;
	v63 =	vld [tilespmem:$0x0]  }
0x65: {  	s24 =	simm.s32 $0xFFFFFFFF;
	s31 =	sshra.s32 s23, $0x2;
	s2 =	sshll.u32 s2, $0x9  }
0x66: {  	[tilespmem:s19], [sflag:$0x1] =	stream.indirect.gather [hbm4b:s10+s28], $0x20, s17, s28, $0xb8;
	v63 =	vld [tilespmem:$0x0]  }
0x67: {  	s12 =	simm.s32 $0x1D338;
	s13 =	simm.s32 $0x200;
	s17 =	simm.s32 $0x0  }
0x68: {  	[tilespmem:s20], [sflag:$0x1] =	stream.indirect.gather [hbm4b:s10+s28], $0x20, s15, s28, $0xb8;
	v63 =	vld [tilespmem:$0x0]  }
0x69: {  	s19 =	simm.s32 $0x0;
	s20 =	smulhi.u32 $0xAAAAAAAB, s17;
	s15 =	sand.u32 $0x1, s24  }
0x6a: {  	[tilespmem:s22], [sflag:$0x1] =	stream.indirect.gather [hbm4b:s10+s28], $0x20, s21, s28, $0xb8;
	v63 =	vld [tilespmem:$0x0]  }
0x6b: {  	s24 =	simm.s32 $0x1;
	p3 =	seq.s32 s15, $0x1;
	s21 =	sand.u32 $0x200, s17  }
0x6c: {  	s20 =	sshrl.u32 s20, $0x2;
	p3 =	por !p2, !p3;
	s22 =	sand.u32 $0x1, s19  }
0x6d: {  	s17 =	sand.u32 @!p1 $0x80, s17;
	_ =	swait.ge [sflag:s1], $0x1000;
	s26 =	smul.u32 $0xFFFE8000, s20  }
0x6e: {  	s21 =	sshrl.u32 s21, $0x2;
	s20 =	simm.s32 @!p1 $0x2;
	[sflag:s1] =	ssyncset.done $0x0  }
0x6f: {  	s20 =	smulhi.u32 @!p1 $0x2AAAAAAB, s20;
	s2 =	sor.u32 s21, s2;
	s15 =	sshra.s32 s26, $0x2  }
0x70: {  	[sflag:s1] =	ssyncadd.s32 $0xFFFFF000;
	s2 =	sadd.s32 $0x1F438, s2;
	s15 =	sadd.s32 $0x19338, s15  }
0x71: {  	[spmem:s5] =	stream.indirect.scatter.add.f32 [tilespmem:s15], [sflag:$0x2], $0x20, s2, s28, $0xb8;
	v63 =	vld [tilespmem:$0x0]  }
0x72: {  	p3 =	por !p3, !p3;
	s20 =	smul.u32 @!p1 $0x6, s20;
	s15 =	simm.s32 @!p2 $0x2  }
0x73: {  	[spmem:s6] =	stream.indirect.scatter.add.f32 [tilespmem:s7], [sflag:$0x2], $0x1, s2, s28, $0xb8;
	v63 =	vld [tilespmem:$0x0]  }
0x74: {  	p6 =	seq.s32 s22, $0x1;
	s20 =	ssub.s32 @!p1 $0x2, s20;
	_ =	swait.ge @!p2 [sflag:s15], $0x1000  }
0x75: {  	s24 =	simm.s32 @!p3 $0x0;
	s2 =	sshll.u32 @!p1 s20, $0x9;
	[sflag:s15] =	ssyncset.done @!p2 $0x0  }
0x76: {  	s30 =	ssub.s32 $0x0, s24;
	s2 =	sor.u32 @!p1 s17, s2;
	[sflag:s15] =	ssyncadd.s32 @!p2 $0xFFFFF000  }
0x77: {  	s25 =	sadd.s32 @!p1 $0x1F338, s2;
	s2 =	sadd.s32 $0x5, s30;
	_ =	swait.ge @!p2 [sflag:s15], $0x80  }
0x78: {  	p4 =	por !p6, !p6;
	p5 =	sge.s32 s2, s3;
	[sflag:s15] =	ssyncset.done @!p2 $0x0  }
0x79: {  	s14 =	simm.s32 $0x80;
	[sflag:s15] =	ssyncadd.s32 @!p2 $0xFFFFFF80;
	p2 =	por p5, p4  }
0x7a: {  	p3 =	por !p6, p1;
	p4 =	sne.s32 s16, $0x1;
	s17 =	smulhi.u32 @!p2 $0xAAAAAAAB, s2  }
.Ltmp3:
0x7b: {  	s22 =	simm.s32 $0x1;
	s15 =	simm.s32 @!p3 $0x3;
	(pc) =	sbr.rel @!p4 .LBB2_7-.Ltmp3, $4  }
0x7c: {  	s24 =	simm.s32 @!p1 $0x80;
	s26 =	sadd.s32 $0x1D338, s31;
	_ =	swait.ge @!p3 [sflag:s15], $0x200  }
0x7d: {  	s21 =	sshll.u32 @!p2 s2, $0x8;
	[sflag:s15] =	ssyncset.done @!p3 $0x0;
	s17 =	sshrl.u32 @!p2 s17, $0x2  }
0x7e: {  	[sflag:s15] =	ssyncadd.s32 @!p3 $0xFFFFFE00;
	s15 =	sadd.s32 @!p2 s18, s21;
	s23 =	smul.u32 @!p2 $0x6, s17  }
0x7f: {  	s20 =	simm.s32 $0x5;
	s21 =	simm.s32 $0x1A338;
	s15 =	sshrl.u32 @!p2 s15, $0x3  }
.LBB2_6:
0x80: {  	s2 =	ssub.s32 @!p2 s2, s23;
	s15 =	sadd.s32 @!p2 s9, s15;
	s12 =	sadd.s32 $0x1000, s12  }
0x81: {  	[tilespmem:s26], [sflag:$0x1] =	stream.indirect.gather @!p1 [hbm4b:s10+s24], $0x20, s25, s24, $0xb8;
	v63 =	vld [tilespmem:$0x0]  }
0x82: {  	s17 =	simm.s32 @!p2 $0x100;
	s23 =	simm.s32 @!p2 $0xC3500;
	s2 =	sshll.u32 @!p2 s2, $0x9  }
0x83: {  	s25 =	smov.u32 s13;
	s24 =	sadd.s32 @!p2 $0x1F338, s2;
	s2 =	smov.u32 s14  }
0x84: {  	[tilespmem:s24], [sflag:$0x3] =	stream.strided.gather @!p2 [hbm4b:s15+s17], $0x200, s23, s17, $0x38;
	v63 =	vld [tilespmem:$0x0]  }
0x85: {  	s22 =	smulhi.u32 $0xAAAAAAAB, s22;
	s13 =	sadd.s32 $0x200, s13;
	s15 =	smov.u32 s19  }
0x86: {  	s26 =	sshrl.u32 s19, $0x1F;
	s14 =	sadd.s32 $0x80, s14;
	s17 =	smulhi.u32 $0xAAAAAAAB, s20  }
0x87: {  	s23 =	sand.u32 $0x200, s25;
	s25 =	sadd.s32 $0x5, s19;
	s19 =	sadd.s32 $0x1, s19  }
0x88: {  	s30 =	sshrl.u32 s19, $0x1;
	s17 =	sshrl.u32 s17, $0x2;
	_ =	swait.ge [sflag:s1], $0x1000  }
0x89: {  	s23 =	sshrl.u32 s23, $0x2;
	s24 =	smul.u32 $0xFFFE8000, s17;
	s17 =	sand.u32 $0x1, s15  }
0x8a: {  	p2 =	slt.u32 s19, $0x2;
	s31 =	smulhi.u32 $0x2AAAAAAB, s30;
	s15 =	sadd.s32 s26, s15  }
0x8b: {  	s26 =	sadd.s32 $0x4, s19;
	p3 =	seq.s32 s17, $0x1;
	[sflag:s1] =	ssyncset.done $0x0  }
0x8c: {  	s17 =	sshrl.u32 s22, $0x2;
	s22 =	smul.u32 $0x6, s31;
	[sflag:s1] =	ssyncadd.s32 $0xFFFFF000  }
0x8d: {  	s15 =	sshra.s32 s15, $0x1;
	p1 =	sge.u32 s26, s16;
	s26 =	sand.u32 $0x1, s19  }
0x8e: {  	s17 =	smul.u32 $0xFFFE8000, s17;
	p3 =	por !p2, !p3;
	s22 =	ssub.s32 s30, s22  }
0x8f: {  	s25 =	sshrl.u32 @!p1 s25, $0x1;
	p3 =	por !p3, !p3;
	s22 =	sshll.u32 s22, $0x9  }
0x90: {  	s30 =	smulhi.u32 @!p1 $0x2AAAAAAB, s25;
	s22 =	sor.u32 s23, s22;
	s23 =	simm.s32 $0x1  }
0x91: {  	s17 =	sshra.s32 s17, $0x2;
	s23 =	simm.s32 @!p3 $0x0  }
0x92: {  	s17 =	sadd.s32 s17, s21;
	s30 =	smul.u32 @!p1 $0x6, s30;
	s22 =	sadd.s32 $0x1F438, s22  }
0x93: {  	[spmem:s5] =	stream.indirect.scatter.add.f32 [tilespmem:s17], [sflag:$0x2], $0x20, s22, s28, $0xb8;
	v63 =	vld [tilespmem:$0x0]  }
0x94: {  	s2 =	sand.u32 @!p1 $0x80, s2;
	s25 =	ssub.s32 @!p1 s25, s30;
	s17 =	simm.s32 @!p2 $0x2  }
0x95: {  	[spmem:s6] =	stream.indirect.scatter.add.f32 [tilespmem:s7], [sflag:$0x2], $0x1, s22, s28, $0xb8;
	v63 =	vld [tilespmem:$0x0]  }
0x96: {  	p3 =	seq.s32 s26, $0x1;
	s22 =	sshll.u32 @!p1 s25, $0x9;
	_ =	swait.ge @!p2 [sflag:s17], $0x1000  }
0x97: {  	s15 =	ssub.s32 s15, s23;
	s2 =	sor.u32 @!p1 s2, s22;
	[sflag:s17] =	ssyncset.done @!p2 $0x0  }
0x98: {  	s25 =	sadd.s32 @!p1 $0x1F338, s2;
	s2 =	sadd.s32 $0x5, s15;
	[sflag:s17] =	ssyncadd.s32 @!p2 $0xFFFFF000  }
0x99: {  	p5 =	por !p3, !p3;
	s22 =	sadd.s32 $0x1, s19;
	_ =	swait.ge @!p2 [sflag:s17], $0x80  }
0x9a: {  	p4 =	por !p3, p1;
	p3 =	sge.s32 s2, s3;
	[sflag:s17] =	ssyncset.done @!p2 $0x0  }
0x9b: {  	[sflag:s17] =	ssyncadd.s32 @!p2 $0xFFFFFF80;
	p2 =	por p3, p5  }
0x9c: {  	s15 =	simm.s32 @!p4 $0x3;
	p3 =	sne.s32 s22, s16;
	s17 =	smulhi.u32 @!p2 $0xAAAAAAAB, s2  }
.Ltmp4:
0x9d: {  	_ =	swait.ge @!p4 [sflag:s15], $0x200;
	(pc) =	sbr.rel @p3 .LBB2_6-.Ltmp4, $4  }
0x9e: {  	s26 =	sshra.s32 s24, $0x2;
	s23 =	sshll.u32 @!p2 s2, $0x8;
	[sflag:s15] =	ssyncset.done @!p4 $0x0  }
0x9f: {  	[sflag:s15] =	ssyncadd.s32 @!p4 $0xFFFFFE00;
	s15 =	sadd.s32 @!p2 s18, s23;
	s17 =	sshrl.u32 @!p2 s17, $0x2  }
0xa0: {  	s24 =	simm.s32 @!p1 $0x80;
	s23 =	smul.u32 @!p2 $0x6, s17;
	s15 =	sshrl.u32 @!p2 s15, $0x3  }
0xa1: {  	s20 =	sadd.s32 $0x1, s20;
	s21 =	sadd.s32 $0x1000, s21;
	s26 =	sadd.s32 s26, s12  }
.LBB2_7:
0xa2: {  	[tilespmem:s26], [sflag:$0x1] =	stream.indirect.gather @!p1 [hbm4b:s10+s24], $0x20, s25, s24, $0xb8;
	v63 =	vld [tilespmem:$0x0]  }
0xa3: {  	s2 =	ssub.s32 @!p2 s2, s23;
	s12 =	sadd.s32 @!p2 s9, s15;
	s13 =	simm.s32 @!p2 $0x100  }
0xa4: {  	s14 =	simm.s32 @!p2 $0xC3500;
	s15 =	rddreg [dreg:$0x1c];
	s2 =	sshll.u32 @!p2 s2, $0x9  }
.Ltmp5:
0xa5: {  	s17 =	rddreg [dreg:$0x1d];
	s2 =	sadd.s32 @!p2 $0x1F338, s2;
	(pc) =	sbr.rel .LBB2_8-.Ltmp5, $4  }
0xa6: {  	[tilespmem:s2], [sflag:$0x3] =	stream.strided.gather @!p2 [hbm4b:s12+s13], $0x200, s14, s13, $0x38;
	v63 =	vld [tilespmem:$0x0]  }
0xa7: {  	s12 =	rddreg [dreg:$0xb]  }
0xa8: {  	s2 =	rddreg [dreg:$0x4]  }
0xa9: {  	s14 =	rddreg [dreg:$0xc]  }
.LBB2_2:
0xaa: {  	s2 =	rddreg [dreg:$0x11]  }
0xab: {  	s12 =	simm.s32 $0x100;
	s13 =	simm.s32 $0xC3500;
	s14 =	simm.s32 $0x1F338  }
0xac: {  	[tilespmem:s14], [sflag:$0x3] =	stream.strided.gather [hbm4b:s2+s12], $0x200, s13, s12, $0x38;
	v63 =	vld [tilespmem:$0x0]  }
0xad: {  	s23 =	rddreg [dreg:$0x13];
	s15 =	simm.s32 $0x1F538  }
0xae: {  	[tilespmem:s15], [sflag:$0x3] =	stream.strided.gather [hbm4b:s23+s12], $0x200, s13, s12, $0x38;
	v63 =	vld [tilespmem:$0x0]  }
0xaf: {  	s24 =	rddreg [dreg:$0x15];
	s17 =	simm.s32 $0x1F738  }
0xb0: {  	[tilespmem:s17], [sflag:$0x3] =	stream.strided.gather [hbm4b:s24+s12], $0x200, s13, s12, $0x38;
	v63 =	vld [tilespmem:$0x0]  }
0xb1: {  	s25 =	rddreg [dreg:$0x17];
	s26 =	simm.s32 $0x1F938  }
0xb2: {  	[tilespmem:s26], [sflag:$0x3] =	stream.strided.gather [hbm4b:s25+s12], $0x200, s13, s12, $0x38;
	v63 =	vld [tilespmem:$0x0]  }
0xb3: {  	s30 =	rddreg [dreg:$0x19];
	s31 =	simm.s32 $0x1FB38  }
0xb4: {  	[tilespmem:s31], [sflag:$0x3] =	stream.strided.gather [hbm4b:s30+s12], $0x200, s13, s12, $0x38;
	v63 =	vld [tilespmem:$0x0]  }
0xb5: {  	s19 =	simm.s32 $0x1A338;
	s12 =	simm.s32 $0x3  }
0xb6: {  	s20 =	simm.s32 $0x1B338;
	s23 =	simm.s32 $0x4;
	_ =	swait.ge [sflag:s12], $0x200  }
0xb7: {  	s21 =	simm.s32 $0x1F5B8;
	s2 =	smulhi.u32 $0xAAAAAAAB, s23;
	[sflag:s12] =	ssyncset.done $0x0  }
0xb8: {  	s22 =	simm.s32 $0x1C338;
	p2 =	por $0x1, $0x1;
	[sflag:s12] =	ssyncadd.s32 $0xFFFFFE00  }
0xb9: {  	p1 =	sle.u32 s16, $0x4;
	s2 =	sshrl.u32 s2, $0x2;
	_ =	swait.ge [sflag:s12], $0x200  }
0xba: {  	s23 =	smul.u32 $0xFFFE8000, s2;
	s25 =	simm.s32 $0x0;
	[sflag:s12] =	ssyncset.done $0x0  }
0xbb: {  	s2 =	smulhi.u32 $0x2AAAAAAB, s25;
	s13 =	simm.s32 $0x19338;
	[sflag:s12] =	ssyncadd.s32 $0xFFFFFE00  }
0xbc: {  	[tilespmem:s13], [sflag:$0x1] =	stream.indirect.gather [hbm4b:s8+s28], $0x20, s14, s28, $0xb8;
	v63 =	vld [tilespmem:$0x0]  }
0xbd: {  	s17 =	simm.s32 $0x1F3B8;
	s24 =	simm.s32 $0xFFFFFFFF;
	s2 =	smul.u32 $0x6, s2  }
0xbe: {  	[tilespmem:s19], [sflag:$0x1] =	stream.indirect.gather [hbm4b:s8+s28], $0x20, s17, s28, $0xb8;
	v63 =	vld [tilespmem:$0x0]  }
0xbf: {  	s25 =	simm.s32 $0x1;
	s31 =	sshra.s32 s23, $0x2;
	s2 =	ssub.s32 $0x0, s2  }
0xc0: {  	[tilespmem:s20], [sflag:$0x1] =	stream.indirect.gather [hbm4b:s8+s28], $0x20, s15, s28, $0xb8;
	v63 =	vld [tilespmem:$0x0]  }
0xc1: {  	s2 =	sshll.u32 s2, $0x9;
	s12 =	simm.s32 $0x1D338;
	s20 =	simm.s32 $0x0  }
0xc2: {  	[tilespmem:s22], [sflag:$0x1] =	stream.indirect.gather [hbm4b:s8+s28], $0x20, s21, s28, $0xb8;
	v63 =	vld [tilespmem:$0x0]  }
0xc3: {  	s19 =	simm.s32 $0x0;
	s15 =	sand.u32 $0x1, s24;
	s21 =	smulhi.u32 $0xAAAAAAAB, s20  }
0xc4: {  	s13 =	simm.s32 $0x200;
	s24 =	sand.u32 $0x1, s19;
	p3 =	seq.s32 s15, $0x1  }
0xc5: {  	p6 =	seq.s32 s24, $0x1;
	s22 =	sand.u32 $0x200, s20;
	s21 =	sshrl.u32 s21, $0x2  }
0xc6: {  	_ =	swait.ge [sflag:s1], $0x1000;
	s22 =	sshrl.u32 s22, $0x2;
	s26 =	smul.u32 $0xFFFE8000, s21  }
0xc7: {  	p3 =	por !p2, !p3;
	[sflag:s1] =	ssyncset.done $0x0;
	s2 =	sor.u32 s22, s2  }
0xc8: {  	[sflag:s1] =	ssyncadd.s32 $0xFFFFF000;
	s21 =	simm.s32 @!p1 $0x2;
	s15 =	sshra.s32 s26, $0x2  }
0xc9: {  	s2 =	sadd.s32 $0x1F438, s2;
	s21 =	smulhi.u32 @!p1 $0x2AAAAAAB, s21;
	s15 =	sadd.s32 $0x19338, s15  }
0xca: {  	[spmem:s5] =	stream.indirect.scatter.add.f32 [tilespmem:s15], [sflag:$0x2], $0x20, s2, s28, $0xb8;
	v63 =	vld [tilespmem:$0x0]  }
0xcb: {  	s20 =	sand.u32 @!p1 $0x80, s20;
	s21 =	smul.u32 @!p1 $0x6, s21;
	s15 =	simm.s32 @!p2 $0x2  }
0xcc: {  	[spmem:s6] =	stream.indirect.scatter.add.f32 [tilespmem:s7], [sflag:$0x2], $0x1, s2, s28, $0xb8;
	v63 =	vld [tilespmem:$0x0]  }
0xcd: {  	p3 =	por !p3, !p3;
	s21 =	ssub.s32 @!p1 $0x2, s21;
	_ =	swait.ge @!p2 [sflag:s15], $0x1000  }
0xce: {  	s25 =	simm.s32 @!p3 $0x0;
	s2 =	sshll.u32 @!p1 s21, $0x9;
	[sflag:s15] =	ssyncset.done @!p2 $0x0  }
0xcf: {  	s30 =	ssub.s32 $0x0, s25;
	s2 =	sor.u32 @!p1 s20, s2;
	[sflag:s15] =	ssyncadd.s32 @!p2 $0xFFFFF000  }
0xd0: {  	s25 =	sadd.s32 @!p1 $0x1F338, s2;
	s2 =	sadd.s32 $0x5, s30;
	_ =	swait.ge @!p2 [sflag:s15], $0x80  }
0xd1: {  	p4 =	por !p6, !p6;
	p5 =	sge.s32 s2, s3;
	[sflag:s15] =	ssyncset.done @!p2 $0x0  }
0xd2: {  	s14 =	simm.s32 $0x80;
	[sflag:s15] =	ssyncadd.s32 @!p2 $0xFFFFFF80;
	p2 =	por p5, p4  }
0xd3: {  	p3 =	por !p6, p1;
	p4 =	seq.s32 s16, $0x1;
	s20 =	smulhi.u32 @!p2 $0xAAAAAAAB, s2  }
.Ltmp6:
0xd4: {  	s24 =	simm.s32 @!p1 $0x80;
	s15 =	simm.s32 @!p3 $0x3;
	(pc) =	sbr.rel @p4 .LBB2_4-.Ltmp6, $4  }
0xd5: {  	s22 =	simm.s32 $0x1;
	s26 =	sadd.s32 $0x1D338, s31;
	_ =	swait.ge @!p3 [sflag:s15], $0x200  }
0xd6: {  	s23 =	sshll.u32 @!p2 s2, $0x8;
	[sflag:s15] =	ssyncset.done @!p3 $0x0;
	s20 =	sshrl.u32 @!p2 s20, $0x2  }
0xd7: {  	[sflag:s15] =	ssyncadd.s32 @!p3 $0xFFFFFE00;
	s15 =	sadd.s32 @!p2 s18, s23;
	s23 =	smul.u32 @!p2 $0x6, s20  }
0xd8: {  	s21 =	simm.s32 $0x1A338;
	s15 =	sshrl.u32 @!p2 s15, $0x3;
	s20 =	simm.s32 $0x5  }
.LBB2_3:
0xd9: {  	s2 =	ssub.s32 @!p2 s2, s23;
	s15 =	sadd.s32 @!p2 s0, s15;
	s12 =	sadd.s32 $0x1000, s12  }
0xda: {  	[tilespmem:s26], [sflag:$0x1] =	stream.indirect.gather @!p1 [hbm4b:s8+s24], $0x20, s25, s24, $0xb8;
	v63 =	vld [tilespmem:$0x0]  }
0xdb: {  	s23 =	simm.s32 @!p2 $0x100;
	s2 =	sshll.u32 @!p2 s2, $0x9;
	s24 =	simm.s32 @!p2 $0xC3500  }
0xdc: {  	s26 =	smov.u32 s13;
	s25 =	sadd.s32 @!p2 $0x1F338, s2;
	s2 =	smov.u32 s14  }
0xdd: {  	[tilespmem:s25], [sflag:$0x3] =	stream.strided.gather @!p2 [hbm4b:s15+s23], $0x200, s24, s23, $0x38;
	v63 =	vld [tilespmem:$0x0]  }
0xde: {  	s30 =	sshrl.u32 s19, $0x1F;
	s22 =	smulhi.u32 $0xAAAAAAAB, s22;
	s15 =	smov.u32 s19  }
0xdf: {  	s13 =	sadd.s32 $0x200, s13;
	s14 =	sadd.s32 $0x80, s14;
	s23 =	smulhi.u32 $0xAAAAAAAB, s20  }
0xe0: {  	s22 =	sshrl.u32 s22, $0x2;
	s25 =	sand.u32 $0x200, s26;
	s26 =	sadd.s32 $0x5, s19  }
0xe1: {  	s19 =	sadd.s32 $0x1, s19;
	s23 =	sshrl.u32 s23, $0x2;
	_ =	swait.ge [sflag:s1], $0x1000  }
0xe2: {  	s31 =	sshrl.u32 s19, $0x1;
	s24 =	smul.u32 $0xFFFE8000, s23;
	s23 =	sand.u32 $0x1, s15  }
0xe3: {  	s25 =	sshrl.u32 s25, $0x2;
	p2 =	slt.u32 s19, $0x2;
	s17 =	smulhi.u32 $0x2AAAAAAB, s31  }
0xe4: {  	s15 =	sadd.s32 s30, s15;
	p3 =	seq.s32 s23, $0x1;
	[sflag:s1] =	ssyncset.done $0x0  }
0xe5: {  	s17 =	smul.u32 $0x6, s17;
	s23 =	sadd.s32 $0x4, s19;
	[sflag:s1] =	ssyncadd.s32 $0xFFFFF000  }
0xe6: {  	s22 =	smul.u32 $0xFFFE8000, s22;
	s15 =	sshra.s32 s15, $0x1;
	p1 =	sge.u32 s23, s16  }
0xe7: {  	p3 =	por !p2, !p3;
	s17 =	ssub.s32 s31, s17;
	s23 =	sshrl.u32 @!p1 s26, $0x1  }
0xe8: {  	p3 =	por !p3, !p3;
	s26 =	sand.u32 $0x1, s19;
	s17 =	sshll.u32 s17, $0x9  }
0xe9: {  	s30 =	smulhi.u32 @!p1 $0x2AAAAAAB, s23;
	s17 =	sor.u32 s25, s17;
	s25 =	simm.s32 $0x1  }
0xea: {  	s22 =	sshra.s32 s22, $0x2;
	s25 =	simm.s32 @!p3 $0x0  }
0xeb: {  	s22 =	sadd.s32 s22, s21;
	s17 =	sadd.s32 $0x1F438, s17;
	s30 =	smul.u32 @!p1 $0x6, s30  }
0xec: {  	[spmem:s5] =	stream.indirect.scatter.add.f32 [tilespmem:s22], [sflag:$0x2], $0x20, s17, s28, $0xb8;
	v63 =	vld [tilespmem:$0x0]  }
0xed: {  	s31 =	simm.s32 @!p2 $0x2;
	s2 =	sand.u32 @!p1 $0x80, s2;
	s22 =	ssub.s32 @!p1 s23, s30  }
0xee: {  	[spmem:s6] =	stream.indirect.scatter.add.f32 [tilespmem:s7], [sflag:$0x2], $0x1, s17, s28, $0xb8;
	v63 =	vld [tilespmem:$0x0]  }
0xef: {  	p3 =	seq.s32 s26, $0x1;
	s17 =	sshll.u32 @!p1 s22, $0x9;
	_ =	swait.ge @!p2 [sflag:s31], $0x1000  }
0xf0: {  	s15 =	ssub.s32 s15, s25;
	s2 =	sor.u32 @!p1 s2, s17;
	[sflag:s31] =	ssyncset.done @!p2 $0x0  }
0xf1: {  	s25 =	sadd.s32 @!p1 $0x1F338, s2;
	s2 =	sadd.s32 $0x5, s15;
	[sflag:s31] =	ssyncadd.s32 @!p2 $0xFFFFF000  }
0xf2: {  	p5 =	por !p3, !p3;
	s22 =	sadd.s32 $0x1, s19;
	_ =	swait.ge @!p2 [sflag:s31], $0x80  }
0xf3: {  	p4 =	por !p3, p1;
	p3 =	sge.s32 s2, s3;
	[sflag:s31] =	ssyncset.done @!p2 $0x0  }
0xf4: {  	[sflag:s31] =	ssyncadd.s32 @!p2 $0xFFFFFF80;
	p2 =	por p3, p5  }
0xf5: {  	s15 =	simm.s32 @!p4 $0x3;
	p3 =	seq.s32 s22, s16;
	s17 =	smulhi.u32 @!p2 $0xAAAAAAAB, s2  }
.Ltmp7:
0xf6: {  	_ =	swait.ge @!p4 [sflag:s15], $0x200;
	(pc) =	sbr.rel @!p3 .LBB2_3-.Ltmp7, $4  }
0xf7: {  	s26 =	sshra.s32 s24, $0x2;
	s23 =	sshll.u32 @!p2 s2, $0x8;
	[sflag:s15] =	ssyncset.done @!p4 $0x0  }
0xf8: {  	[sflag:s15] =	ssyncadd.s32 @!p4 $0xFFFFFE00;
	s15 =	sadd.s32 @!p2 s18, s23;
	s17 =	sshrl.u32 @!p2 s17, $0x2  }
0xf9: {  	s24 =	simm.s32 @!p1 $0x80;
	s23 =	smul.u32 @!p2 $0x6, s17;
	s15 =	sshrl.u32 @!p2 s15, $0x3  }
0xfa: {  	s20 =	sadd.s32 $0x1, s20;
	s21 =	sadd.s32 $0x1000, s21;
	s26 =	sadd.s32 s26, s12  }
.Ltmp8:
0xfb: {  	_ = 	snop;
	(pc) =	sbr.rel .LBB2_4-.Ltmp8, $1  }
0xfc: {  	_ =	sdelay $0x3  }
.LBB2_9:
0xfd: {  	_ =	sfence.sel $0x180000  }
0xfe: {  	[bflag:$0x0] =	sbarrier.arrive $0xFFFF  }
0xff: {  	_ =	strace $0x90000047  }
0x100: {  	s0 =	stileid.u32;
	[bflag:$0x2] =	sbarrier.arrive $0xFFFF  }
0x101: {  	p0 =	sne.s32 s0, $0x0;
	s0 =	rddreg [dreg:$0x7]  }
0x102: {  	s0 =	sadd.s32 @!p0 $0x100000, s0  }
0x103: {  	[sflag:s0] =	ssyncadd.tile.s32 @!p0 $0x1;
	_ =	shalt  }
.Lfunc_end2:
_tile_overlayer_lowered:
.L_overlay_start_2:
0x104: {  	(tag) =	ssettag $0x2  }
0x105: {  	s0 =	rddreg [dreg:$0x0];
	s2 =	stileid.u32  }
0x106: {  	s1 =	rddreg [dreg:$0x1];
	p0 =	sne.s32 s2, $0x0  }
0x107: {  	s3 =	rddreg [dreg:$0x2];
	[bflag:$0x3] =	sbarrier.arrive $0xFFFF;
	s2 =	simm.s32 @!p0 $0x1C04  }
0x108: {  	[timem:s3], [sflag:s2] =	dma.local @!p0 [hbm:s0], s1  }
0x109: {  	s0 =	simm.s32 @!p0 $0x4  }
0x10a: {  	_ =	swait.ge @!p0 [sflag:s0], s1  }
0x10b: {  	s1 =	ssub.s32 @!p0 $0x0, s1;
	[sflag:s0] =	ssyncset.done @!p0 $0x0  }
0x10c: {  	[sflag:s0] =	ssyncadd.s32 @!p0 s1  }
0x10d: {  	[bflag:$0x3] =	sbarrier.arrive $0xFFFF  }
0x10e: {  	_ =	shalt  }

</sc_bundles>
